<compile_context>
chip_gen: v7x
topology: tpu7x:2x2x1
jax: 0.10.2.dev20260603
libtpu: 0.0.44.dev20260713+nightly
codegen_flags: <defaults>
</compile_context>

<pallas_src>
import functools

import jax
import jax.numpy as jnp
from jax import lax
from jax.experimental import pallas as pl
from jax.experimental.pallas import tpu as pltpu
from jax.experimental.pallas import tpu_sc as plsc

_N = 10000
_E = 320000
_D = 128
_C = 40

_NP = 10240
_RT = _NP // 16
_DUMMY = _N

_K = 128
_CH = 80
_BC = 16
_NBLK = _CH // _BC
_EP = 2 * 16 * _CH * _K

_BLK = 512



_sc_mesh = plsc.VectorSubcoreMesh(core_axis_name="c", subcore_axis_name="s")


@functools.partial(
    pl.kernel,
    mesh=_sc_mesh,
    out_type=jax.ShapeDtypeStruct((2, _NP, _D), jnp.float32),
    scratch_types=[
        pltpu.VMEM((2, _BC, _K), jnp.int32),
        pltpu.VMEM((2, _BC, _K), jnp.int32),
        pltpu.VMEM((_K, _D), jnp.float32),
        pltpu.VMEM((_K, _D), jnp.float32),
        pltpu.VMEM((40, _D), jnp.float32),
        pltpu.VMEM_SHARED((_NP, _D), jnp.float32),
        pltpu.SemaphoreType.DMA,
        pltpu.SemaphoreType.DMA,
        pltpu.SemaphoreType.DMA,
        pltpu.SemaphoreType.DMA,
    ],
)
def _sc_propagate(y_hbm, src_hbm, dst_hbm, zeros_hbm, out_hbm,
                  src_b, dst_b, rows0, rows1, zbuf, acc,
                  sem0, sem1, isem, zsem):
    cid = lax.axis_index("c")
    sid = lax.axis_index("s")
    row0 = sid * _RT

    pltpu.async_copy(src_hbm.at[cid, sid, 0], src_b.at[0], isem)
    pltpu.async_copy(dst_hbm.at[cid, sid, 0], dst_b.at[0], isem)
    pltpu.async_copy(src_hbm.at[cid, sid, 1], src_b.at[1], isem)
    pltpu.async_copy(dst_hbm.at[cid, sid, 1], dst_b.at[1], isem)

    pltpu.sync_copy(zeros_hbm, zbuf)

    def zbody(i, carry):
        pltpu.async_copy(zbuf, acc.at[pl.ds(row0 + 40 * i, 40)], zsem)
        return carry

    lax.fori_loop(0, _RT // 40, zbody, 0)

    for _ in range(2):
        pltpu.make_async_copy(src_hbm.at[cid, sid, 0], src_b.at[0],
                              isem).wait()
        pltpu.make_async_copy(dst_hbm.at[cid, sid, 0], dst_b.at[0],
                              isem).wait()

    pltpu.async_copy(y_hbm.at[src_b.at[0, 0]], rows0, sem0)
    pltpu.async_copy(y_hbm.at[src_b.at[0, 1]], rows1, sem1)

    def zdrain(i, carry):
        pltpu.make_async_copy(zbuf, acc.at[pl.ds(row0, 40)],
                              zsem).wait()
        return carry

    lax.fori_loop(0, _RT // 40, zdrain, 0)
    plsc.subcore_barrier()

    def body(g, carry):
        c0 = 2 * g

        @pl.when((c0 % _BC == 0) & (c0 > 0) & (c0 < (_NBLK - 1) * _BC))
        def _():
            k1 = c0 // _BC + 1
            pltpu.async_copy(src_hbm.at[cid, sid, k1],
                             src_b.at[k1 % 2], isem)
            pltpu.async_copy(dst_hbm.at[cid, sid, k1],
                             dst_b.at[k1 % 2], isem)

        @pl.when(((c0 + 2) % _BC == 0) & (c0 + 2 >= 2 * _BC)
                 & (c0 + 2 < _CH))
        def _():
            pltpu.make_async_copy(src_hbm.at[cid, sid, 0], src_b.at[0],
                                  isem).wait()
            pltpu.make_async_copy(dst_hbm.at[cid, sid, 0], dst_b.at[0],
                                  isem).wait()

        par = (c0 // _BC) % 2
        ci = c0 % _BC

        pltpu.make_async_copy(y_hbm.at[src_b.at[0, 0]], rows0, sem0).wait()
        pltpu.sync_copy(rows0, acc.at[dst_b.at[par, ci]], add=True)

        @pl.when(c0 + 2 < _CH)
        def _():
            cn = c0 + 2
            pltpu.async_copy(y_hbm.at[src_b.at[(cn // _BC) % 2, cn % _BC]],
                             rows0, sem0)

        pltpu.make_async_copy(y_hbm.at[src_b.at[0, 0]], rows1, sem1).wait()
        pltpu.sync_copy(rows1, acc.at[dst_b.at[par, ci + 1]], add=True)

        @pl.when(c0 + 3 < _CH)
        def _():
            cn = c0 + 3
            pltpu.async_copy(y_hbm.at[src_b.at[(cn // _BC) % 2, cn % _BC]],
                             rows1, sem1)

        return carry

    lax.fori_loop(0, _CH // 2, body, 0)
    plsc.subcore_barrier()
    pltpu.sync_copy(acc.at[pl.ds(row0, _RT)],
                    out_hbm.at[cid, pl.ds(row0, _RT)])



def _mm_first_body(x_ref, w_ref, o_ref):
    o_ref[...] = lax.dot_general(
        x_ref[...], w_ref[...], (((1,), (0,)), ((), ())),
        precision=lax.Precision.HIGHEST, preferred_element_type=jnp.float32)


def _mm_mid_body(p_ref, b_ref, w_ref, o_ref):
    h = jnp.maximum(p_ref[0] + p_ref[1] + b_ref[...], 0.0)
    o_ref[...] = lax.dot_general(
        h, w_ref[...], (((1,), (0,)), ((), ())),
        precision=lax.Precision.HIGHEST, preferred_element_type=jnp.float32)


def _relu_body(p_ref, b_ref, o_ref):
    o_ref[...] = jnp.maximum(p_ref[0] + p_ref[1] + b_ref[...], 0.0)


def _mm_first(x, w):
    return pl.pallas_call(
        _mm_first_body,
        grid=(_NP // _BLK,),
        in_specs=[
            pl.BlockSpec((_BLK, _D), lambda i: (i, 0)),
            pl.BlockSpec((_D, _D), lambda i: (0, 0)),
        ],
        out_specs=pl.BlockSpec((_BLK, _D), lambda i: (i, 0)),
        out_shape=jax.ShapeDtypeStruct((_NP, _D), jnp.float32),
    )(x, w)


def _mm_mid(p, b, w):
    return pl.pallas_call(
        _mm_mid_body,
        grid=(_NP // _BLK,),
        in_specs=[
            pl.BlockSpec((2, _BLK, _D), lambda i: (0, i, 0)),
            pl.BlockSpec((1, _D), lambda i: (0, 0)),
            pl.BlockSpec((_D, _D), lambda i: (0, 0)),
        ],
        out_specs=pl.BlockSpec((_BLK, _D), lambda i: (i, 0)),
        out_shape=jax.ShapeDtypeStruct((_NP, _D), jnp.float32),
    )(p, b.reshape(1, _D), w)


def _relu_out(p, b):
    return pl.pallas_call(
        _relu_body,
        grid=(_NP // _BLK,),
        in_specs=[
            pl.BlockSpec((2, _BLK, _D), lambda i: (0, i, 0)),
            pl.BlockSpec((1, _D), lambda i: (0, 0)),
        ],
        out_specs=pl.BlockSpec((_BLK, _D), lambda i: (i, 0)),
        out_shape=jax.ShapeDtypeStruct((_NP, _D), jnp.float32),
    )(p, b.reshape(1, _D))



def kernel(features, edge_index, W1, b1, W2, b2, W3, b3):
    f = jnp.pad(features, ((0, _NP - _N), (0, 0)))
    src = jnp.pad(edge_index[0],
                  (0, _EP - _E)).reshape(2, 16, _NBLK, _BC, _K)
    dst = jnp.pad(edge_index[1], (0, _EP - _E),
                  constant_values=_DUMMY).reshape(2, 16, _NBLK, _BC, _K)
    w3p = jnp.pad(W3, ((0, 0), (0, _D - _C)))
    b3p = jnp.pad(b3, (0, _D - _C))
    z = jnp.zeros((40, _D), jnp.float32)

    y1 = _mm_first(f, W1)
    p1 = _sc_propagate(y1, src, dst, z)
    y2 = _mm_mid(p1, b1, W2)
    p2 = _sc_propagate(y2, src, dst, z)
    y3 = _mm_mid(p2, b2, w3p)
    p3 = _sc_propagate(y3, src, dst, z)
    out = _relu_out(p3, b3p)
    return out[:_N, :_C]

# --- scband reference (transcript-rebuilt; emitter-appended) ---
"""Pipeline reference for scband-gcn-33569464386076 (READ-ONLY COPY).

The authoritative reference and input builder live on the scoring server;
editing this copy changes nothing except your own understanding.
"""

import jax, jax.numpy as jnp
import numpy as np

N = 10000
E = 320000
D = 128
H = 128
C = 40


def setup_inputs(seed: int = 0) -> dict:
    key = jax.random.key(seed)
    ks = jax.random.split(key, 8)
    features = jax.random.normal(ks[0], (N, D), dtype=jnp.float32)
    edge_index = jax.random.randint(ks[1], (2, E), 0, N, dtype=jnp.int32)
    W1 = jax.random.normal(ks[2], (D, H), dtype=jnp.float32) / np.sqrt(D)
    b1 = jnp.zeros((H,), dtype=jnp.float32)
    W2 = jax.random.normal(ks[3], (H, H), dtype=jnp.float32) / np.sqrt(H)
    b2 = jnp.zeros((H,), dtype=jnp.float32)
    W3 = jax.random.normal(ks[4], (H, C), dtype=jnp.float32) / np.sqrt(H)
    b3 = jnp.zeros((C,), dtype=jnp.float32)
    return {"features": features, "edge_index": edge_index,
            "W1": W1, "b1": b1, "W2": W2, "b2": b2, "W3": W3, "b3": b3}


def _gcn_layer(feat, edge_index, W, b):
    # dgl: copy_u(u='h', out='m') then sum(msg='m', out='h')
    # i.e. h_dst = sum over incoming edges of h_src, then Linear
    src = edge_index[0]
    dst = edge_index[1]
    msg = jnp.take(feat, src, axis=0)                 # gather (copy_u)
    agg = jax.ops.segment_sum(msg, dst, num_segments=N)  # scatter-add reduce
    return agg @ W + b                                 # nn.Linear


def reference(features, edge_index, W1, b1, W2, b2, W3, b3):
    x = jax.nn.relu(_gcn_layer(features, edge_index, W1, b1))
    x = jax.nn.relu(_gcn_layer(x, edge_index, W2, b2))
    x = jax.nn.relu(_gcn_layer(x, edge_index, W3, b3))
    return x

if __name__ == "__main__":
    import jax
    _d = setup_inputs()
    print(jax.jit(kernel)(*tuple(_d.values())))

</pallas_src>

<mosaic_0001>
#map = affine_map<(d0, d1) -> (0, 0)>
#map1 = affine_map<(d0, d1) -> (0, 0, 0, 0, 0)>
#map2 = affine_map<(d0, d1) -> (0, 0, 0)>
module attributes {stable_mosaic.version = 14 : i64} {
  func.func @_sc_propagate(%arg0: i32, %arg1: i32, %arg2: memref<10240x128xf32, #tpu.memory_space<hbm>>, %arg3: memref<2x16x5x16x128xi32, #tpu.memory_space<hbm>>, %arg4: memref<2x16x5x16x128xi32, #tpu.memory_space<hbm>>, %arg5: memref<40x128xf32, #tpu.memory_space<hbm>>, %arg6: memref<2x10240x128xf32, #tpu.memory_space<hbm>>, %arg7: memref<2x16x128xi32, #tpu.memory_space<vmem>>, %arg8: memref<2x16x128xi32, #tpu.memory_space<vmem>>, %arg9: memref<128x128xf32, #tpu.memory_space<vmem>>, %arg10: memref<128x128xf32, #tpu.memory_space<vmem>>, %arg11: memref<40x128xf32, #tpu.memory_space<vmem>>, %arg12: memref<10240x128xf32, #tpu.memory_space<vmem_shared>>, %arg13: memref<!tpu.dma_semaphore, #tpu.memory_space<semaphore_mem>>, %arg14: memref<!tpu.dma_semaphore, #tpu.memory_space<semaphore_mem>>, %arg15: memref<!tpu.dma_semaphore, #tpu.memory_space<semaphore_mem>>, %arg16: memref<!tpu.dma_semaphore, #tpu.memory_space<semaphore_mem>>) attributes {dimension_semantics = [#tpu.dimension_semantics<core_parallel>, #tpu.dimension_semantics<subcore_parallel>], iteration_bounds = array<i64: 2, 16>, scalar_prefetch = 0 : i64, scratch_operands = 10 : i64, tpu.core_type = #tpu.core_type<sc_vector_subcore>, window_params = [{transform_indices = #map}, {transform_indices = #map1}, {transform_indices = #map1}, {transform_indices = #map}, {transform_indices = #map2}]} {
    %mul3A = arith.constant 640 : i32
    %mul3A_0 = arith.muli %arg1, %mul3A : i32
    %dma_start3A = arith.constant 0 : i32
    %dma_start3A_1 = arith.constant 0 : i32
    %dma_start3A_2 = arith.constant 0 : i32
    %dma_start3A_3 = arith.constant 0 : i32
    %dma_start3A_4 = tpu.memref_slice %arg7[%dma_start3A_1, %dma_start3A_2, %dma_start3A_3] : memref<2x16x128xi32, #tpu.memory_space<vmem>> -> memref<1x16x128xi32, #tpu.memory_space<vmem>>
    %dma_start3A_5 = tpu.memref_squeeze %dma_start3A_4 : memref<1x16x128xi32, #tpu.memory_space<vmem>> -> memref<16x128xi32, #tpu.memory_space<vmem>>
    %dma_start3A_6 = arith.constant 0 : i32
    %dma_start3A_7 = arith.constant 0 : i32
    %dma_start3A_8 = tpu.memref_slice %arg3[%arg0, %arg1, %dma_start3A, %dma_start3A_6, %dma_start3A_7] : memref<2x16x5x16x128xi32, #tpu.memory_space<hbm>> -> memref<1x1x1x16x128xi32, #tpu.memory_space<hbm>>
    %dma_start3A_9 = tpu.memref_squeeze %dma_start3A_8 : memref<1x1x1x16x128xi32, #tpu.memory_space<hbm>> -> memref<16x128xi32, #tpu.memory_space<hbm>>
    %dma_start3A_10 = arith.constant 0 : i32
    %dma_start3A_11 = arith.constant 0 : i32
    %dma_start3A_12 = tpu.memref_slice %arg7[%dma_start3A_1, %dma_start3A_10, %dma_start3A_11] : memref<2x16x128xi32, #tpu.memory_space<vmem>> -> memref<1x16x128xi32, #tpu.memory_space<vmem>>
    %dma_start3A_13 = tpu.memref_squeeze %dma_start3A_12 : memref<1x16x128xi32, #tpu.memory_space<vmem>> -> memref<16x128xi32, #tpu.memory_space<vmem>>
    %dma_start3A_14 = arith.constant 0 : i32
    %dma_start3A_15 = arith.constant 0 : i32
    %dma_start3A_16 = tpu.memref_slice %arg3[%arg0, %arg1, %dma_start3A, %dma_start3A_14, %dma_start3A_15] : memref<2x16x5x16x128xi32, #tpu.memory_space<hbm>> -> memref<1x1x1x16x128xi32, #tpu.memory_space<hbm>>
    %dma_start3A_17 = tpu.memref_squeeze %dma_start3A_16 : memref<1x1x1x16x128xi32, #tpu.memory_space<hbm>> -> memref<16x128xi32, #tpu.memory_space<hbm>>
    tpu.enqueue_dma source(%dma_start3A_17 : memref<16x128xi32, #tpu.memory_space<hbm>>) target(%dma_start3A_13 : memref<16x128xi32, #tpu.memory_space<vmem>>) target_semaphore(%arg15 : memref<!tpu.dma_semaphore, #tpu.memory_space<semaphore_mem>>)
    %dma_start3A_18 = arith.constant 0 : i32
    %dma_start3A_19 = arith.constant 0 : i32
    %dma_start3A_20 = arith.constant 0 : i32
    %dma_start3A_21 = arith.constant 0 : i32
    %dma_start3A_22 = tpu.memref_slice %arg8[%dma_start3A_19, %dma_start3A_20, %dma_start3A_21] : memref<2x16x128xi32, #tpu.memory_space<vmem>> -> memref<1x16x128xi32, #tpu.memory_space<vmem>>
    %dma_start3A_23 = tpu.memref_squeeze %dma_start3A_22 : memref<1x16x128xi32, #tpu.memory_space<vmem>> -> memref<16x128xi32, #tpu.memory_space<vmem>>
    %dma_start3A_24 = arith.constant 0 : i32
    %dma_start3A_25 = arith.constant 0 : i32
    %dma_start3A_26 = tpu.memref_slice %arg4[%arg0, %arg1, %dma_start3A_18, %dma_start3A_24, %dma_start3A_25] : memref<2x16x5x16x128xi32, #tpu.memory_space<hbm>> -> memref<1x1x1x16x128xi32, #tpu.memory_space<hbm>>
    %dma_start3A_27 = tpu.memref_squeeze %dma_start3A_26 : memref<1x1x1x16x128xi32, #tpu.memory_space<hbm>> -> memref<16x128xi32, #tpu.memory_space<hbm>>
    %dma_start3A_28 = arith.constant 0 : i32
    %dma_start3A_29 = arith.constant 0 : i32
    %dma_start3A_30 = tpu.memref_slice %arg8[%dma_start3A_19, %dma_start3A_28, %dma_start3A_29] : memref<2x16x128xi32, #tpu.memory_space<vmem>> -> memref<1x16x128xi32, #tpu.memory_space<vmem>>
    %dma_start3A_31 = tpu.memref_squeeze %dma_start3A_30 : memref<1x16x128xi32, #tpu.memory_space<vmem>> -> memref<16x128xi32, #tpu.memory_space<vmem>>
    %dma_start3A_32 = arith.constant 0 : i32
    %dma_start3A_33 = arith.constant 0 : i32
    %dma_start3A_34 = tpu.memref_slice %arg4[%arg0, %arg1, %dma_start3A_18, %dma_start3A_32, %dma_start3A_33] : memref<2x16x5x16x128xi32, #tpu.memory_space<hbm>> -> memref<1x1x1x16x128xi32, #tpu.memory_space<hbm>>
    %dma_start3A_35 = tpu.memref_squeeze %dma_start3A_34 : memref<1x1x1x16x128xi32, #tpu.memory_space<hbm>> -> memref<16x128xi32, #tpu.memory_space<hbm>>
    tpu.enqueue_dma source(%dma_start3A_35 : memref<16x128xi32, #tpu.memory_space<hbm>>) target(%dma_start3A_31 : memref<16x128xi32, #tpu.memory_space<vmem>>) target_semaphore(%arg15 : memref<!tpu.dma_semaphore, #tpu.memory_space<semaphore_mem>>)
    %dma_start3A_36 = arith.constant 1 : i32
    %dma_start3A_37 = arith.constant 1 : i32
    %dma_start3A_38 = arith.constant 0 : i32
    %dma_start3A_39 = arith.constant 0 : i32
    %dma_start3A_40 = tpu.memref_slice %arg7[%dma_start3A_37, %dma_start3A_38, %dma_start3A_39] : memref<2x16x128xi32, #tpu.memory_space<vmem>> -> memref<1x16x128xi32, #tpu.memory_space<vmem>>
    %dma_start3A_41 = tpu.memref_squeeze %dma_start3A_40 : memref<1x16x128xi32, #tpu.memory_space<vmem>> -> memref<16x128xi32, #tpu.memory_space<vmem>>
    %dma_start3A_42 = arith.constant 0 : i32
    %dma_start3A_43 = arith.constant 0 : i32
    %dma_start3A_44 = tpu.memref_slice %arg3[%arg0, %arg1, %dma_start3A_36, %dma_start3A_42, %dma_start3A_43] : memref<2x16x5x16x128xi32, #tpu.memory_space<hbm>> -> memref<1x1x1x16x128xi32, #tpu.memory_space<hbm>>
    %dma_start3A_45 = tpu.memref_squeeze %dma_start3A_44 : memref<1x1x1x16x128xi32, #tpu.memory_space<hbm>> -> memref<16x128xi32, #tpu.memory_space<hbm>>
    %dma_start3A_46 = arith.constant 0 : i32
    %dma_start3A_47 = arith.constant 0 : i32
    %dma_start3A_48 = tpu.memref_slice %arg7[%dma_start3A_37, %dma_start3A_46, %dma_start3A_47] : memref<2x16x128xi32, #tpu.memory_space<vmem>> -> memref<1x16x128xi32, #tpu.memory_space<vmem>>
    %dma_start3A_49 = tpu.memref_squeeze %dma_start3A_48 : memref<1x16x128xi32, #tpu.memory_space<vmem>> -> memref<16x128xi32, #tpu.memory_space<vmem>>
    %dma_start3A_50 = arith.constant 0 : i32
    %dma_start3A_51 = arith.constant 0 : i32
    %dma_start3A_52 = tpu.memref_slice %arg3[%arg0, %arg1, %dma_start3A_36, %dma_start3A_50, %dma_start3A_51] : memref<2x16x5x16x128xi32, #tpu.memory_space<hbm>> -> memref<1x1x1x16x128xi32, #tpu.memory_space<hbm>>
    %dma_start3A_53 = tpu.memref_squeeze %dma_start3A_52 : memref<1x1x1x16x128xi32, #tpu.memory_space<hbm>> -> memref<16x128xi32, #tpu.memory_space<hbm>>
    tpu.enqueue_dma source(%dma_start3A_53 : memref<16x128xi32, #tpu.memory_space<hbm>>) target(%dma_start3A_49 : memref<16x128xi32, #tpu.memory_space<vmem>>) target_semaphore(%arg15 : memref<!tpu.dma_semaphore, #tpu.memory_space<semaphore_mem>>)
    %dma_start3A_54 = arith.constant 1 : i32
    %dma_start3A_55 = arith.constant 1 : i32
    %dma_start3A_56 = arith.constant 0 : i32
    %dma_start3A_57 = arith.constant 0 : i32
    %dma_start3A_58 = tpu.memref_slice %arg8[%dma_start3A_55, %dma_start3A_56, %dma_start3A_57] : memref<2x16x128xi32, #tpu.memory_space<vmem>> -> memref<1x16x128xi32, #tpu.memory_space<vmem>>
    %dma_start3A_59 = tpu.memref_squeeze %dma_start3A_58 : memref<1x16x128xi32, #tpu.memory_space<vmem>> -> memref<16x128xi32, #tpu.memory_space<vmem>>
    %dma_start3A_60 = arith.constant 0 : i32
    %dma_start3A_61 = arith.constant 0 : i32
    %dma_start3A_62 = tpu.memref_slice %arg4[%arg0, %arg1, %dma_start3A_54, %dma_start3A_60, %dma_start3A_61] : memref<2x16x5x16x128xi32, #tpu.memory_space<hbm>> -> memref<1x1x1x16x128xi32, #tpu.memory_space<hbm>>
    %dma_start3A_63 = tpu.memref_squeeze %dma_start3A_62 : memref<1x1x1x16x128xi32, #tpu.memory_space<hbm>> -> memref<16x128xi32, #tpu.memory_space<hbm>>
    %dma_start3A_64 = arith.constant 0 : i32
    %dma_start3A_65 = arith.constant 0 : i32
    %dma_start3A_66 = tpu.memref_slice %arg8[%dma_start3A_55, %dma_start3A_64, %dma_start3A_65] : memref<2x16x128xi32, #tpu.memory_space<vmem>> -> memref<1x16x128xi32, #tpu.memory_space<vmem>>
    %dma_start3A_67 = tpu.memref_squeeze %dma_start3A_66 : memref<1x16x128xi32, #tpu.memory_space<vmem>> -> memref<16x128xi32, #tpu.memory_space<vmem>>
    %dma_start3A_68 = arith.constant 0 : i32
    %dma_start3A_69 = arith.constant 0 : i32
    %dma_start3A_70 = tpu.memref_slice %arg4[%arg0, %arg1, %dma_start3A_54, %dma_start3A_68, %dma_start3A_69] : memref<2x16x5x16x128xi32, #tpu.memory_space<hbm>> -> memref<1x1x1x16x128xi32, #tpu.memory_space<hbm>>
    %dma_start3A_71 = tpu.memref_squeeze %dma_start3A_70 : memref<1x1x1x16x128xi32, #tpu.memory_space<hbm>> -> memref<16x128xi32, #tpu.memory_space<hbm>>
    tpu.enqueue_dma source(%dma_start3A_71 : memref<16x128xi32, #tpu.memory_space<hbm>>) target(%dma_start3A_67 : memref<16x128xi32, #tpu.memory_space<vmem>>) target_semaphore(%arg15 : memref<!tpu.dma_semaphore, #tpu.memory_space<semaphore_mem>>)
    "tpu.region"() ({
      %run_scoped3A = tpu.sem_alloc : memref<!tpu.dma_semaphore, #tpu.memory_space<semaphore_mem>>
      tpu.enqueue_dma source(%arg5 : memref<40x128xf32, #tpu.memory_space<hbm>>) target(%arg11 : memref<40x128xf32, #tpu.memory_space<vmem>>) target_semaphore(%run_scoped3A : memref<!tpu.dma_semaphore, #tpu.memory_space<semaphore_mem>>)
      tpu.wait_dma2 semaphore(%run_scoped3A : memref<!tpu.dma_semaphore, #tpu.memory_space<semaphore_mem>>) src(%arg5 : memref<40x128xf32, #tpu.memory_space<hbm>>) dst(%arg11 : memref<40x128xf32, #tpu.memory_space<vmem>>)
      tpu.yield
    }) : () -> ()
    %scan3A = arith.constant 0 : i32
    %scan3A_72 = arith.constant 0 : i32
    %scan3A_73 = arith.constant 16 : i32
    %scan3A_74 = arith.addi %scan3A_72, %scan3A_73 : i32
    %scan3A_75 = arith.constant 1 : i32
    scf.for %scan3A_177 = %scan3A_72 to %scan3A_74 step %scan3A_75  : i32 {
      %mul3A_178 = arith.constant 40 : i32
      %mul3A_179 = arith.muli %mul3A_178, %scan3A_177 : i32
      %add3A = arith.addi %mul3A_0, %mul3A_179 : i32
      %dma_start3A_180 = arith.constant 0 : i32
      %dma_start3A_181 = tpu.memref_slice %arg12[%add3A, %dma_start3A_180] : memref<10240x128xf32, #tpu.memory_space<vmem_shared>> -> memref<40x128xf32, #tpu.memory_space<vmem_shared>>
      %dma_start3A_182 = arith.constant 0 : i32
      %dma_start3A_183 = tpu.memref_slice %arg12[%add3A, %dma_start3A_182] : memref<10240x128xf32, #tpu.memory_space<vmem_shared>> -> memref<40x128xf32, #tpu.memory_space<vmem_shared>>
      tpu.enqueue_dma source(%arg11 : memref<40x128xf32, #tpu.memory_space<vmem>>) target(%dma_start3A_183 : memref<40x128xf32, #tpu.memory_space<vmem_shared>>) target_semaphore(%arg16 : memref<!tpu.dma_semaphore, #tpu.memory_space<semaphore_mem>>)
    }
    %scan3A_76 = arith.constant 16 : i32
    %dma_wait3A = arith.constant 0 : i32
    %dma_wait3A_77 = arith.constant 0 : i32
    %dma_wait3A_78 = arith.constant 0 : i32
    %dma_wait3A_79 = arith.constant 0 : i32
    %dma_wait3A_80 = tpu.memref_slice %arg7[%dma_wait3A_77, %dma_wait3A_78, %dma_wait3A_79] : memref<2x16x128xi32, #tpu.memory_space<vmem>> -> memref<1x16x128xi32, #tpu.memory_space<vmem>>
    %dma_wait3A_81 = tpu.memref_squeeze %dma_wait3A_80 : memref<1x16x128xi32, #tpu.memory_space<vmem>> -> memref<16x128xi32, #tpu.memory_space<vmem>>
    %dma_wait3A_82 = arith.constant 0 : i32
    %dma_wait3A_83 = arith.constant 0 : i32
    %dma_wait3A_84 = tpu.memref_slice %arg3[%arg0, %arg1, %dma_wait3A, %dma_wait3A_82, %dma_wait3A_83] : memref<2x16x5x16x128xi32, #tpu.memory_space<hbm>> -> memref<1x1x1x16x128xi32, #tpu.memory_space<hbm>>
    %dma_wait3A_85 = tpu.memref_squeeze %dma_wait3A_84 : memref<1x1x1x16x128xi32, #tpu.memory_space<hbm>> -> memref<16x128xi32, #tpu.memory_space<hbm>>
    %dma_wait3A_86 = arith.constant 0 : i32
    %dma_wait3A_87 = arith.constant 0 : i32
    %dma_wait3A_88 = tpu.memref_slice %arg7[%dma_wait3A_77, %dma_wait3A_86, %dma_wait3A_87] : memref<2x16x128xi32, #tpu.memory_space<vmem>> -> memref<1x16x128xi32, #tpu.memory_space<vmem>>
    %dma_wait3A_89 = tpu.memref_squeeze %dma_wait3A_88 : memref<1x16x128xi32, #tpu.memory_space<vmem>> -> memref<16x128xi32, #tpu.memory_space<vmem>>
    %dma_wait3A_90 = arith.constant 0 : i32
    %dma_wait3A_91 = arith.constant 0 : i32
    %dma_wait3A_92 = tpu.memref_slice %arg3[%arg0, %arg1, %dma_wait3A, %dma_wait3A_90, %dma_wait3A_91] : memref<2x16x5x16x128xi32, #tpu.memory_space<hbm>> -> memref<1x1x1x16x128xi32, #tpu.memory_space<hbm>>
    %dma_wait3A_93 = tpu.memref_squeeze %dma_wait3A_92 : memref<1x1x1x16x128xi32, #tpu.memory_space<hbm>> -> memref<16x128xi32, #tpu.memory_space<hbm>>
    tpu.wait_dma2 semaphore(%arg15 : memref<!tpu.dma_semaphore, #tpu.memory_space<semaphore_mem>>) src(%dma_wait3A_93 : memref<16x128xi32, #tpu.memory_space<hbm>>) dst(%dma_wait3A_89 : memref<16x128xi32, #tpu.memory_space<vmem>>)
    %dma_wait3A_94 = arith.constant 0 : i32
    %dma_wait3A_95 = arith.constant 0 : i32
    %dma_wait3A_96 = arith.constant 0 : i32
    %dma_wait3A_97 = arith.constant 0 : i32
    %dma_wait3A_98 = tpu.memref_slice %arg8[%dma_wait3A_95, %dma_wait3A_96, %dma_wait3A_97] : memref<2x16x128xi32, #tpu.memory_space<vmem>> -> memref<1x16x128xi32, #tpu.memory_space<vmem>>
    %dma_wait3A_99 = tpu.memref_squeeze %dma_wait3A_98 : memref<1x16x128xi32, #tpu.memory_space<vmem>> -> memref<16x128xi32, #tpu.memory_space<vmem>>
    %dma_wait3A_100 = arith.constant 0 : i32
    %dma_wait3A_101 = arith.constant 0 : i32
    %dma_wait3A_102 = tpu.memref_slice %arg4[%arg0, %arg1, %dma_wait3A_94, %dma_wait3A_100, %dma_wait3A_101] : memref<2x16x5x16x128xi32, #tpu.memory_space<hbm>> -> memref<1x1x1x16x128xi32, #tpu.memory_space<hbm>>
    %dma_wait3A_103 = tpu.memref_squeeze %dma_wait3A_102 : memref<1x1x1x16x128xi32, #tpu.memory_space<hbm>> -> memref<16x128xi32, #tpu.memory_space<hbm>>
    %dma_wait3A_104 = arith.constant 0 : i32
    %dma_wait3A_105 = arith.constant 0 : i32
    %dma_wait3A_106 = tpu.memref_slice %arg8[%dma_wait3A_95, %dma_wait3A_104, %dma_wait3A_105] : memref<2x16x128xi32, #tpu.memory_space<vmem>> -> memref<1x16x128xi32, #tpu.memory_space<vmem>>
    %dma_wait3A_107 = tpu.memref_squeeze %dma_wait3A_106 : memref<1x16x128xi32, #tpu.memory_space<vmem>> -> memref<16x128xi32, #tpu.memory_space<vmem>>
    %dma_wait3A_108 = arith.constant 0 : i32
    %dma_wait3A_109 = arith.constant 0 : i32
    %dma_wait3A_110 = tpu.memref_slice %arg4[%arg0, %arg1, %dma_wait3A_94, %dma_wait3A_108, %dma_wait3A_109] : memref<2x16x5x16x128xi32, #tpu.memory_space<hbm>> -> memref<1x1x1x16x128xi32, #tpu.memory_space<hbm>>
    %dma_wait3A_111 = tpu.memref_squeeze %dma_wait3A_110 : memref<1x1x1x16x128xi32, #tpu.memory_space<hbm>> -> memref<16x128xi32, #tpu.memory_space<hbm>>
    tpu.wait_dma2 semaphore(%arg15 : memref<!tpu.dma_semaphore, #tpu.memory_space<semaphore_mem>>) src(%dma_wait3A_111 : memref<16x128xi32, #tpu.memory_space<hbm>>) dst(%dma_wait3A_107 : memref<16x128xi32, #tpu.memory_space<vmem>>)
    %dma_wait3A_112 = arith.constant 0 : i32
    %dma_wait3A_113 = arith.constant 0 : i32
    %dma_wait3A_114 = arith.constant 0 : i32
    %dma_wait3A_115 = arith.constant 0 : i32
    %dma_wait3A_116 = tpu.memref_slice %arg7[%dma_wait3A_113, %dma_wait3A_114, %dma_wait3A_115] : memref<2x16x128xi32, #tpu.memory_space<vmem>> -> memref<1x16x128xi32, #tpu.memory_space<vmem>>
    %dma_wait3A_117 = tpu.memref_squeeze %dma_wait3A_116 : memref<1x16x128xi32, #tpu.memory_space<vmem>> -> memref<16x128xi32, #tpu.memory_space<vmem>>
    %dma_wait3A_118 = arith.constant 0 : i32
    %dma_wait3A_119 = arith.constant 0 : i32
    %dma_wait3A_120 = tpu.memref_slice %arg3[%arg0, %arg1, %dma_wait3A_112, %dma_wait3A_118, %dma_wait3A_119] : memref<2x16x5x16x128xi32, #tpu.memory_space<hbm>> -> memref<1x1x1x16x128xi32, #tpu.memory_space<hbm>>
    %dma_wait3A_121 = tpu.memref_squeeze %dma_wait3A_120 : memref<1x1x1x16x128xi32, #tpu.memory_space<hbm>> -> memref<16x128xi32, #tpu.memory_space<hbm>>
    %dma_wait3A_122 = arith.constant 0 : i32
    %dma_wait3A_123 = arith.constant 0 : i32
    %dma_wait3A_124 = tpu.memref_slice %arg7[%dma_wait3A_113, %dma_wait3A_122, %dma_wait3A_123] : memref<2x16x128xi32, #tpu.memory_space<vmem>> -> memref<1x16x128xi32, #tpu.memory_space<vmem>>
    %dma_wait3A_125 = tpu.memref_squeeze %dma_wait3A_124 : memref<1x16x128xi32, #tpu.memory_space<vmem>> -> memref<16x128xi32, #tpu.memory_space<vmem>>
    %dma_wait3A_126 = arith.constant 0 : i32
    %dma_wait3A_127 = arith.constant 0 : i32
    %dma_wait3A_128 = tpu.memref_slice %arg3[%arg0, %arg1, %dma_wait3A_112, %dma_wait3A_126, %dma_wait3A_127] : memref<2x16x5x16x128xi32, #tpu.memory_space<hbm>> -> memref<1x1x1x16x128xi32, #tpu.memory_space<hbm>>
    %dma_wait3A_129 = tpu.memref_squeeze %dma_wait3A_128 : memref<1x1x1x16x128xi32, #tpu.memory_space<hbm>> -> memref<16x128xi32, #tpu.memory_space<hbm>>
    tpu.wait_dma2 semaphore(%arg15 : memref<!tpu.dma_semaphore, #tpu.memory_space<semaphore_mem>>) src(%dma_wait3A_129 : memref<16x128xi32, #tpu.memory_space<hbm>>) dst(%dma_wait3A_125 : memref<16x128xi32, #tpu.memory_space<vmem>>)
    %dma_wait3A_130 = arith.constant 0 : i32
    %dma_wait3A_131 = arith.constant 0 : i32
    %dma_wait3A_132 = arith.constant 0 : i32
    %dma_wait3A_133 = arith.constant 0 : i32
    %dma_wait3A_134 = tpu.memref_slice %arg8[%dma_wait3A_131, %dma_wait3A_132, %dma_wait3A_133] : memref<2x16x128xi32, #tpu.memory_space<vmem>> -> memref<1x16x128xi32, #tpu.memory_space<vmem>>
    %dma_wait3A_135 = tpu.memref_squeeze %dma_wait3A_134 : memref<1x16x128xi32, #tpu.memory_space<vmem>> -> memref<16x128xi32, #tpu.memory_space<vmem>>
    %dma_wait3A_136 = arith.constant 0 : i32
    %dma_wait3A_137 = arith.constant 0 : i32
    %dma_wait3A_138 = tpu.memref_slice %arg4[%arg0, %arg1, %dma_wait3A_130, %dma_wait3A_136, %dma_wait3A_137] : memref<2x16x5x16x128xi32, #tpu.memory_space<hbm>> -> memref<1x1x1x16x128xi32, #tpu.memory_space<hbm>>
    %dma_wait3A_139 = tpu.memref_squeeze %dma_wait3A_138 : memref<1x1x1x16x128xi32, #tpu.memory_space<hbm>> -> memref<16x128xi32, #tpu.memory_space<hbm>>
    %dma_wait3A_140 = arith.constant 0 : i32
    %dma_wait3A_141 = arith.constant 0 : i32
    %dma_wait3A_142 = tpu.memref_slice %arg8[%dma_wait3A_131, %dma_wait3A_140, %dma_wait3A_141] : memref<2x16x128xi32, #tpu.memory_space<vmem>> -> memref<1x16x128xi32, #tpu.memory_space<vmem>>
    %dma_wait3A_143 = tpu.memref_squeeze %dma_wait3A_142 : memref<1x16x128xi32, #tpu.memory_space<vmem>> -> memref<16x128xi32, #tpu.memory_space<vmem>>
    %dma_wait3A_144 = arith.constant 0 : i32
    %dma_wait3A_145 = arith.constant 0 : i32
    %dma_wait3A_146 = tpu.memref_slice %arg4[%arg0, %arg1, %dma_wait3A_130, %dma_wait3A_144, %dma_wait3A_145] : memref<2x16x5x16x128xi32, #tpu.memory_space<hbm>> -> memref<1x1x1x16x128xi32, #tpu.memory_space<hbm>>
    %dma_wait3A_147 = tpu.memref_squeeze %dma_wait3A_146 : memref<1x1x1x16x128xi32, #tpu.memory_space<hbm>> -> memref<16x128xi32, #tpu.memory_space<hbm>>
    tpu.wait_dma2 semaphore(%arg15 : memref<!tpu.dma_semaphore, #tpu.memory_space<semaphore_mem>>) src(%dma_wait3A_147 : memref<16x128xi32, #tpu.memory_space<hbm>>) dst(%dma_wait3A_143 : memref<16x128xi32, #tpu.memory_space<vmem>>)
    %dma_start3A_148 = arith.constant 0 : i32
    %dma_start3A_149 = arith.constant 0 : i32
    %dma_start3A_150 = arith.constant 0 : i32
    %dma_start3A_151 = tpu.memref_slice %arg7[%dma_start3A_148, %dma_start3A_149, %dma_start3A_150] : memref<2x16x128xi32, #tpu.memory_space<vmem>> -> memref<1x1x128xi32, #tpu.memory_space<vmem>>
    %dma_start3A_152 = tpu.memref_squeeze %dma_start3A_151 : memref<1x1x128xi32, #tpu.memory_space<vmem>> -> memref<128xi32, #tpu.memory_space<vmem>>
    %dma_start3A_153 = arith.constant 0 : i32
    %dma_start3A_154 = arith.constant 0 : i32
    %dma_start3A_155 = tpu.memref_slice %arg2[%dma_start3A_153, %dma_start3A_154] : memref<10240x128xf32, #tpu.memory_space<hbm>> -> memref<10240x128xf32, #tpu.memory_space<hbm>>
    tpu.enqueue_indirect_dma source(%dma_start3A_155 : memref<10240x128xf32, #tpu.memory_space<hbm>>) target(%arg9 : memref<128x128xf32, #tpu.memory_space<vmem>>) offsets(%dma_start3A_152 : memref<128xi32, #tpu.memory_space<vmem>>) semaphore(%arg13 : memref<!tpu.dma_semaphore, #tpu.memory_space<semaphore_mem>>)
    %dma_start3A_156 = arith.constant 0 : i32
    %dma_start3A_157 = arith.constant 1 : i32
    %dma_start3A_158 = arith.constant 0 : i32
    %dma_start3A_159 = tpu.memref_slice %arg7[%dma_start3A_156, %dma_start3A_157, %dma_start3A_158] : memref<2x16x128xi32, #tpu.memory_space<vmem>> -> memref<1x1x128xi32, #tpu.memory_space<vmem>>
    %dma_start3A_160 = tpu.memref_squeeze %dma_start3A_159 : memref<1x1x128xi32, #tpu.memory_space<vmem>> -> memref<128xi32, #tpu.memory_space<vmem>>
    %dma_start3A_161 = arith.constant 0 : i32
    %dma_start3A_162 = arith.constant 0 : i32
    %dma_start3A_163 = tpu.memref_slice %arg2[%dma_start3A_161, %dma_start3A_162] : memref<10240x128xf32, #tpu.memory_space<hbm>> -> memref<10240x128xf32, #tpu.memory_space<hbm>>
    tpu.enqueue_indirect_dma source(%dma_start3A_163 : memref<10240x128xf32, #tpu.memory_space<hbm>>) target(%arg10 : memref<128x128xf32, #tpu.memory_space<vmem>>) offsets(%dma_start3A_160 : memref<128xi32, #tpu.memory_space<vmem>>) semaphore(%arg14 : memref<!tpu.dma_semaphore, #tpu.memory_space<semaphore_mem>>)
    %scan3A_164 = arith.constant 0 : i32
    %scan3A_165 = arith.constant 0 : i32
    %scan3A_166 = arith.constant 16 : i32
    %scan3A_167 = arith.addi %scan3A_165, %scan3A_166 : i32
    %scan3A_168 = arith.constant 1 : i32
    scf.for %scan3A_177 = %scan3A_165 to %scan3A_167 step %scan3A_168  : i32 {
      %dma_wait3A_178 = arith.constant 0 : i32
      %dma_wait3A_179 = tpu.memref_slice %arg12[%mul3A_0, %dma_wait3A_178] : memref<10240x128xf32, #tpu.memory_space<vmem_shared>> -> memref<40x128xf32, #tpu.memory_space<vmem_shared>>
      %dma_wait3A_180 = arith.constant 0 : i32
      %dma_wait3A_181 = tpu.memref_slice %arg12[%mul3A_0, %dma_wait3A_180] : memref<10240x128xf32, #tpu.memory_space<vmem_shared>> -> memref<40x128xf32, #tpu.memory_space<vmem_shared>>
      tpu.wait_dma2 semaphore(%arg16 : memref<!tpu.dma_semaphore, #tpu.memory_space<semaphore_mem>>) src(%arg11 : memref<40x128xf32, #tpu.memory_space<vmem>>) dst(%dma_wait3A_181 : memref<40x128xf32, #tpu.memory_space<vmem_shared>>)
    }
    %scan3A_169 = arith.constant 16 : i32
    %barrier3A = arith.constant 0 : index
    tpu.barrier barrier_id(%barrier3A)
    %scan3A_170 = arith.constant 0 : i32
    %scan3A_171 = arith.constant 0 : i32
    %scan3A_172 = arith.constant 40 : i32
    %scan3A_173 = arith.addi %scan3A_171, %scan3A_172 : i32
    %scan3A_174 = arith.constant 1 : i32
    scf.for %scan3A_177 = %scan3A_171 to %scan3A_173 step %scan3A_174  : i32 {
      %mul3A_178 = arith.constant 2 : i32
      %mul3A_179 = arith.muli %mul3A_178, %scan3A_177 : i32
      %jit3A = arith.constant 16 : i32
      %eq3A = arith.constant 0 : i32
      %eq3A_180 = arith.cmpi eq, %jit3A, %eq3A : i32
      %jit3A_181 = arith.constant 1 : i32
      %select_n3A = arith.select %eq3A_180, %jit3A_181, %jit3A : i32
      %rem3A = arith.remsi %mul3A_179, %select_n3A : i32
      %ne3A = arith.constant 0 : i32
      %ne3A_182 = arith.cmpi ne, %rem3A, %ne3A : i32
      %lt3A = arith.constant 0 : i32
      %lt3A_183 = arith.cmpi slt, %rem3A, %lt3A : i32
      %lt3A_184 = arith.constant 0 : i32
      %lt3A_185 = arith.cmpi slt, %select_n3A, %lt3A_184 : i32
      %ne3A_186 = arith.xori %lt3A_183, %lt3A_185 : i1
      %and3A = arith.andi %ne3A_186, %ne3A_182 : i1
      %add3A = arith.addi %rem3A, %select_n3A : i32
      %select_n3A_187 = arith.select %and3A, %add3A, %rem3A : i32
      %eq3A_188 = arith.constant 0 : i32
      %eq3A_189 = arith.cmpi eq, %select_n3A_187, %eq3A_188 : i32
      %gt3A = arith.constant 0 : i32
      %gt3A_190 = arith.cmpi sgt, %mul3A_179, %gt3A : i32
      %and3A_191 = arith.andi %eq3A_189, %gt3A_190 : i1
      %lt3A_192 = arith.constant 64 : i32
      %lt3A_193 = arith.cmpi slt, %mul3A_179, %lt3A_192 : i32
      %and3A_194 = arith.andi %and3A_191, %lt3A_193 : i1
      %convert_element_type3A = arith.extui %and3A_194 : i1 to i32
      %cond3A = arith.constant 0 : i32
      %cond3A_195 = arith.cmpi ne, %convert_element_type3A, %cond3A : i32
      scf.if %cond3A_195 {
        %jit3A_313 = arith.constant 16 : i32
        %div3A_314 = arith.divsi %mul3A_179, %jit3A_313 : i32
        %sign3A_315 = arith.constant 0 : i32
        %sign3A_316 = arith.cmpi sgt, %mul3A_179, %sign3A_315 : i32
        %sign3A_317 = arith.extui %sign3A_316 : i1 to i32
        %sign3A_318 = arith.constant 0 : i32
        %sign3A_319 = arith.cmpi slt, %mul3A_179, %sign3A_318 : i32
        %sign3A_320 = arith.extui %sign3A_319 : i1 to i32
        %sign3A_321 = arith.subi %sign3A_317, %sign3A_320 : i32
        %sign3A_322 = arith.constant 0 : i32
        %sign3A_323 = arith.cmpi sgt, %jit3A_313, %sign3A_322 : i32
        %sign3A_324 = arith.extui %sign3A_323 : i1 to i32
        %sign3A_325 = arith.constant 0 : i32
        %sign3A_326 = arith.cmpi slt, %jit3A_313, %sign3A_325 : i32
        %sign3A_327 = arith.extui %sign3A_326 : i1 to i32
        %sign3A_328 = arith.subi %sign3A_324, %sign3A_327 : i32
        %ne3A_329 = arith.cmpi ne, %sign3A_321, %sign3A_328 : i32
        %rem3A_330 = arith.remsi %mul3A_179, %jit3A_313 : i32
        %ne3A_331 = arith.constant 0 : i32
        %ne3A_332 = arith.cmpi ne, %rem3A_330, %ne3A_331 : i32
        %and3A_333 = arith.andi %ne3A_329, %ne3A_332 : i1
        %sub3A_334 = arith.constant 1 : i32
        %sub3A_335 = arith.subi %div3A_314, %sub3A_334 : i32
        %select_n3A_336 = arith.select %and3A_333, %sub3A_335, %div3A_314 : i32
        %add3A_337 = arith.constant 1 : i32
        %add3A_338 = arith.addi %select_n3A_336, %add3A_337 : i32
        %jit3A_339 = arith.constant 2 : i32
        %eq3A_340 = arith.constant 0 : i32
        %eq3A_341 = arith.cmpi eq, %jit3A_339, %eq3A_340 : i32
        %jit3A_342 = arith.constant 1 : i32
        %select_n3A_343 = arith.select %eq3A_341, %jit3A_342, %jit3A_339 : i32
        %rem3A_344 = arith.remsi %add3A_338, %select_n3A_343 : i32
        %ne3A_345 = arith.constant 0 : i32
        %ne3A_346 = arith.cmpi ne, %rem3A_344, %ne3A_345 : i32
        %lt3A_347 = arith.constant 0 : i32
        %lt3A_348 = arith.cmpi slt, %rem3A_344, %lt3A_347 : i32
        %lt3A_349 = arith.constant 0 : i32
        %lt3A_350 = arith.cmpi slt, %select_n3A_343, %lt3A_349 : i32
        %ne3A_351 = arith.xori %lt3A_348, %lt3A_350 : i1
        %and3A_352 = arith.andi %ne3A_351, %ne3A_346 : i1
        %add3A_353 = arith.addi %rem3A_344, %select_n3A_343 : i32
        %select_n3A_354 = arith.select %and3A_352, %add3A_353, %rem3A_344 : i32
        %dma_start3A_355 = arith.constant 0 : i32
        %dma_start3A_356 = arith.constant 0 : i32
        %dma_start3A_357 = tpu.memref_slice %arg7[%select_n3A_354, %dma_start3A_355, %dma_start3A_356] : memref<2x16x128xi32, #tpu.memory_space<vmem>> -> memref<1x16x128xi32, #tpu.memory_space<vmem>>
        %dma_start3A_358 = tpu.memref_squeeze %dma_start3A_357 : memref<1x16x128xi32, #tpu.memory_space<vmem>> -> memref<16x128xi32, #tpu.memory_space<vmem>>
        %dma_start3A_359 = arith.constant 0 : i32
        %dma_start3A_360 = arith.constant 0 : i32
        %dma_start3A_361 = tpu.memref_slice %arg3[%arg0, %arg1, %add3A_338, %dma_start3A_359, %dma_start3A_360] : memref<2x16x5x16x128xi32, #tpu.memory_space<hbm>> -> memref<1x1x1x16x128xi32, #tpu.memory_space<hbm>>
        %dma_start3A_362 = tpu.memref_squeeze %dma_start3A_361 : memref<1x1x1x16x128xi32, #tpu.memory_space<hbm>> -> memref<16x128xi32, #tpu.memory_space<hbm>>
        %dma_start3A_363 = arith.constant 0 : i32
        %dma_start3A_364 = arith.constant 0 : i32
        %dma_start3A_365 = tpu.memref_slice %arg7[%select_n3A_354, %dma_start3A_363, %dma_start3A_364] : memref<2x16x128xi32, #tpu.memory_space<vmem>> -> memref<1x16x128xi32, #tpu.memory_space<vmem>>
        %dma_start3A_366 = tpu.memref_squeeze %dma_start3A_365 : memref<1x16x128xi32, #tpu.memory_space<vmem>> -> memref<16x128xi32, #tpu.memory_space<vmem>>
        %dma_start3A_367 = arith.constant 0 : i32
        %dma_start3A_368 = arith.constant 0 : i32
        %dma_start3A_369 = tpu.memref_slice %arg3[%arg0, %arg1, %add3A_338, %dma_start3A_367, %dma_start3A_368] : memref<2x16x5x16x128xi32, #tpu.memory_space<hbm>> -> memref<1x1x1x16x128xi32, #tpu.memory_space<hbm>>
        %dma_start3A_370 = tpu.memref_squeeze %dma_start3A_369 : memref<1x1x1x16x128xi32, #tpu.memory_space<hbm>> -> memref<16x128xi32, #tpu.memory_space<hbm>>
        tpu.enqueue_dma source(%dma_start3A_370 : memref<16x128xi32, #tpu.memory_space<hbm>>) target(%dma_start3A_366 : memref<16x128xi32, #tpu.memory_space<vmem>>) target_semaphore(%arg15 : memref<!tpu.dma_semaphore, #tpu.memory_space<semaphore_mem>>)
        %jit3A_371 = arith.constant 2 : i32
        %eq3A_372 = arith.constant 0 : i32
        %eq3A_373 = arith.cmpi eq, %jit3A_371, %eq3A_372 : i32
        %jit3A_374 = arith.constant 1 : i32
        %select_n3A_375 = arith.select %eq3A_373, %jit3A_374, %jit3A_371 : i32
        %rem3A_376 = arith.remsi %add3A_338, %select_n3A_375 : i32
        %ne3A_377 = arith.constant 0 : i32
        %ne3A_378 = arith.cmpi ne, %rem3A_376, %ne3A_377 : i32
        %lt3A_379 = arith.constant 0 : i32
        %lt3A_380 = arith.cmpi slt, %rem3A_376, %lt3A_379 : i32
        %lt3A_381 = arith.constant 0 : i32
        %lt3A_382 = arith.cmpi slt, %select_n3A_375, %lt3A_381 : i32
        %ne3A_383 = arith.xori %lt3A_380, %lt3A_382 : i1
        %and3A_384 = arith.andi %ne3A_383, %ne3A_378 : i1
        %add3A_385 = arith.addi %rem3A_376, %select_n3A_375 : i32
        %select_n3A_386 = arith.select %and3A_384, %add3A_385, %rem3A_376 : i32
        %dma_start3A_387 = arith.constant 0 : i32
        %dma_start3A_388 = arith.constant 0 : i32
        %dma_start3A_389 = tpu.memref_slice %arg8[%select_n3A_386, %dma_start3A_387, %dma_start3A_388] : memref<2x16x128xi32, #tpu.memory_space<vmem>> -> memref<1x16x128xi32, #tpu.memory_space<vmem>>
        %dma_start3A_390 = tpu.memref_squeeze %dma_start3A_389 : memref<1x16x128xi32, #tpu.memory_space<vmem>> -> memref<16x128xi32, #tpu.memory_space<vmem>>
        %dma_start3A_391 = arith.constant 0 : i32
        %dma_start3A_392 = arith.constant 0 : i32
        %dma_start3A_393 = tpu.memref_slice %arg4[%arg0, %arg1, %add3A_338, %dma_start3A_391, %dma_start3A_392] : memref<2x16x5x16x128xi32, #tpu.memory_space<hbm>> -> memref<1x1x1x16x128xi32, #tpu.memory_space<hbm>>
        %dma_start3A_394 = tpu.memref_squeeze %dma_start3A_393 : memref<1x1x1x16x128xi32, #tpu.memory_space<hbm>> -> memref<16x128xi32, #tpu.memory_space<hbm>>
        %dma_start3A_395 = arith.constant 0 : i32
        %dma_start3A_396 = arith.constant 0 : i32
        %dma_start3A_397 = tpu.memref_slice %arg8[%select_n3A_386, %dma_start3A_395, %dma_start3A_396] : memref<2x16x128xi32, #tpu.memory_space<vmem>> -> memref<1x16x128xi32, #tpu.memory_space<vmem>>
        %dma_start3A_398 = tpu.memref_squeeze %dma_start3A_397 : memref<1x16x128xi32, #tpu.memory_space<vmem>> -> memref<16x128xi32, #tpu.memory_space<vmem>>
        %dma_start3A_399 = arith.constant 0 : i32
        %dma_start3A_400 = arith.constant 0 : i32
        %dma_start3A_401 = tpu.memref_slice %arg4[%arg0, %arg1, %add3A_338, %dma_start3A_399, %dma_start3A_400] : memref<2x16x5x16x128xi32, #tpu.memory_space<hbm>> -> memref<1x1x1x16x128xi32, #tpu.memory_space<hbm>>
        %dma_start3A_402 = tpu.memref_squeeze %dma_start3A_401 : memref<1x1x1x16x128xi32, #tpu.memory_space<hbm>> -> memref<16x128xi32, #tpu.memory_space<hbm>>
        tpu.enqueue_dma source(%dma_start3A_402 : memref<16x128xi32, #tpu.memory_space<hbm>>) target(%dma_start3A_398 : memref<16x128xi32, #tpu.memory_space<vmem>>) target_semaphore(%arg15 : memref<!tpu.dma_semaphore, #tpu.memory_space<semaphore_mem>>)
      } else {
      }
      %add3A_196 = arith.constant 2 : i32
      %add3A_197 = arith.addi %mul3A_179, %add3A_196 : i32
      %jit3A_198 = arith.constant 16 : i32
      %eq3A_199 = arith.constant 0 : i32
      %eq3A_200 = arith.cmpi eq, %jit3A_198, %eq3A_199 : i32
      %jit3A_201 = arith.constant 1 : i32
      %select_n3A_202 = arith.select %eq3A_200, %jit3A_201, %jit3A_198 : i32
      %rem3A_203 = arith.remsi %add3A_197, %select_n3A_202 : i32
      %ne3A_204 = arith.constant 0 : i32
      %ne3A_205 = arith.cmpi ne, %rem3A_203, %ne3A_204 : i32
      %lt3A_206 = arith.constant 0 : i32
      %lt3A_207 = arith.cmpi slt, %rem3A_203, %lt3A_206 : i32
      %lt3A_208 = arith.constant 0 : i32
      %lt3A_209 = arith.cmpi slt, %select_n3A_202, %lt3A_208 : i32
      %ne3A_210 = arith.xori %lt3A_207, %lt3A_209 : i1
      %and3A_211 = arith.andi %ne3A_210, %ne3A_205 : i1
      %add3A_212 = arith.addi %rem3A_203, %select_n3A_202 : i32
      %select_n3A_213 = arith.select %and3A_211, %add3A_212, %rem3A_203 : i32
      %eq3A_214 = arith.constant 0 : i32
      %eq3A_215 = arith.cmpi eq, %select_n3A_213, %eq3A_214 : i32
      %add3A_216 = arith.constant 2 : i32
      %add3A_217 = arith.addi %mul3A_179, %add3A_216 : i32
      %ge3A = arith.constant 32 : i32
      %ge3A_218 = arith.cmpi sge, %add3A_217, %ge3A : i32
      %and3A_219 = arith.andi %eq3A_215, %ge3A_218 : i1
      %add3A_220 = arith.constant 2 : i32
      %add3A_221 = arith.addi %mul3A_179, %add3A_220 : i32
      %lt3A_222 = arith.constant 80 : i32
      %lt3A_223 = arith.cmpi slt, %add3A_221, %lt3A_222 : i32
      %and3A_224 = arith.andi %and3A_219, %lt3A_223 : i1
      %convert_element_type3A_225 = arith.extui %and3A_224 : i1 to i32
      %cond3A_226 = arith.constant 0 : i32
      %cond3A_227 = arith.cmpi ne, %convert_element_type3A_225, %cond3A_226 : i32
      scf.if %cond3A_227 {
        %dma_wait3A_313 = arith.constant 0 : i32
        %dma_wait3A_314 = arith.constant 0 : i32
        %dma_wait3A_315 = arith.constant 0 : i32
        %dma_wait3A_316 = arith.constant 0 : i32
        %dma_wait3A_317 = tpu.memref_slice %arg7[%dma_wait3A_314, %dma_wait3A_315, %dma_wait3A_316] : memref<2x16x128xi32, #tpu.memory_space<vmem>> -> memref<1x16x128xi32, #tpu.memory_space<vmem>>
        %dma_wait3A_318 = tpu.memref_squeeze %dma_wait3A_317 : memref<1x16x128xi32, #tpu.memory_space<vmem>> -> memref<16x128xi32, #tpu.memory_space<vmem>>
        %dma_wait3A_319 = arith.constant 0 : i32
        %dma_wait3A_320 = arith.constant 0 : i32
        %dma_wait3A_321 = tpu.memref_slice %arg3[%arg0, %arg1, %dma_wait3A_313, %dma_wait3A_319, %dma_wait3A_320] : memref<2x16x5x16x128xi32, #tpu.memory_space<hbm>> -> memref<1x1x1x16x128xi32, #tpu.memory_space<hbm>>
        %dma_wait3A_322 = tpu.memref_squeeze %dma_wait3A_321 : memref<1x1x1x16x128xi32, #tpu.memory_space<hbm>> -> memref<16x128xi32, #tpu.memory_space<hbm>>
        %dma_wait3A_323 = arith.constant 0 : i32
        %dma_wait3A_324 = arith.constant 0 : i32
        %dma_wait3A_325 = tpu.memref_slice %arg7[%dma_wait3A_314, %dma_wait3A_323, %dma_wait3A_324] : memref<2x16x128xi32, #tpu.memory_space<vmem>> -> memref<1x16x128xi32, #tpu.memory_space<vmem>>
        %dma_wait3A_326 = tpu.memref_squeeze %dma_wait3A_325 : memref<1x16x128xi32, #tpu.memory_space<vmem>> -> memref<16x128xi32, #tpu.memory_space<vmem>>
        %dma_wait3A_327 = arith.constant 0 : i32
        %dma_wait3A_328 = arith.constant 0 : i32
        %dma_wait3A_329 = tpu.memref_slice %arg3[%arg0, %arg1, %dma_wait3A_313, %dma_wait3A_327, %dma_wait3A_328] : memref<2x16x5x16x128xi32, #tpu.memory_space<hbm>> -> memref<1x1x1x16x128xi32, #tpu.memory_space<hbm>>
        %dma_wait3A_330 = tpu.memref_squeeze %dma_wait3A_329 : memref<1x1x1x16x128xi32, #tpu.memory_space<hbm>> -> memref<16x128xi32, #tpu.memory_space<hbm>>
        tpu.wait_dma2 semaphore(%arg15 : memref<!tpu.dma_semaphore, #tpu.memory_space<semaphore_mem>>) src(%dma_wait3A_330 : memref<16x128xi32, #tpu.memory_space<hbm>>) dst(%dma_wait3A_326 : memref<16x128xi32, #tpu.memory_space<vmem>>)
        %dma_wait3A_331 = arith.constant 0 : i32
        %dma_wait3A_332 = arith.constant 0 : i32
        %dma_wait3A_333 = arith.constant 0 : i32
        %dma_wait3A_334 = arith.constant 0 : i32
        %dma_wait3A_335 = tpu.memref_slice %arg8[%dma_wait3A_332, %dma_wait3A_333, %dma_wait3A_334] : memref<2x16x128xi32, #tpu.memory_space<vmem>> -> memref<1x16x128xi32, #tpu.memory_space<vmem>>
        %dma_wait3A_336 = tpu.memref_squeeze %dma_wait3A_335 : memref<1x16x128xi32, #tpu.memory_space<vmem>> -> memref<16x128xi32, #tpu.memory_space<vmem>>
        %dma_wait3A_337 = arith.constant 0 : i32
        %dma_wait3A_338 = arith.constant 0 : i32
        %dma_wait3A_339 = tpu.memref_slice %arg4[%arg0, %arg1, %dma_wait3A_331, %dma_wait3A_337, %dma_wait3A_338] : memref<2x16x5x16x128xi32, #tpu.memory_space<hbm>> -> memref<1x1x1x16x128xi32, #tpu.memory_space<hbm>>
        %dma_wait3A_340 = tpu.memref_squeeze %dma_wait3A_339 : memref<1x1x1x16x128xi32, #tpu.memory_space<hbm>> -> memref<16x128xi32, #tpu.memory_space<hbm>>
        %dma_wait3A_341 = arith.constant 0 : i32
        %dma_wait3A_342 = arith.constant 0 : i32
        %dma_wait3A_343 = tpu.memref_slice %arg8[%dma_wait3A_332, %dma_wait3A_341, %dma_wait3A_342] : memref<2x16x128xi32, #tpu.memory_space<vmem>> -> memref<1x16x128xi32, #tpu.memory_space<vmem>>
        %dma_wait3A_344 = tpu.memref_squeeze %dma_wait3A_343 : memref<1x16x128xi32, #tpu.memory_space<vmem>> -> memref<16x128xi32, #tpu.memory_space<vmem>>
        %dma_wait3A_345 = arith.constant 0 : i32
        %dma_wait3A_346 = arith.constant 0 : i32
        %dma_wait3A_347 = tpu.memref_slice %arg4[%arg0, %arg1, %dma_wait3A_331, %dma_wait3A_345, %dma_wait3A_346] : memref<2x16x5x16x128xi32, #tpu.memory_space<hbm>> -> memref<1x1x1x16x128xi32, #tpu.memory_space<hbm>>
        %dma_wait3A_348 = tpu.memref_squeeze %dma_wait3A_347 : memref<1x1x1x16x128xi32, #tpu.memory_space<hbm>> -> memref<16x128xi32, #tpu.memory_space<hbm>>
        tpu.wait_dma2 semaphore(%arg15 : memref<!tpu.dma_semaphore, #tpu.memory_space<semaphore_mem>>) src(%dma_wait3A_348 : memref<16x128xi32, #tpu.memory_space<hbm>>) dst(%dma_wait3A_344 : memref<16x128xi32, #tpu.memory_space<vmem>>)
      } else {
      }
      %jit3A_228 = arith.constant 16 : i32
      %div3A = arith.divsi %mul3A_179, %jit3A_228 : i32
      %sign3A = arith.constant 0 : i32
      %sign3A_229 = arith.cmpi sgt, %mul3A_179, %sign3A : i32
      %sign3A_230 = arith.extui %sign3A_229 : i1 to i32
      %sign3A_231 = arith.constant 0 : i32
      %sign3A_232 = arith.cmpi slt, %mul3A_179, %sign3A_231 : i32
      %sign3A_233 = arith.extui %sign3A_232 : i1 to i32
      %sign3A_234 = arith.subi %sign3A_230, %sign3A_233 : i32
      %sign3A_235 = arith.constant 0 : i32
      %sign3A_236 = arith.cmpi sgt, %jit3A_228, %sign3A_235 : i32
      %sign3A_237 = arith.extui %sign3A_236 : i1 to i32
      %sign3A_238 = arith.constant 0 : i32
      %sign3A_239 = arith.cmpi slt, %jit3A_228, %sign3A_238 : i32
      %sign3A_240 = arith.extui %sign3A_239 : i1 to i32
      %sign3A_241 = arith.subi %sign3A_237, %sign3A_240 : i32
      %ne3A_242 = arith.cmpi ne, %sign3A_234, %sign3A_241 : i32
      %rem3A_243 = arith.remsi %mul3A_179, %jit3A_228 : i32
      %ne3A_244 = arith.constant 0 : i32
      %ne3A_245 = arith.cmpi ne, %rem3A_243, %ne3A_244 : i32
      %and3A_246 = arith.andi %ne3A_242, %ne3A_245 : i1
      %sub3A = arith.constant 1 : i32
      %sub3A_247 = arith.subi %div3A, %sub3A : i32
      %select_n3A_248 = arith.select %and3A_246, %sub3A_247, %div3A : i32
      %jit3A_249 = arith.constant 2 : i32
      %eq3A_250 = arith.constant 0 : i32
      %eq3A_251 = arith.cmpi eq, %jit3A_249, %eq3A_250 : i32
      %jit3A_252 = arith.constant 1 : i32
      %select_n3A_253 = arith.select %eq3A_251, %jit3A_252, %jit3A_249 : i32
      %rem3A_254 = arith.remsi %select_n3A_248, %select_n3A_253 : i32
      %ne3A_255 = arith.constant 0 : i32
      %ne3A_256 = arith.cmpi ne, %rem3A_254, %ne3A_255 : i32
      %lt3A_257 = arith.constant 0 : i32
      %lt3A_258 = arith.cmpi slt, %rem3A_254, %lt3A_257 : i32
      %lt3A_259 = arith.constant 0 : i32
      %lt3A_260 = arith.cmpi slt, %select_n3A_253, %lt3A_259 : i32
      %ne3A_261 = arith.xori %lt3A_258, %lt3A_260 : i1
      %and3A_262 = arith.andi %ne3A_261, %ne3A_256 : i1
      %add3A_263 = arith.addi %rem3A_254, %select_n3A_253 : i32
      %select_n3A_264 = arith.select %and3A_262, %add3A_263, %rem3A_254 : i32
      %jit3A_265 = arith.constant 16 : i32
      %eq3A_266 = arith.constant 0 : i32
      %eq3A_267 = arith.cmpi eq, %jit3A_265, %eq3A_266 : i32
      %jit3A_268 = arith.constant 1 : i32
      %select_n3A_269 = arith.select %eq3A_267, %jit3A_268, %jit3A_265 : i32
      %rem3A_270 = arith.remsi %mul3A_179, %select_n3A_269 : i32
      %ne3A_271 = arith.constant 0 : i32
      %ne3A_272 = arith.cmpi ne, %rem3A_270, %ne3A_271 : i32
      %lt3A_273 = arith.constant 0 : i32
      %lt3A_274 = arith.cmpi slt, %rem3A_270, %lt3A_273 : i32
      %lt3A_275 = arith.constant 0 : i32
      %lt3A_276 = arith.cmpi slt, %select_n3A_269, %lt3A_275 : i32
      %ne3A_277 = arith.xori %lt3A_274, %lt3A_276 : i1
      %and3A_278 = arith.andi %ne3A_277, %ne3A_272 : i1
      %add3A_279 = arith.addi %rem3A_270, %select_n3A_269 : i32
      %select_n3A_280 = arith.select %and3A_278, %add3A_279, %rem3A_270 : i32
      %dma_wait3A_281 = arith.constant 0 : i32
      %dma_wait3A_282 = arith.constant 0 : i32
      %dma_wait3A_283 = arith.constant 0 : i32
      %dma_wait3A_284 = tpu.memref_slice %arg7[%dma_wait3A_281, %dma_wait3A_282, %dma_wait3A_283] : memref<2x16x128xi32, #tpu.memory_space<vmem>> -> memref<1x1x128xi32, #tpu.memory_space<vmem>>
      %dma_wait3A_285 = tpu.memref_squeeze %dma_wait3A_284 : memref<1x1x128xi32, #tpu.memory_space<vmem>> -> memref<128xi32, #tpu.memory_space<vmem>>
      %dma_wait3A_286 = arith.constant 0 : i32
      %dma_wait3A_287 = arith.constant 0 : i32
      %dma_wait3A_288 = tpu.memref_slice %arg2[%dma_wait3A_286, %dma_wait3A_287] : memref<10240x128xf32, #tpu.memory_space<hbm>> -> memref<10240x128xf32, #tpu.memory_space<hbm>>
      tpu.wait_indirect_dma semaphore(%arg13 : memref<!tpu.dma_semaphore, #tpu.memory_space<semaphore_mem>>) src(%dma_wait3A_288 : memref<10240x128xf32, #tpu.memory_space<hbm>>) dst(%arg9 : memref<128x128xf32, #tpu.memory_space<vmem>>)
      "tpu.region"() ({
        %run_scoped3A = tpu.sem_alloc : memref<!tpu.dma_semaphore, #tpu.memory_space<semaphore_mem>>
        %dma_start3A_313 = arith.constant 0 : i32
        %dma_start3A_314 = tpu.memref_slice %arg8[%select_n3A_264, %select_n3A_280, %dma_start3A_313] : memref<2x16x128xi32, #tpu.memory_space<vmem>> -> memref<1x1x128xi32, #tpu.memory_space<vmem>>
        %dma_start3A_315 = tpu.memref_squeeze %dma_start3A_314 : memref<1x1x128xi32, #tpu.memory_space<vmem>> -> memref<128xi32, #tpu.memory_space<vmem>>
        %dma_start3A_316 = arith.constant 0 : i32
        %dma_start3A_317 = arith.constant 0 : i32
        %dma_start3A_318 = tpu.memref_slice %arg12[%dma_start3A_316, %dma_start3A_317] : memref<10240x128xf32, #tpu.memory_space<vmem_shared>> -> memref<10240x128xf32, #tpu.memory_space<vmem_shared>>
        tpu.enqueue_indirect_dma source(%arg9 : memref<128x128xf32, #tpu.memory_space<vmem>>) target(%dma_start3A_318 : memref<10240x128xf32, #tpu.memory_space<vmem_shared>>) offsets(%dma_start3A_315 : memref<128xi32, #tpu.memory_space<vmem>>) semaphore(%run_scoped3A : memref<!tpu.dma_semaphore, #tpu.memory_space<semaphore_mem>>) {add = true}
        %dma_wait3A_319 = arith.constant 0 : i32
        %dma_wait3A_320 = tpu.memref_slice %arg8[%select_n3A_264, %select_n3A_280, %dma_wait3A_319] : memref<2x16x128xi32, #tpu.memory_space<vmem>> -> memref<1x1x128xi32, #tpu.memory_space<vmem>>
        %dma_wait3A_321 = tpu.memref_squeeze %dma_wait3A_320 : memref<1x1x128xi32, #tpu.memory_space<vmem>> -> memref<128xi32, #tpu.memory_space<vmem>>
        %dma_wait3A_322 = arith.constant 0 : i32
        %dma_wait3A_323 = arith.constant 0 : i32
        %dma_wait3A_324 = tpu.memref_slice %arg12[%dma_wait3A_322, %dma_wait3A_323] : memref<10240x128xf32, #tpu.memory_space<vmem_shared>> -> memref<10240x128xf32, #tpu.memory_space<vmem_shared>>
        tpu.wait_indirect_dma semaphore(%run_scoped3A : memref<!tpu.dma_semaphore, #tpu.memory_space<semaphore_mem>>) src(%arg9 : memref<128x128xf32, #tpu.memory_space<vmem>>) dst(%dma_wait3A_324 : memref<10240x128xf32, #tpu.memory_space<vmem_shared>>)
        tpu.yield
      }) : () -> ()
      %add3A_289 = arith.constant 2 : i32
      %add3A_290 = arith.addi %mul3A_179, %add3A_289 : i32
      %lt3A_291 = arith.constant 80 : i32
      %lt3A_292 = arith.cmpi slt, %add3A_290, %lt3A_291 : i32
      %convert_element_type3A_293 = arith.extui %lt3A_292 : i1 to i32
      %cond3A_294 = arith.constant 0 : i32
      %cond3A_295 = arith.cmpi ne, %convert_element_type3A_293, %cond3A_294 : i32
      scf.if %cond3A_295 {
        %add3A_313 = arith.constant 2 : i32
        %add3A_314 = arith.addi %mul3A_179, %add3A_313 : i32
        %jit3A_315 = arith.constant 16 : i32
        %div3A_316 = arith.divsi %add3A_314, %jit3A_315 : i32
        %sign3A_317 = arith.constant 0 : i32
        %sign3A_318 = arith.cmpi sgt, %add3A_314, %sign3A_317 : i32
        %sign3A_319 = arith.extui %sign3A_318 : i1 to i32
        %sign3A_320 = arith.constant 0 : i32
        %sign3A_321 = arith.cmpi slt, %add3A_314, %sign3A_320 : i32
        %sign3A_322 = arith.extui %sign3A_321 : i1 to i32
        %sign3A_323 = arith.subi %sign3A_319, %sign3A_322 : i32
        %sign3A_324 = arith.constant 0 : i32
        %sign3A_325 = arith.cmpi sgt, %jit3A_315, %sign3A_324 : i32
        %sign3A_326 = arith.extui %sign3A_325 : i1 to i32
        %sign3A_327 = arith.constant 0 : i32
        %sign3A_328 = arith.cmpi slt, %jit3A_315, %sign3A_327 : i32
        %sign3A_329 = arith.extui %sign3A_328 : i1 to i32
        %sign3A_330 = arith.subi %sign3A_326, %sign3A_329 : i32
        %ne3A_331 = arith.cmpi ne, %sign3A_323, %sign3A_330 : i32
        %rem3A_332 = arith.remsi %add3A_314, %jit3A_315 : i32
        %ne3A_333 = arith.constant 0 : i32
        %ne3A_334 = arith.cmpi ne, %rem3A_332, %ne3A_333 : i32
        %and3A_335 = arith.andi %ne3A_331, %ne3A_334 : i1
        %sub3A_336 = arith.constant 1 : i32
        %sub3A_337 = arith.subi %div3A_316, %sub3A_336 : i32
        %select_n3A_338 = arith.select %and3A_335, %sub3A_337, %div3A_316 : i32
        %jit3A_339 = arith.constant 2 : i32
        %eq3A_340 = arith.constant 0 : i32
        %eq3A_341 = arith.cmpi eq, %jit3A_339, %eq3A_340 : i32
        %jit3A_342 = arith.constant 1 : i32
        %select_n3A_343 = arith.select %eq3A_341, %jit3A_342, %jit3A_339 : i32
        %rem3A_344 = arith.remsi %select_n3A_338, %select_n3A_343 : i32
        %ne3A_345 = arith.constant 0 : i32
        %ne3A_346 = arith.cmpi ne, %rem3A_344, %ne3A_345 : i32
        %lt3A_347 = arith.constant 0 : i32
        %lt3A_348 = arith.cmpi slt, %rem3A_344, %lt3A_347 : i32
        %lt3A_349 = arith.constant 0 : i32
        %lt3A_350 = arith.cmpi slt, %select_n3A_343, %lt3A_349 : i32
        %ne3A_351 = arith.xori %lt3A_348, %lt3A_350 : i1
        %and3A_352 = arith.andi %ne3A_351, %ne3A_346 : i1
        %add3A_353 = arith.addi %rem3A_344, %select_n3A_343 : i32
        %select_n3A_354 = arith.select %and3A_352, %add3A_353, %rem3A_344 : i32
        %jit3A_355 = arith.constant 16 : i32
        %eq3A_356 = arith.constant 0 : i32
        %eq3A_357 = arith.cmpi eq, %jit3A_355, %eq3A_356 : i32
        %jit3A_358 = arith.constant 1 : i32
        %select_n3A_359 = arith.select %eq3A_357, %jit3A_358, %jit3A_355 : i32
        %rem3A_360 = arith.remsi %add3A_314, %select_n3A_359 : i32
        %ne3A_361 = arith.constant 0 : i32
        %ne3A_362 = arith.cmpi ne, %rem3A_360, %ne3A_361 : i32
        %lt3A_363 = arith.constant 0 : i32
        %lt3A_364 = arith.cmpi slt, %rem3A_360, %lt3A_363 : i32
        %lt3A_365 = arith.constant 0 : i32
        %lt3A_366 = arith.cmpi slt, %select_n3A_359, %lt3A_365 : i32
        %ne3A_367 = arith.xori %lt3A_364, %lt3A_366 : i1
        %and3A_368 = arith.andi %ne3A_367, %ne3A_362 : i1
        %add3A_369 = arith.addi %rem3A_360, %select_n3A_359 : i32
        %select_n3A_370 = arith.select %and3A_368, %add3A_369, %rem3A_360 : i32
        %dma_start3A_371 = arith.constant 0 : i32
        %dma_start3A_372 = tpu.memref_slice %arg7[%select_n3A_354, %select_n3A_370, %dma_start3A_371] : memref<2x16x128xi32, #tpu.memory_space<vmem>> -> memref<1x1x128xi32, #tpu.memory_space<vmem>>
        %dma_start3A_373 = tpu.memref_squeeze %dma_start3A_372 : memref<1x1x128xi32, #tpu.memory_space<vmem>> -> memref<128xi32, #tpu.memory_space<vmem>>
        %dma_start3A_374 = arith.constant 0 : i32
        %dma_start3A_375 = arith.constant 0 : i32
        %dma_start3A_376 = tpu.memref_slice %arg2[%dma_start3A_374, %dma_start3A_375] : memref<10240x128xf32, #tpu.memory_space<hbm>> -> memref<10240x128xf32, #tpu.memory_space<hbm>>
        tpu.enqueue_indirect_dma source(%dma_start3A_376 : memref<10240x128xf32, #tpu.memory_space<hbm>>) target(%arg9 : memref<128x128xf32, #tpu.memory_space<vmem>>) offsets(%dma_start3A_373 : memref<128xi32, #tpu.memory_space<vmem>>) semaphore(%arg13 : memref<!tpu.dma_semaphore, #tpu.memory_space<semaphore_mem>>)
      } else {
      }
      %dma_wait3A_296 = arith.constant 0 : i32
      %dma_wait3A_297 = arith.constant 0 : i32
      %dma_wait3A_298 = arith.constant 0 : i32
      %dma_wait3A_299 = tpu.memref_slice %arg7[%dma_wait3A_296, %dma_wait3A_297, %dma_wait3A_298] : memref<2x16x128xi32, #tpu.memory_space<vmem>> -> memref<1x1x128xi32, #tpu.memory_space<vmem>>
      %dma_wait3A_300 = tpu.memref_squeeze %dma_wait3A_299 : memref<1x1x128xi32, #tpu.memory_space<vmem>> -> memref<128xi32, #tpu.memory_space<vmem>>
      %dma_wait3A_301 = arith.constant 0 : i32
      %dma_wait3A_302 = arith.constant 0 : i32
      %dma_wait3A_303 = tpu.memref_slice %arg2[%dma_wait3A_301, %dma_wait3A_302] : memref<10240x128xf32, #tpu.memory_space<hbm>> -> memref<10240x128xf32, #tpu.memory_space<hbm>>
      tpu.wait_indirect_dma semaphore(%arg14 : memref<!tpu.dma_semaphore, #tpu.memory_space<semaphore_mem>>) src(%dma_wait3A_303 : memref<10240x128xf32, #tpu.memory_space<hbm>>) dst(%arg10 : memref<128x128xf32, #tpu.memory_space<vmem>>)
      %add3A_304 = arith.constant 1 : i32
      %add3A_305 = arith.addi %select_n3A_280, %add3A_304 : i32
      "tpu.region"() ({
        %run_scoped3A = tpu.sem_alloc : memref<!tpu.dma_semaphore, #tpu.memory_space<semaphore_mem>>
        %dma_start3A_313 = arith.constant 0 : i32
        %dma_start3A_314 = tpu.memref_slice %arg8[%select_n3A_264, %add3A_305, %dma_start3A_313] : memref<2x16x128xi32, #tpu.memory_space<vmem>> -> memref<1x1x128xi32, #tpu.memory_space<vmem>>
        %dma_start3A_315 = tpu.memref_squeeze %dma_start3A_314 : memref<1x1x128xi32, #tpu.memory_space<vmem>> -> memref<128xi32, #tpu.memory_space<vmem>>
        %dma_start3A_316 = arith.constant 0 : i32
        %dma_start3A_317 = arith.constant 0 : i32
        %dma_start3A_318 = tpu.memref_slice %arg12[%dma_start3A_316, %dma_start3A_317] : memref<10240x128xf32, #tpu.memory_space<vmem_shared>> -> memref<10240x128xf32, #tpu.memory_space<vmem_shared>>
        tpu.enqueue_indirect_dma source(%arg10 : memref<128x128xf32, #tpu.memory_space<vmem>>) target(%dma_start3A_318 : memref<10240x128xf32, #tpu.memory_space<vmem_shared>>) offsets(%dma_start3A_315 : memref<128xi32, #tpu.memory_space<vmem>>) semaphore(%run_scoped3A : memref<!tpu.dma_semaphore, #tpu.memory_space<semaphore_mem>>) {add = true}
        %dma_wait3A_319 = arith.constant 0 : i32
        %dma_wait3A_320 = tpu.memref_slice %arg8[%select_n3A_264, %add3A_305, %dma_wait3A_319] : memref<2x16x128xi32, #tpu.memory_space<vmem>> -> memref<1x1x128xi32, #tpu.memory_space<vmem>>
        %dma_wait3A_321 = tpu.memref_squeeze %dma_wait3A_320 : memref<1x1x128xi32, #tpu.memory_space<vmem>> -> memref<128xi32, #tpu.memory_space<vmem>>
        %dma_wait3A_322 = arith.constant 0 : i32
        %dma_wait3A_323 = arith.constant 0 : i32
        %dma_wait3A_324 = tpu.memref_slice %arg12[%dma_wait3A_322, %dma_wait3A_323] : memref<10240x128xf32, #tpu.memory_space<vmem_shared>> -> memref<10240x128xf32, #tpu.memory_space<vmem_shared>>
        tpu.wait_indirect_dma semaphore(%run_scoped3A : memref<!tpu.dma_semaphore, #tpu.memory_space<semaphore_mem>>) src(%arg10 : memref<128x128xf32, #tpu.memory_space<vmem>>) dst(%dma_wait3A_324 : memref<10240x128xf32, #tpu.memory_space<vmem_shared>>)
        tpu.yield
      }) : () -> ()
      %add3A_306 = arith.constant 3 : i32
      %add3A_307 = arith.addi %mul3A_179, %add3A_306 : i32
      %lt3A_308 = arith.constant 80 : i32
      %lt3A_309 = arith.cmpi slt, %add3A_307, %lt3A_308 : i32
      %convert_element_type3A_310 = arith.extui %lt3A_309 : i1 to i32
      %cond3A_311 = arith.constant 0 : i32
      %cond3A_312 = arith.cmpi ne, %convert_element_type3A_310, %cond3A_311 : i32
      scf.if %cond3A_312 {
        %add3A_313 = arith.constant 3 : i32
        %add3A_314 = arith.addi %mul3A_179, %add3A_313 : i32
        %jit3A_315 = arith.constant 16 : i32
        %div3A_316 = arith.divsi %add3A_314, %jit3A_315 : i32
        %sign3A_317 = arith.constant 0 : i32
        %sign3A_318 = arith.cmpi sgt, %add3A_314, %sign3A_317 : i32
        %sign3A_319 = arith.extui %sign3A_318 : i1 to i32
        %sign3A_320 = arith.constant 0 : i32
        %sign3A_321 = arith.cmpi slt, %add3A_314, %sign3A_320 : i32
        %sign3A_322 = arith.extui %sign3A_321 : i1 to i32
        %sign3A_323 = arith.subi %sign3A_319, %sign3A_322 : i32
        %sign3A_324 = arith.constant 0 : i32
        %sign3A_325 = arith.cmpi sgt, %jit3A_315, %sign3A_324 : i32
        %sign3A_326 = arith.extui %sign3A_325 : i1 to i32
        %sign3A_327 = arith.constant 0 : i32
        %sign3A_328 = arith.cmpi slt, %jit3A_315, %sign3A_327 : i32
        %sign3A_329 = arith.extui %sign3A_328 : i1 to i32
        %sign3A_330 = arith.subi %sign3A_326, %sign3A_329 : i32
        %ne3A_331 = arith.cmpi ne, %sign3A_323, %sign3A_330 : i32
        %rem3A_332 = arith.remsi %add3A_314, %jit3A_315 : i32
        %ne3A_333 = arith.constant 0 : i32
        %ne3A_334 = arith.cmpi ne, %rem3A_332, %ne3A_333 : i32
        %and3A_335 = arith.andi %ne3A_331, %ne3A_334 : i1
        %sub3A_336 = arith.constant 1 : i32
        %sub3A_337 = arith.subi %div3A_316, %sub3A_336 : i32
        %select_n3A_338 = arith.select %and3A_335, %sub3A_337, %div3A_316 : i32
        %jit3A_339 = arith.constant 2 : i32
        %eq3A_340 = arith.constant 0 : i32
        %eq3A_341 = arith.cmpi eq, %jit3A_339, %eq3A_340 : i32
        %jit3A_342 = arith.constant 1 : i32
        %select_n3A_343 = arith.select %eq3A_341, %jit3A_342, %jit3A_339 : i32
        %rem3A_344 = arith.remsi %select_n3A_338, %select_n3A_343 : i32
        %ne3A_345 = arith.constant 0 : i32
        %ne3A_346 = arith.cmpi ne, %rem3A_344, %ne3A_345 : i32
        %lt3A_347 = arith.constant 0 : i32
        %lt3A_348 = arith.cmpi slt, %rem3A_344, %lt3A_347 : i32
        %lt3A_349 = arith.constant 0 : i32
        %lt3A_350 = arith.cmpi slt, %select_n3A_343, %lt3A_349 : i32
        %ne3A_351 = arith.xori %lt3A_348, %lt3A_350 : i1
        %and3A_352 = arith.andi %ne3A_351, %ne3A_346 : i1
        %add3A_353 = arith.addi %rem3A_344, %select_n3A_343 : i32
        %select_n3A_354 = arith.select %and3A_352, %add3A_353, %rem3A_344 : i32
        %jit3A_355 = arith.constant 16 : i32
        %eq3A_356 = arith.constant 0 : i32
        %eq3A_357 = arith.cmpi eq, %jit3A_355, %eq3A_356 : i32
        %jit3A_358 = arith.constant 1 : i32
        %select_n3A_359 = arith.select %eq3A_357, %jit3A_358, %jit3A_355 : i32
        %rem3A_360 = arith.remsi %add3A_314, %select_n3A_359 : i32
        %ne3A_361 = arith.constant 0 : i32
        %ne3A_362 = arith.cmpi ne, %rem3A_360, %ne3A_361 : i32
        %lt3A_363 = arith.constant 0 : i32
        %lt3A_364 = arith.cmpi slt, %rem3A_360, %lt3A_363 : i32
        %lt3A_365 = arith.constant 0 : i32
        %lt3A_366 = arith.cmpi slt, %select_n3A_359, %lt3A_365 : i32
        %ne3A_367 = arith.xori %lt3A_364, %lt3A_366 : i1
        %and3A_368 = arith.andi %ne3A_367, %ne3A_362 : i1
        %add3A_369 = arith.addi %rem3A_360, %select_n3A_359 : i32
        %select_n3A_370 = arith.select %and3A_368, %add3A_369, %rem3A_360 : i32
        %dma_start3A_371 = arith.constant 0 : i32
        %dma_start3A_372 = tpu.memref_slice %arg7[%select_n3A_354, %select_n3A_370, %dma_start3A_371] : memref<2x16x128xi32, #tpu.memory_space<vmem>> -> memref<1x1x128xi32, #tpu.memory_space<vmem>>
        %dma_start3A_373 = tpu.memref_squeeze %dma_start3A_372 : memref<1x1x128xi32, #tpu.memory_space<vmem>> -> memref<128xi32, #tpu.memory_space<vmem>>
        %dma_start3A_374 = arith.constant 0 : i32
        %dma_start3A_375 = arith.constant 0 : i32
        %dma_start3A_376 = tpu.memref_slice %arg2[%dma_start3A_374, %dma_start3A_375] : memref<10240x128xf32, #tpu.memory_space<hbm>> -> memref<10240x128xf32, #tpu.memory_space<hbm>>
        tpu.enqueue_indirect_dma source(%dma_start3A_376 : memref<10240x128xf32, #tpu.memory_space<hbm>>) target(%arg10 : memref<128x128xf32, #tpu.memory_space<vmem>>) offsets(%dma_start3A_373 : memref<128xi32, #tpu.memory_space<vmem>>) semaphore(%arg14 : memref<!tpu.dma_semaphore, #tpu.memory_space<semaphore_mem>>)
      } else {
      }
    }
    %scan3A_175 = arith.constant 40 : i32
    %barrier3A_176 = arith.constant 0 : index
    tpu.barrier barrier_id(%barrier3A_176)
    "tpu.region"() ({
      %run_scoped3A = tpu.sem_alloc : memref<!tpu.dma_semaphore, #tpu.memory_space<semaphore_mem>>
      %dma_start3A_177 = arith.constant 0 : i32
      %dma_start3A_178 = tpu.memref_slice %arg6[%arg0, %mul3A_0, %dma_start3A_177] : memref<2x10240x128xf32, #tpu.memory_space<hbm>> -> memref<1x640x128xf32, #tpu.memory_space<hbm>>
      %dma_start3A_179 = tpu.memref_squeeze %dma_start3A_178 : memref<1x640x128xf32, #tpu.memory_space<hbm>> -> memref<640x128xf32, #tpu.memory_space<hbm>>
      %dma_start3A_180 = arith.constant 0 : i32
      %dma_start3A_181 = tpu.memref_slice %arg12[%mul3A_0, %dma_start3A_180] : memref<10240x128xf32, #tpu.memory_space<vmem_shared>> -> memref<640x128xf32, #tpu.memory_space<vmem_shared>>
      tpu.enqueue_dma source(%dma_start3A_181 : memref<640x128xf32, #tpu.memory_space<vmem_shared>>) target(%dma_start3A_179 : memref<640x128xf32, #tpu.memory_space<hbm>>) target_semaphore(%run_scoped3A : memref<!tpu.dma_semaphore, #tpu.memory_space<semaphore_mem>>)
      %dma_wait3A_182 = arith.constant 0 : i32
      %dma_wait3A_183 = tpu.memref_slice %arg6[%arg0, %mul3A_0, %dma_wait3A_182] : memref<2x10240x128xf32, #tpu.memory_space<hbm>> -> memref<1x640x128xf32, #tpu.memory_space<hbm>>
      %dma_wait3A_184 = tpu.memref_squeeze %dma_wait3A_183 : memref<1x640x128xf32, #tpu.memory_space<hbm>> -> memref<640x128xf32, #tpu.memory_space<hbm>>
      %dma_wait3A_185 = arith.constant 0 : i32
      %dma_wait3A_186 = tpu.memref_slice %arg12[%mul3A_0, %dma_wait3A_185] : memref<10240x128xf32, #tpu.memory_space<vmem_shared>> -> memref<640x128xf32, #tpu.memory_space<vmem_shared>>
      tpu.wait_dma2 semaphore(%run_scoped3A : memref<!tpu.dma_semaphore, #tpu.memory_space<semaphore_mem>>) src(%dma_wait3A_186 : memref<640x128xf32, #tpu.memory_space<vmem_shared>>) dst(%dma_wait3A_184 : memref<640x128xf32, #tpu.memory_space<hbm>>)
      tpu.yield
    }) : () -> ()
    return
  }
}

#map = affine_map<(d0, d1) -> (0, 0)>
#map1 = affine_map<(d0, d1) -> (0, 0, 0, 0, 0)>
#map2 = affine_map<(d0, d1) -> (0, 0, 0)>
module attributes {stable_mosaic.version = 14 : i64} {
  func.func @_sc_propagate(%arg0: i32, %arg1: i32, %arg2: memref<10240x128xf32, #tpu.memory_space<hbm>>, %arg3: memref<2x16x5x16x128xi32, #tpu.memory_space<hbm>>, %arg4: memref<2x16x5x16x128xi32, #tpu.memory_space<hbm>>, %arg5: memref<40x128xf32, #tpu.memory_space<hbm>>, %arg6: memref<2x10240x128xf32, #tpu.memory_space<hbm>>, %arg7: memref<2x16x128xi32, #tpu.memory_space<vmem>>, %arg8: memref<2x16x128xi32, #tpu.memory_space<vmem>>, %arg9: memref<128x128xf32, #tpu.memory_space<vmem>>, %arg10: memref<128x128xf32, #tpu.memory_space<vmem>>, %arg11: memref<40x128xf32, #tpu.memory_space<vmem>>, %arg12: memref<10240x128xf32, #tpu.memory_space<vmem_shared>>, %arg13: memref<!tpu.dma_semaphore, #tpu.memory_space<semaphore_mem>>, %arg14: memref<!tpu.dma_semaphore, #tpu.memory_space<semaphore_mem>>, %arg15: memref<!tpu.dma_semaphore, #tpu.memory_space<semaphore_mem>>, %arg16: memref<!tpu.dma_semaphore, #tpu.memory_space<semaphore_mem>>) attributes {dimension_semantics = [#tpu.dimension_semantics<core_parallel>, #tpu.dimension_semantics<subcore_parallel>], iteration_bounds = array<i64: 2, 16>, scalar_prefetch = 0 : i64, scratch_operands = 10 : i64, tpu.core_type = #tpu.core_type<sc_vector_subcore>, window_params = [{transform_indices = #map}, {transform_indices = #map1}, {transform_indices = #map1}, {transform_indices = #map}, {transform_indices = #map2}]} {
    %mul3A = arith.constant 640 : i32
    %mul3A_0 = arith.muli %arg1, %mul3A : i32
    %dma_start3A = arith.constant 0 : i32
    %dma_start3A_1 = arith.constant 0 : i32
    %dma_start3A_2 = arith.constant 0 : i32
    %dma_start3A_3 = arith.constant 0 : i32
    %dma_start3A_4 = tpu.memref_slice %arg7[%dma_start3A_1, %dma_start3A_2, %dma_start3A_3] : memref<2x16x128xi32, #tpu.memory_space<vmem>> -> memref<1x16x128xi32, #tpu.memory_space<vmem>>
    %dma_start3A_5 = tpu.memref_squeeze %dma_start3A_4 : memref<1x16x128xi32, #tpu.memory_space<vmem>> -> memref<16x128xi32, #tpu.memory_space<vmem>>
    %dma_start3A_6 = arith.constant 0 : i32
    %dma_start3A_7 = arith.constant 0 : i32
    %dma_start3A_8 = tpu.memref_slice %arg3[%arg0, %arg1, %dma_start3A, %dma_start3A_6, %dma_start3A_7] : memref<2x16x5x16x128xi32, #tpu.memory_space<hbm>> -> memref<1x1x1x16x128xi32, #tpu.memory_space<hbm>>
    %dma_start3A_9 = tpu.memref_squeeze %dma_start3A_8 : memref<1x1x1x16x128xi32, #tpu.memory_space<hbm>> -> memref<16x128xi32, #tpu.memory_space<hbm>>
    %dma_start3A_10 = arith.constant 0 : i32
    %dma_start3A_11 = arith.constant 0 : i32
    %dma_start3A_12 = tpu.memref_slice %arg7[%dma_start3A_1, %dma_start3A_10, %dma_start3A_11] : memref<2x16x128xi32, #tpu.memory_space<vmem>> -> memref<1x16x128xi32, #tpu.memory_space<vmem>>
    %dma_start3A_13 = tpu.memref_squeeze %dma_start3A_12 : memref<1x16x128xi32, #tpu.memory_space<vmem>> -> memref<16x128xi32, #tpu.memory_space<vmem>>
    %dma_start3A_14 = arith.constant 0 : i32
    %dma_start3A_15 = arith.constant 0 : i32
    %dma_start3A_16 = tpu.memref_slice %arg3[%arg0, %arg1, %dma_start3A, %dma_start3A_14, %dma_start3A_15] : memref<2x16x5x16x128xi32, #tpu.memory_space<hbm>> -> memref<1x1x1x16x128xi32, #tpu.memory_space<hbm>>
    %dma_start3A_17 = tpu.memref_squeeze %dma_start3A_16 : memref<1x1x1x16x128xi32, #tpu.memory_space<hbm>> -> memref<16x128xi32, #tpu.memory_space<hbm>>
    tpu.enqueue_dma source(%dma_start3A_17 : memref<16x128xi32, #tpu.memory_space<hbm>>) target(%dma_start3A_13 : memref<16x128xi32, #tpu.memory_space<vmem>>) target_semaphore(%arg15 : memref<!tpu.dma_semaphore, #tpu.memory_space<semaphore_mem>>)
    %dma_start3A_18 = arith.constant 0 : i32
    %dma_start3A_19 = arith.constant 0 : i32
    %dma_start3A_20 = arith.constant 0 : i32
    %dma_start3A_21 = arith.constant 0 : i32
    %dma_start3A_22 = tpu.memref_slice %arg8[%dma_start3A_19, %dma_start3A_20, %dma_start3A_21] : memref<2x16x128xi32, #tpu.memory_space<vmem>> -> memref<1x16x128xi32, #tpu.memory_space<vmem>>
    %dma_start3A_23 = tpu.memref_squeeze %dma_start3A_22 : memref<1x16x128xi32, #tpu.memory_space<vmem>> -> memref<16x128xi32, #tpu.memory_space<vmem>>
    %dma_start3A_24 = arith.constant 0 : i32
    %dma_start3A_25 = arith.constant 0 : i32
    %dma_start3A_26 = tpu.memref_slice %arg4[%arg0, %arg1, %dma_start3A_18, %dma_start3A_24, %dma_start3A_25] : memref<2x16x5x16x128xi32, #tpu.memory_space<hbm>> -> memref<1x1x1x16x128xi32, #tpu.memory_space<hbm>>
    %dma_start3A_27 = tpu.memref_squeeze %dma_start3A_26 : memref<1x1x1x16x128xi32, #tpu.memory_space<hbm>> -> memref<16x128xi32, #tpu.memory_space<hbm>>
    %dma_start3A_28 = arith.constant 0 : i32
    %dma_start3A_29 = arith.constant 0 : i32
    %dma_start3A_30 = tpu.memref_slice %arg8[%dma_start3A_19, %dma_start3A_28, %dma_start3A_29] : memref<2x16x128xi32, #tpu.memory_space<vmem>> -> memref<1x16x128xi32, #tpu.memory_space<vmem>>
    %dma_start3A_31 = tpu.memref_squeeze %dma_start3A_30 : memref<1x16x128xi32, #tpu.memory_space<vmem>> -> memref<16x128xi32, #tpu.memory_space<vmem>>
    %dma_start3A_32 = arith.constant 0 : i32
    %dma_start3A_33 = arith.constant 0 : i32
    %dma_start3A_34 = tpu.memref_slice %arg4[%arg0, %arg1, %dma_start3A_18, %dma_start3A_32, %dma_start3A_33] : memref<2x16x5x16x128xi32, #tpu.memory_space<hbm>> -> memref<1x1x1x16x128xi32, #tpu.memory_space<hbm>>
    %dma_start3A_35 = tpu.memref_squeeze %dma_start3A_34 : memref<1x1x1x16x128xi32, #tpu.memory_space<hbm>> -> memref<16x128xi32, #tpu.memory_space<hbm>>
    tpu.enqueue_dma source(%dma_start3A_35 : memref<16x128xi32, #tpu.memory_space<hbm>>) target(%dma_start3A_31 : memref<16x128xi32, #tpu.memory_space<vmem>>) target_semaphore(%arg15 : memref<!tpu.dma_semaphore, #tpu.memory_space<semaphore_mem>>)
    %dma_start3A_36 = arith.constant 1 : i32
    %dma_start3A_37 = arith.constant 1 : i32
    %dma_start3A_38 = arith.constant 0 : i32
    %dma_start3A_39 = arith.constant 0 : i32
    %dma_start3A_40 = tpu.memref_slice %arg7[%dma_start3A_37, %dma_start3A_38, %dma_start3A_39] : memref<2x16x128xi32, #tpu.memory_space<vmem>> -> memref<1x16x128xi32, #tpu.memory_space<vmem>>
    %dma_start3A_41 = tpu.memref_squeeze %dma_start3A_40 : memref<1x16x128xi32, #tpu.memory_space<vmem>> -> memref<16x128xi32, #tpu.memory_space<vmem>>
    %dma_start3A_42 = arith.constant 0 : i32
    %dma_start3A_43 = arith.constant 0 : i32
    %dma_start3A_44 = tpu.memref_slice %arg3[%arg0, %arg1, %dma_start3A_36, %dma_start3A_42, %dma_start3A_43] : memref<2x16x5x16x128xi32, #tpu.memory_space<hbm>> -> memref<1x1x1x16x128xi32, #tpu.memory_space<hbm>>
    %dma_start3A_45 = tpu.memref_squeeze %dma_start3A_44 : memref<1x1x1x16x128xi32, #tpu.memory_space<hbm>> -> memref<16x128xi32, #tpu.memory_space<hbm>>
    %dma_start3A_46 = arith.constant 0 : i32
    %dma_start3A_47 = arith.constant 0 : i32
    %dma_start3A_48 = tpu.memref_slice %arg7[%dma_start3A_37, %dma_start3A_46, %dma_start3A_47] : memref<2x16x128xi32, #tpu.memory_space<vmem>> -> memref<1x16x128xi32, #tpu.memory_space<vmem>>
    %dma_start3A_49 = tpu.memref_squeeze %dma_start3A_48 : memref<1x16x128xi32, #tpu.memory_space<vmem>> -> memref<16x128xi32, #tpu.memory_space<vmem>>
    %dma_start3A_50 = arith.constant 0 : i32
    %dma_start3A_51 = arith.constant 0 : i32
    %dma_start3A_52 = tpu.memref_slice %arg3[%arg0, %arg1, %dma_start3A_36, %dma_start3A_50, %dma_start3A_51] : memref<2x16x5x16x128xi32, #tpu.memory_space<hbm>> -> memref<1x1x1x16x128xi32, #tpu.memory_space<hbm>>
    %dma_start3A_53 = tpu.memref_squeeze %dma_start3A_52 : memref<1x1x1x16x128xi32, #tpu.memory_space<hbm>> -> memref<16x128xi32, #tpu.memory_space<hbm>>
    tpu.enqueue_dma source(%dma_start3A_53 : memref<16x128xi32, #tpu.memory_space<hbm>>) target(%dma_start3A_49 : memref<16x128xi32, #tpu.memory_space<vmem>>) target_semaphore(%arg15 : memref<!tpu.dma_semaphore, #tpu.memory_space<semaphore_mem>>)
    %dma_start3A_54 = arith.constant 1 : i32
    %dma_start3A_55 = arith.constant 1 : i32
    %dma_start3A_56 = arith.constant 0 : i32
    %dma_start3A_57 = arith.constant 0 : i32
    %dma_start3A_58 = tpu.memref_slice %arg8[%dma_start3A_55, %dma_start3A_56, %dma_start3A_57] : memref<2x16x128xi32, #tpu.memory_space<vmem>> -> memref<1x16x128xi32, #tpu.memory_space<vmem>>
    %dma_start3A_59 = tpu.memref_squeeze %dma_start3A_58 : memref<1x16x128xi32, #tpu.memory_space<vmem>> -> memref<16x128xi32, #tpu.memory_space<vmem>>
    %dma_start3A_60 = arith.constant 0 : i32
    %dma_start3A_61 = arith.constant 0 : i32
    %dma_start3A_62 = tpu.memref_slice %arg4[%arg0, %arg1, %dma_start3A_54, %dma_start3A_60, %dma_start3A_61] : memref<2x16x5x16x128xi32, #tpu.memory_space<hbm>> -> memref<1x1x1x16x128xi32, #tpu.memory_space<hbm>>
    %dma_start3A_63 = tpu.memref_squeeze %dma_start3A_62 : memref<1x1x1x16x128xi32, #tpu.memory_space<hbm>> -> memref<16x128xi32, #tpu.memory_space<hbm>>
    %dma_start3A_64 = arith.constant 0 : i32
    %dma_start3A_65 = arith.constant 0 : i32
    %dma_start3A_66 = tpu.memref_slice %arg8[%dma_start3A_55, %dma_start3A_64, %dma_start3A_65] : memref<2x16x128xi32, #tpu.memory_space<vmem>> -> memref<1x16x128xi32, #tpu.memory_space<vmem>>
    %dma_start3A_67 = tpu.memref_squeeze %dma_start3A_66 : memref<1x16x128xi32, #tpu.memory_space<vmem>> -> memref<16x128xi32, #tpu.memory_space<vmem>>
    %dma_start3A_68 = arith.constant 0 : i32
    %dma_start3A_69 = arith.constant 0 : i32
    %dma_start3A_70 = tpu.memref_slice %arg4[%arg0, %arg1, %dma_start3A_54, %dma_start3A_68, %dma_start3A_69] : memref<2x16x5x16x128xi32, #tpu.memory_space<hbm>> -> memref<1x1x1x16x128xi32, #tpu.memory_space<hbm>>
    %dma_start3A_71 = tpu.memref_squeeze %dma_start3A_70 : memref<1x1x1x16x128xi32, #tpu.memory_space<hbm>> -> memref<16x128xi32, #tpu.memory_space<hbm>>
    tpu.enqueue_dma source(%dma_start3A_71 : memref<16x128xi32, #tpu.memory_space<hbm>>) target(%dma_start3A_67 : memref<16x128xi32, #tpu.memory_space<vmem>>) target_semaphore(%arg15 : memref<!tpu.dma_semaphore, #tpu.memory_space<semaphore_mem>>)
    "tpu.region"() ({
      %run_scoped3A = tpu.sem_alloc : memref<!tpu.dma_semaphore, #tpu.memory_space<semaphore_mem>>
      tpu.enqueue_dma source(%arg5 : memref<40x128xf32, #tpu.memory_space<hbm>>) target(%arg11 : memref<40x128xf32, #tpu.memory_space<vmem>>) target_semaphore(%run_scoped3A : memref<!tpu.dma_semaphore, #tpu.memory_space<semaphore_mem>>)
      tpu.wait_dma2 semaphore(%run_scoped3A : memref<!tpu.dma_semaphore, #tpu.memory_space<semaphore_mem>>) src(%arg5 : memref<40x128xf32, #tpu.memory_space<hbm>>) dst(%arg11 : memref<40x128xf32, #tpu.memory_space<vmem>>)
      tpu.yield
    }) : () -> ()
    %scan3A = arith.constant 0 : i32
    %scan3A_72 = arith.constant 0 : i32
    %scan3A_73 = arith.constant 16 : i32
    %scan3A_74 = arith.addi %scan3A_72, %scan3A_73 : i32
    %scan3A_75 = arith.constant 1 : i32
    scf.for %scan3A_177 = %scan3A_72 to %scan3A_74 step %scan3A_75  : i32 {
      %mul3A_178 = arith.constant 40 : i32
      %mul3A_179 = arith.muli %mul3A_178, %scan3A_177 : i32
      %add3A = arith.addi %mul3A_0, %mul3A_179 : i32
      %dma_start3A_180 = arith.constant 0 : i32
      %dma_start3A_181 = tpu.memref_slice %arg12[%add3A, %dma_start3A_180] : memref<10240x128xf32, #tpu.memory_space<vmem_shared>> -> memref<40x128xf32, #tpu.memory_space<vmem_shared>>
      %dma_start3A_182 = arith.constant 0 : i32
      %dma_start3A_183 = tpu.memref_slice %arg12[%add3A, %dma_start3A_182] : memref<10240x128xf32, #tpu.memory_space<vmem_shared>> -> memref<40x128xf32, #tpu.memory_space<vmem_shared>>
      tpu.enqueue_dma source(%arg11 : memref<40x128xf32, #tpu.memory_space<vmem>>) target(%dma_start3A_183 : memref<40x128xf32, #tpu.memory_space<vmem_shared>>) target_semaphore(%arg16 : memref<!tpu.dma_semaphore, #tpu.memory_space<semaphore_mem>>)
    }
    %scan3A_76 = arith.constant 16 : i32
    %dma_wait3A = arith.constant 0 : i32
    %dma_wait3A_77 = arith.constant 0 : i32
    %dma_wait3A_78 = arith.constant 0 : i32
    %dma_wait3A_79 = arith.constant 0 : i32
    %dma_wait3A_80 = tpu.memref_slice %arg7[%dma_wait3A_77, %dma_wait3A_78, %dma_wait3A_79] : memref<2x16x128xi32, #tpu.memory_space<vmem>> -> memref<1x16x128xi32, #tpu.memory_space<vmem>>
    %dma_wait3A_81 = tpu.memref_squeeze %dma_wait3A_80 : memref<1x16x128xi32, #tpu.memory_space<vmem>> -> memref<16x128xi32, #tpu.memory_space<vmem>>
    %dma_wait3A_82 = arith.constant 0 : i32
    %dma_wait3A_83 = arith.constant 0 : i32
    %dma_wait3A_84 = tpu.memref_slice %arg3[%arg0, %arg1, %dma_wait3A, %dma_wait3A_82, %dma_wait3A_83] : memref<2x16x5x16x128xi32, #tpu.memory_space<hbm>> -> memref<1x1x1x16x128xi32, #tpu.memory_space<hbm>>
    %dma_wait3A_85 = tpu.memref_squeeze %dma_wait3A_84 : memref<1x1x1x16x128xi32, #tpu.memory_space<hbm>> -> memref<16x128xi32, #tpu.memory_space<hbm>>
    %dma_wait3A_86 = arith.constant 0 : i32
    %dma_wait3A_87 = arith.constant 0 : i32
    %dma_wait3A_88 = tpu.memref_slice %arg7[%dma_wait3A_77, %dma_wait3A_86, %dma_wait3A_87] : memref<2x16x128xi32, #tpu.memory_space<vmem>> -> memref<1x16x128xi32, #tpu.memory_space<vmem>>
    %dma_wait3A_89 = tpu.memref_squeeze %dma_wait3A_88 : memref<1x16x128xi32, #tpu.memory_space<vmem>> -> memref<16x128xi32, #tpu.memory_space<vmem>>
    %dma_wait3A_90 = arith.constant 0 : i32
    %dma_wait3A_91 = arith.constant 0 : i32
    %dma_wait3A_92 = tpu.memref_slice %arg3[%arg0, %arg1, %dma_wait3A, %dma_wait3A_90, %dma_wait3A_91] : memref<2x16x5x16x128xi32, #tpu.memory_space<hbm>> -> memref<1x1x1x16x128xi32, #tpu.memory_space<hbm>>
    %dma_wait3A_93 = tpu.memref_squeeze %dma_wait3A_92 : memref<1x1x1x16x128xi32, #tpu.memory_space<hbm>> -> memref<16x128xi32, #tpu.memory_space<hbm>>
    tpu.wait_dma2 semaphore(%arg15 : memref<!tpu.dma_semaphore, #tpu.memory_space<semaphore_mem>>) src(%dma_wait3A_93 : memref<16x128xi32, #tpu.memory_space<hbm>>) dst(%dma_wait3A_89 : memref<16x128xi32, #tpu.memory_space<vmem>>)
    %dma_wait3A_94 = arith.constant 0 : i32
    %dma_wait3A_95 = arith.constant 0 : i32
    %dma_wait3A_96 = arith.constant 0 : i32
    %dma_wait3A_97 = arith.constant 0 : i32
    %dma_wait3A_98 = tpu.memref_slice %arg8[%dma_wait3A_95, %dma_wait3A_96, %dma_wait3A_97] : memref<2x16x128xi32, #tpu.memory_space<vmem>> -> memref<1x16x128xi32, #tpu.memory_space<vmem>>
    %dma_wait3A_99 = tpu.memref_squeeze %dma_wait3A_98 : memref<1x16x128xi32, #tpu.memory_space<vmem>> -> memref<16x128xi32, #tpu.memory_space<vmem>>
    %dma_wait3A_100 = arith.constant 0 : i32
    %dma_wait3A_101 = arith.constant 0 : i32
    %dma_wait3A_102 = tpu.memref_slice %arg4[%arg0, %arg1, %dma_wait3A_94, %dma_wait3A_100, %dma_wait3A_101] : memref<2x16x5x16x128xi32, #tpu.memory_space<hbm>> -> memref<1x1x1x16x128xi32, #tpu.memory_space<hbm>>
    %dma_wait3A_103 = tpu.memref_squeeze %dma_wait3A_102 : memref<1x1x1x16x128xi32, #tpu.memory_space<hbm>> -> memref<16x128xi32, #tpu.memory_space<hbm>>
    %dma_wait3A_104 = arith.constant 0 : i32
    %dma_wait3A_105 = arith.constant 0 : i32
    %dma_wait3A_106 = tpu.memref_slice %arg8[%dma_wait3A_95, %dma_wait3A_104, %dma_wait3A_105] : memref<2x16x128xi32, #tpu.memory_space<vmem>> -> memref<1x16x128xi32, #tpu.memory_space<vmem>>
    %dma_wait3A_107 = tpu.memref_squeeze %dma_wait3A_106 : memref<1x16x128xi32, #tpu.memory_space<vmem>> -> memref<16x128xi32, #tpu.memory_space<vmem>>
    %dma_wait3A_108 = arith.constant 0 : i32
    %dma_wait3A_109 = arith.constant 0 : i32
    %dma_wait3A_110 = tpu.memref_slice %arg4[%arg0, %arg1, %dma_wait3A_94, %dma_wait3A_108, %dma_wait3A_109] : memref<2x16x5x16x128xi32, #tpu.memory_space<hbm>> -> memref<1x1x1x16x128xi32, #tpu.memory_space<hbm>>
    %dma_wait3A_111 = tpu.memref_squeeze %dma_wait3A_110 : memref<1x1x1x16x128xi32, #tpu.memory_space<hbm>> -> memref<16x128xi32, #tpu.memory_space<hbm>>
    tpu.wait_dma2 semaphore(%arg15 : memref<!tpu.dma_semaphore, #tpu.memory_space<semaphore_mem>>) src(%dma_wait3A_111 : memref<16x128xi32, #tpu.memory_space<hbm>>) dst(%dma_wait3A_107 : memref<16x128xi32, #tpu.memory_space<vmem>>)
    %dma_wait3A_112 = arith.constant 0 : i32
    %dma_wait3A_113 = arith.constant 0 : i32
    %dma_wait3A_114 = arith.constant 0 : i32
    %dma_wait3A_115 = arith.constant 0 : i32
    %dma_wait3A_116 = tpu.memref_slice %arg7[%dma_wait3A_113, %dma_wait3A_114, %dma_wait3A_115] : memref<2x16x128xi32, #tpu.memory_space<vmem>> -> memref<1x16x128xi32, #tpu.memory_space<vmem>>
    %dma_wait3A_117 = tpu.memref_squeeze %dma_wait3A_116 : memref<1x16x128xi32, #tpu.memory_space<vmem>> -> memref<16x128xi32, #tpu.memory_space<vmem>>
    %dma_wait3A_118 = arith.constant 0 : i32
    %dma_wait3A_119 = arith.constant 0 : i32
    %dma_wait3A_120 = tpu.memref_slice %arg3[%arg0, %arg1, %dma_wait3A_112, %dma_wait3A_118, %dma_wait3A_119] : memref<2x16x5x16x128xi32, #tpu.memory_space<hbm>> -> memref<1x1x1x16x128xi32, #tpu.memory_space<hbm>>
    %dma_wait3A_121 = tpu.memref_squeeze %dma_wait3A_120 : memref<1x1x1x16x128xi32, #tpu.memory_space<hbm>> -> memref<16x128xi32, #tpu.memory_space<hbm>>
    %dma_wait3A_122 = arith.constant 0 : i32
    %dma_wait3A_123 = arith.constant 0 : i32
    %dma_wait3A_124 = tpu.memref_slice %arg7[%dma_wait3A_113, %dma_wait3A_122, %dma_wait3A_123] : memref<2x16x128xi32, #tpu.memory_space<vmem>> -> memref<1x16x128xi32, #tpu.memory_space<vmem>>
    %dma_wait3A_125 = tpu.memref_squeeze %dma_wait3A_124 : memref<1x16x128xi32, #tpu.memory_space<vmem>> -> memref<16x128xi32, #tpu.memory_space<vmem>>
    %dma_wait3A_126 = arith.constant 0 : i32
    %dma_wait3A_127 = arith.constant 0 : i32
    %dma_wait3A_128 = tpu.memref_slice %arg3[%arg0, %arg1, %dma_wait3A_112, %dma_wait3A_126, %dma_wait3A_127] : memref<2x16x5x16x128xi32, #tpu.memory_space<hbm>> -> memref<1x1x1x16x128xi32, #tpu.memory_space<hbm>>
    %dma_wait3A_129 = tpu.memref_squeeze %dma_wait3A_128 : memref<1x1x1x16x128xi32, #tpu.memory_space<hbm>> -> memref<16x128xi32, #tpu.memory_space<hbm>>
    tpu.wait_dma2 semaphore(%arg15 : memref<!tpu.dma_semaphore, #tpu.memory_space<semaphore_mem>>) src(%dma_wait3A_129 : memref<16x128xi32, #tpu.memory_space<hbm>>) dst(%dma_wait3A_125 : memref<16x128xi32, #tpu.memory_space<vmem>>)
    %dma_wait3A_130 = arith.constant 0 : i32
    %dma_wait3A_131 = arith.constant 0 : i32
    %dma_wait3A_132 = arith.constant 0 : i32
    %dma_wait3A_133 = arith.constant 0 : i32
    %dma_wait3A_134 = tpu.memref_slice %arg8[%dma_wait3A_131, %dma_wait3A_132, %dma_wait3A_133] : memref<2x16x128xi32, #tpu.memory_space<vmem>> -> memref<1x16x128xi32, #tpu.memory_space<vmem>>
    %dma_wait3A_135 = tpu.memref_squeeze %dma_wait3A_134 : memref<1x16x128xi32, #tpu.memory_space<vmem>> -> memref<16x128xi32, #tpu.memory_space<vmem>>
    %dma_wait3A_136 = arith.constant 0 : i32
    %dma_wait3A_137 = arith.constant 0 : i32
    %dma_wait3A_138 = tpu.memref_slice %arg4[%arg0, %arg1, %dma_wait3A_130, %dma_wait3A_136, %dma_wait3A_137] : memref<2x16x5x16x128xi32, #tpu.memory_space<hbm>> -> memref<1x1x1x16x128xi32, #tpu.memory_space<hbm>>
    %dma_wait3A_139 = tpu.memref_squeeze %dma_wait3A_138 : memref<1x1x1x16x128xi32, #tpu.memory_space<hbm>> -> memref<16x128xi32, #tpu.memory_space<hbm>>
    %dma_wait3A_140 = arith.constant 0 : i32
    %dma_wait3A_141 = arith.constant 0 : i32
    %dma_wait3A_142 = tpu.memref_slice %arg8[%dma_wait3A_131, %dma_wait3A_140, %dma_wait3A_141] : memref<2x16x128xi32, #tpu.memory_space<vmem>> -> memref<1x16x128xi32, #tpu.memory_space<vmem>>
    %dma_wait3A_143 = tpu.memref_squeeze %dma_wait3A_142 : memref<1x16x128xi32, #tpu.memory_space<vmem>> -> memref<16x128xi32, #tpu.memory_space<vmem>>
    %dma_wait3A_144 = arith.constant 0 : i32
    %dma_wait3A_145 = arith.constant 0 : i32
    %dma_wait3A_146 = tpu.memref_slice %arg4[%arg0, %arg1, %dma_wait3A_130, %dma_wait3A_144, %dma_wait3A_145] : memref<2x16x5x16x128xi32, #tpu.memory_space<hbm>> -> memref<1x1x1x16x128xi32, #tpu.memory_space<hbm>>
    %dma_wait3A_147 = tpu.memref_squeeze %dma_wait3A_146 : memref<1x1x1x16x128xi32, #tpu.memory_space<hbm>> -> memref<16x128xi32, #tpu.memory_space<hbm>>
    tpu.wait_dma2 semaphore(%arg15 : memref<!tpu.dma_semaphore, #tpu.memory_space<semaphore_mem>>) src(%dma_wait3A_147 : memref<16x128xi32, #tpu.memory_space<hbm>>) dst(%dma_wait3A_143 : memref<16x128xi32, #tpu.memory_space<vmem>>)
    %dma_start3A_148 = arith.constant 0 : i32
    %dma_start3A_149 = arith.constant 0 : i32
    %dma_start3A_150 = arith.constant 0 : i32
    %dma_start3A_151 = tpu.memref_slice %arg7[%dma_start3A_148, %dma_start3A_149, %dma_start3A_150] : memref<2x16x128xi32, #tpu.memory_space<vmem>> -> memref<1x1x128xi32, #tpu.memory_space<vmem>>
    %dma_start3A_152 = tpu.memref_squeeze %dma_start3A_151 : memref<1x1x128xi32, #tpu.memory_space<vmem>> -> memref<128xi32, #tpu.memory_space<vmem>>
    %dma_start3A_153 = arith.constant 0 : i32
    %dma_start3A_154 = arith.constant 0 : i32
    %dma_start3A_155 = tpu.memref_slice %arg2[%dma_start3A_153, %dma_start3A_154] : memref<10240x128xf32, #tpu.memory_space<hbm>> -> memref<10240x128xf32, #tpu.memory_space<hbm>>
    tpu.enqueue_indirect_dma source(%dma_start3A_155 : memref<10240x128xf32, #tpu.memory_space<hbm>>) target(%arg9 : memref<128x128xf32, #tpu.memory_space<vmem>>) offsets(%dma_start3A_152 : memref<128xi32, #tpu.memory_space<vmem>>) semaphore(%arg13 : memref<!tpu.dma_semaphore, #tpu.memory_space<semaphore_mem>>)
    %dma_start3A_156 = arith.constant 0 : i32
    %dma_start3A_157 = arith.constant 1 : i32
    %dma_start3A_158 = arith.constant 0 : i32
    %dma_start3A_159 = tpu.memref_slice %arg7[%dma_start3A_156, %dma_start3A_157, %dma_start3A_158] : memref<2x16x128xi32, #tpu.memory_space<vmem>> -> memref<1x1x128xi32, #tpu.memory_space<vmem>>
    %dma_start3A_160 = tpu.memref_squeeze %dma_start3A_159 : memref<1x1x128xi32, #tpu.memory_space<vmem>> -> memref<128xi32, #tpu.memory_space<vmem>>
    %dma_start3A_161 = arith.constant 0 : i32
    %dma_start3A_162 = arith.constant 0 : i32
    %dma_start3A_163 = tpu.memref_slice %arg2[%dma_start3A_161, %dma_start3A_162] : memref<10240x128xf32, #tpu.memory_space<hbm>> -> memref<10240x128xf32, #tpu.memory_space<hbm>>
    tpu.enqueue_indirect_dma source(%dma_start3A_163 : memref<10240x128xf32, #tpu.memory_space<hbm>>) target(%arg10 : memref<128x128xf32, #tpu.memory_space<vmem>>) offsets(%dma_start3A_160 : memref<128xi32, #tpu.memory_space<vmem>>) semaphore(%arg14 : memref<!tpu.dma_semaphore, #tpu.memory_space<semaphore_mem>>)
    %scan3A_164 = arith.constant 0 : i32
    %scan3A_165 = arith.constant 0 : i32
    %scan3A_166 = arith.constant 16 : i32
    %scan3A_167 = arith.addi %scan3A_165, %scan3A_166 : i32
    %scan3A_168 = arith.constant 1 : i32
    scf.for %scan3A_177 = %scan3A_165 to %scan3A_167 step %scan3A_168  : i32 {
      %dma_wait3A_178 = arith.constant 0 : i32
      %dma_wait3A_179 = tpu.memref_slice %arg12[%mul3A_0, %dma_wait3A_178] : memref<10240x128xf32, #tpu.memory_space<vmem_shared>> -> memref<40x128xf32, #tpu.memory_space<vmem_shared>>
      %dma_wait3A_180 = arith.constant 0 : i32
      %dma_wait3A_181 = tpu.memref_slice %arg12[%mul3A_0, %dma_wait3A_180] : memref<10240x128xf32, #tpu.memory_space<vmem_shared>> -> memref<40x128xf32, #tpu.memory_space<vmem_shared>>
      tpu.wait_dma2 semaphore(%arg16 : memref<!tpu.dma_semaphore, #tpu.memory_space<semaphore_mem>>) src(%arg11 : memref<40x128xf32, #tpu.memory_space<vmem>>) dst(%dma_wait3A_181 : memref<40x128xf32, #tpu.memory_space<vmem_shared>>)
    }
    %scan3A_169 = arith.constant 16 : i32
    %barrier3A = arith.constant 0 : index
    tpu.barrier barrier_id(%barrier3A)
    %scan3A_170 = arith.constant 0 : i32
    %scan3A_171 = arith.constant 0 : i32
    %scan3A_172 = arith.constant 40 : i32
    %scan3A_173 = arith.addi %scan3A_171, %scan3A_172 : i32
    %scan3A_174 = arith.constant 1 : i32
    scf.for %scan3A_177 = %scan3A_171 to %scan3A_173 step %scan3A_174  : i32 {
      %mul3A_178 = arith.constant 2 : i32
      %mul3A_179 = arith.muli %mul3A_178, %scan3A_177 : i32
      %jit3A = arith.constant 16 : i32
      %eq3A = arith.constant 0 : i32
      %eq3A_180 = arith.cmpi eq, %jit3A, %eq3A : i32
      %jit3A_181 = arith.constant 1 : i32
      %select_n3A = arith.select %eq3A_180, %jit3A_181, %jit3A : i32
      %rem3A = arith.remsi %mul3A_179, %select_n3A : i32
      %ne3A = arith.constant 0 : i32
      %ne3A_182 = arith.cmpi ne, %rem3A, %ne3A : i32
      %lt3A = arith.constant 0 : i32
      %lt3A_183 = arith.cmpi slt, %rem3A, %lt3A : i32
      %lt3A_184 = arith.constant 0 : i32
      %lt3A_185 = arith.cmpi slt, %select_n3A, %lt3A_184 : i32
      %ne3A_186 = arith.xori %lt3A_183, %lt3A_185 : i1
      %and3A = arith.andi %ne3A_186, %ne3A_182 : i1
      %add3A = arith.addi %rem3A, %select_n3A : i32
      %select_n3A_187 = arith.select %and3A, %add3A, %rem3A : i32
      %eq3A_188 = arith.constant 0 : i32
      %eq3A_189 = arith.cmpi eq, %select_n3A_187, %eq3A_188 : i32
      %gt3A = arith.constant 0 : i32
      %gt3A_190 = arith.cmpi sgt, %mul3A_179, %gt3A : i32
      %and3A_191 = arith.andi %eq3A_189, %gt3A_190 : i1
      %lt3A_192 = arith.constant 64 : i32
      %lt3A_193 = arith.cmpi slt, %mul3A_179, %lt3A_192 : i32
      %and3A_194 = arith.andi %and3A_191, %lt3A_193 : i1
      %convert_element_type3A = arith.extui %and3A_194 : i1 to i32
      %cond3A = arith.constant 0 : i32
      %cond3A_195 = arith.cmpi ne, %convert_element_type3A, %cond3A : i32
      scf.if %cond3A_195 {
        %jit3A_313 = arith.constant 16 : i32
        %div3A_314 = arith.divsi %mul3A_179, %jit3A_313 : i32
        %sign3A_315 = arith.constant 0 : i32
        %sign3A_316 = arith.cmpi sgt, %mul3A_179, %sign3A_315 : i32
        %sign3A_317 = arith.extui %sign3A_316 : i1 to i32
        %sign3A_318 = arith.constant 0 : i32
        %sign3A_319 = arith.cmpi slt, %mul3A_179, %sign3A_318 : i32
        %sign3A_320 = arith.extui %sign3A_319 : i1 to i32
        %sign3A_321 = arith.subi %sign3A_317, %sign3A_320 : i32
        %sign3A_322 = arith.constant 0 : i32
        %sign3A_323 = arith.cmpi sgt, %jit3A_313, %sign3A_322 : i32
        %sign3A_324 = arith.extui %sign3A_323 : i1 to i32
        %sign3A_325 = arith.constant 0 : i32
        %sign3A_326 = arith.cmpi slt, %jit3A_313, %sign3A_325 : i32
        %sign3A_327 = arith.extui %sign3A_326 : i1 to i32
        %sign3A_328 = arith.subi %sign3A_324, %sign3A_327 : i32
        %ne3A_329 = arith.cmpi ne, %sign3A_321, %sign3A_328 : i32
        %rem3A_330 = arith.remsi %mul3A_179, %jit3A_313 : i32
        %ne3A_331 = arith.constant 0 : i32
        %ne3A_332 = arith.cmpi ne, %rem3A_330, %ne3A_331 : i32
        %and3A_333 = arith.andi %ne3A_329, %ne3A_332 : i1
        %sub3A_334 = arith.constant 1 : i32
        %sub3A_335 = arith.subi %div3A_314, %sub3A_334 : i32
        %select_n3A_336 = arith.select %and3A_333, %sub3A_335, %div3A_314 : i32
        %add3A_337 = arith.constant 1 : i32
        %add3A_338 = arith.addi %select_n3A_336, %add3A_337 : i32
        %jit3A_339 = arith.constant 2 : i32
        %eq3A_340 = arith.constant 0 : i32
        %eq3A_341 = arith.cmpi eq, %jit3A_339, %eq3A_340 : i32
        %jit3A_342 = arith.constant 1 : i32
        %select_n3A_343 = arith.select %eq3A_341, %jit3A_342, %jit3A_339 : i32
        %rem3A_344 = arith.remsi %add3A_338, %select_n3A_343 : i32
        %ne3A_345 = arith.constant 0 : i32
        %ne3A_346 = arith.cmpi ne, %rem3A_344, %ne3A_345 : i32
        %lt3A_347 = arith.constant 0 : i32
        %lt3A_348 = arith.cmpi slt, %rem3A_344, %lt3A_347 : i32
        %lt3A_349 = arith.constant 0 : i32
        %lt3A_350 = arith.cmpi slt, %select_n3A_343, %lt3A_349 : i32
        %ne3A_351 = arith.xori %lt3A_348, %lt3A_350 : i1
        %and3A_352 = arith.andi %ne3A_351, %ne3A_346 : i1
        %add3A_353 = arith.addi %rem3A_344, %select_n3A_343 : i32
        %select_n3A_354 = arith.select %and3A_352, %add3A_353, %rem3A_344 : i32
        %dma_start3A_355 = arith.constant 0 : i32
        %dma_start3A_356 = arith.constant 0 : i32
        %dma_start3A_357 = tpu.memref_slice %arg7[%select_n3A_354, %dma_start3A_355, %dma_start3A_356] : memref<2x16x128xi32, #tpu.memory_space<vmem>> -> memref<1x16x128xi32, #tpu.memory_space<vmem>>
        %dma_start3A_358 = tpu.memref_squeeze %dma_start3A_357 : memref<1x16x128xi32, #tpu.memory_space<vmem>> -> memref<16x128xi32, #tpu.memory_space<vmem>>
        %dma_start3A_359 = arith.constant 0 : i32
        %dma_start3A_360 = arith.constant 0 : i32
        %dma_start3A_361 = tpu.memref_slice %arg3[%arg0, %arg1, %add3A_338, %dma_start3A_359, %dma_start3A_360] : memref<2x16x5x16x128xi32, #tpu.memory_space<hbm>> -> memref<1x1x1x16x128xi32, #tpu.memory_space<hbm>>
        %dma_start3A_362 = tpu.memref_squeeze %dma_start3A_361 : memref<1x1x1x16x128xi32, #tpu.memory_space<hbm>> -> memref<16x128xi32, #tpu.memory_space<hbm>>
        %dma_start3A_363 = arith.constant 0 : i32
        %dma_start3A_364 = arith.constant 0 : i32
        %dma_start3A_365 = tpu.memref_slice %arg7[%select_n3A_354, %dma_start3A_363, %dma_start3A_364] : memref<2x16x128xi32, #tpu.memory_space<vmem>> -> memref<1x16x128xi32, #tpu.memory_space<vmem>>
        %dma_start3A_366 = tpu.memref_squeeze %dma_start3A_365 : memref<1x16x128xi32, #tpu.memory_space<vmem>> -> memref<16x128xi32, #tpu.memory_space<vmem>>
        %dma_start3A_367 = arith.constant 0 : i32
        %dma_start3A_368 = arith.constant 0 : i32
        %dma_start3A_369 = tpu.memref_slice %arg3[%arg0, %arg1, %add3A_338, %dma_start3A_367, %dma_start3A_368] : memref<2x16x5x16x128xi32, #tpu.memory_space<hbm>> -> memref<1x1x1x16x128xi32, #tpu.memory_space<hbm>>
        %dma_start3A_370 = tpu.memref_squeeze %dma_start3A_369 : memref<1x1x1x16x128xi32, #tpu.memory_space<hbm>> -> memref<16x128xi32, #tpu.memory_space<hbm>>
        tpu.enqueue_dma source(%dma_start3A_370 : memref<16x128xi32, #tpu.memory_space<hbm>>) target(%dma_start3A_366 : memref<16x128xi32, #tpu.memory_space<vmem>>) target_semaphore(%arg15 : memref<!tpu.dma_semaphore, #tpu.memory_space<semaphore_mem>>)
        %jit3A_371 = arith.constant 2 : i32
        %eq3A_372 = arith.constant 0 : i32
        %eq3A_373 = arith.cmpi eq, %jit3A_371, %eq3A_372 : i32
        %jit3A_374 = arith.constant 1 : i32
        %select_n3A_375 = arith.select %eq3A_373, %jit3A_374, %jit3A_371 : i32
        %rem3A_376 = arith.remsi %add3A_338, %select_n3A_375 : i32
        %ne3A_377 = arith.constant 0 : i32
        %ne3A_378 = arith.cmpi ne, %rem3A_376, %ne3A_377 : i32
        %lt3A_379 = arith.constant 0 : i32
        %lt3A_380 = arith.cmpi slt, %rem3A_376, %lt3A_379 : i32
        %lt3A_381 = arith.constant 0 : i32
        %lt3A_382 = arith.cmpi slt, %select_n3A_375, %lt3A_381 : i32
        %ne3A_383 = arith.xori %lt3A_380, %lt3A_382 : i1
        %and3A_384 = arith.andi %ne3A_383, %ne3A_378 : i1
        %add3A_385 = arith.addi %rem3A_376, %select_n3A_375 : i32
        %select_n3A_386 = arith.select %and3A_384, %add3A_385, %rem3A_376 : i32
        %dma_start3A_387 = arith.constant 0 : i32
        %dma_start3A_388 = arith.constant 0 : i32
        %dma_start3A_389 = tpu.memref_slice %arg8[%select_n3A_386, %dma_start3A_387, %dma_start3A_388] : memref<2x16x128xi32, #tpu.memory_space<vmem>> -> memref<1x16x128xi32, #tpu.memory_space<vmem>>
        %dma_start3A_390 = tpu.memref_squeeze %dma_start3A_389 : memref<1x16x128xi32, #tpu.memory_space<vmem>> -> memref<16x128xi32, #tpu.memory_space<vmem>>
        %dma_start3A_391 = arith.constant 0 : i32
        %dma_start3A_392 = arith.constant 0 : i32
        %dma_start3A_393 = tpu.memref_slice %arg4[%arg0, %arg1, %add3A_338, %dma_start3A_391, %dma_start3A_392] : memref<2x16x5x16x128xi32, #tpu.memory_space<hbm>> -> memref<1x1x1x16x128xi32, #tpu.memory_space<hbm>>
        %dma_start3A_394 = tpu.memref_squeeze %dma_start3A_393 : memref<1x1x1x16x128xi32, #tpu.memory_space<hbm>> -> memref<16x128xi32, #tpu.memory_space<hbm>>
        %dma_start3A_395 = arith.constant 0 : i32
        %dma_start3A_396 = arith.constant 0 : i32
        %dma_start3A_397 = tpu.memref_slice %arg8[%select_n3A_386, %dma_start3A_395, %dma_start3A_396] : memref<2x16x128xi32, #tpu.memory_space<vmem>> -> memref<1x16x128xi32, #tpu.memory_space<vmem>>
        %dma_start3A_398 = tpu.memref_squeeze %dma_start3A_397 : memref<1x16x128xi32, #tpu.memory_space<vmem>> -> memref<16x128xi32, #tpu.memory_space<vmem>>
        %dma_start3A_399 = arith.constant 0 : i32
        %dma_start3A_400 = arith.constant 0 : i32
        %dma_start3A_401 = tpu.memref_slice %arg4[%arg0, %arg1, %add3A_338, %dma_start3A_399, %dma_start3A_400] : memref<2x16x5x16x128xi32, #tpu.memory_space<hbm>> -> memref<1x1x1x16x128xi32, #tpu.memory_space<hbm>>
        %dma_start3A_402 = tpu.memref_squeeze %dma_start3A_401 : memref<1x1x1x16x128xi32, #tpu.memory_space<hbm>> -> memref<16x128xi32, #tpu.memory_space<hbm>>
        tpu.enqueue_dma source(%dma_start3A_402 : memref<16x128xi32, #tpu.memory_space<hbm>>) target(%dma_start3A_398 : memref<16x128xi32, #tpu.memory_space<vmem>>) target_semaphore(%arg15 : memref<!tpu.dma_semaphore, #tpu.memory_space<semaphore_mem>>)
      } else {
      }
      %add3A_196 = arith.constant 2 : i32
      %add3A_197 = arith.addi %mul3A_179, %add3A_196 : i32
      %jit3A_198 = arith.constant 16 : i32
      %eq3A_199 = arith.constant 0 : i32
      %eq3A_200 = arith.cmpi eq, %jit3A_198, %eq3A_199 : i32
      %jit3A_201 = arith.constant 1 : i32
      %select_n3A_202 = arith.select %eq3A_200, %jit3A_201, %jit3A_198 : i32
      %rem3A_203 = arith.remsi %add3A_197, %select_n3A_202 : i32
      %ne3A_204 = arith.constant 0 : i32
      %ne3A_205 = arith.cmpi ne, %rem3A_203, %ne3A_204 : i32
      %lt3A_206 = arith.constant 0 : i32
      %lt3A_207 = arith.cmpi slt, %rem3A_203, %lt3A_206 : i32
      %lt3A_208 = arith.constant 0 : i32
      %lt3A_209 = arith.cmpi slt, %select_n3A_202, %lt3A_208 : i32
      %ne3A_210 = arith.xori %lt3A_207, %lt3A_209 : i1
      %and3A_211 = arith.andi %ne3A_210, %ne3A_205 : i1
      %add3A_212 = arith.addi %rem3A_203, %select_n3A_202 : i32
      %select_n3A_213 = arith.select %and3A_211, %add3A_212, %rem3A_203 : i32
      %eq3A_214 = arith.constant 0 : i32
      %eq3A_215 = arith.cmpi eq, %select_n3A_213, %eq3A_214 : i32
      %add3A_216 = arith.constant 2 : i32
      %add3A_217 = arith.addi %mul3A_179, %add3A_216 : i32
      %ge3A = arith.constant 32 : i32
      %ge3A_218 = arith.cmpi sge, %add3A_217, %ge3A : i32
      %and3A_219 = arith.andi %eq3A_215, %ge3A_218 : i1
      %add3A_220 = arith.constant 2 : i32
      %add3A_221 = arith.addi %mul3A_179, %add3A_220 : i32
      %lt3A_222 = arith.constant 80 : i32
      %lt3A_223 = arith.cmpi slt, %add3A_221, %lt3A_222 : i32
      %and3A_224 = arith.andi %and3A_219, %lt3A_223 : i1
      %convert_element_type3A_225 = arith.extui %and3A_224 : i1 to i32
      %cond3A_226 = arith.constant 0 : i32
      %cond3A_227 = arith.cmpi ne, %convert_element_type3A_225, %cond3A_226 : i32
      scf.if %cond3A_227 {
        %dma_wait3A_313 = arith.constant 0 : i32
        %dma_wait3A_314 = arith.constant 0 : i32
        %dma_wait3A_315 = arith.constant 0 : i32
        %dma_wait3A_316 = arith.constant 0 : i32
        %dma_wait3A_317 = tpu.memref_slice %arg7[%dma_wait3A_314, %dma_wait3A_315, %dma_wait3A_316] : memref<2x16x128xi32, #tpu.memory_space<vmem>> -> memref<1x16x128xi32, #tpu.memory_space<vmem>>
        %dma_wait3A_318 = tpu.memref_squeeze %dma_wait3A_317 : memref<1x16x128xi32, #tpu.memory_space<vmem>> -> memref<16x128xi32, #tpu.memory_space<vmem>>
        %dma_wait3A_319 = arith.constant 0 : i32
        %dma_wait3A_320 = arith.constant 0 : i32
        %dma_wait3A_321 = tpu.memref_slice %arg3[%arg0, %arg1, %dma_wait3A_313, %dma_wait3A_319, %dma_wait3A_320] : memref<2x16x5x16x128xi32, #tpu.memory_space<hbm>> -> memref<1x1x1x16x128xi32, #tpu.memory_space<hbm>>
        %dma_wait3A_322 = tpu.memref_squeeze %dma_wait3A_321 : memref<1x1x1x16x128xi32, #tpu.memory_space<hbm>> -> memref<16x128xi32, #tpu.memory_space<hbm>>
        %dma_wait3A_323 = arith.constant 0 : i32
        %dma_wait3A_324 = arith.constant 0 : i32
        %dma_wait3A_325 = tpu.memref_slice %arg7[%dma_wait3A_314, %dma_wait3A_323, %dma_wait3A_324] : memref<2x16x128xi32, #tpu.memory_space<vmem>> -> memref<1x16x128xi32, #tpu.memory_space<vmem>>
        %dma_wait3A_326 = tpu.memref_squeeze %dma_wait3A_325 : memref<1x16x128xi32, #tpu.memory_space<vmem>> -> memref<16x128xi32, #tpu.memory_space<vmem>>
        %dma_wait3A_327 = arith.constant 0 : i32
        %dma_wait3A_328 = arith.constant 0 : i32
        %dma_wait3A_329 = tpu.memref_slice %arg3[%arg0, %arg1, %dma_wait3A_313, %dma_wait3A_327, %dma_wait3A_328] : memref<2x16x5x16x128xi32, #tpu.memory_space<hbm>> -> memref<1x1x1x16x128xi32, #tpu.memory_space<hbm>>
        %dma_wait3A_330 = tpu.memref_squeeze %dma_wait3A_329 : memref<1x1x1x16x128xi32, #tpu.memory_space<hbm>> -> memref<16x128xi32, #tpu.memory_space<hbm>>
        tpu.wait_dma2 semaphore(%arg15 : memref<!tpu.dma_semaphore, #tpu.memory_space<semaphore_mem>>) src(%dma_wait3A_330 : memref<16x128xi32, #tpu.memory_space<hbm>>) dst(%dma_wait3A_326 : memref<16x128xi32, #tpu.memory_space<vmem>>)
        %dma_wait3A_331 = arith.constant 0 : i32
        %dma_wait3A_332 = arith.constant 0 : i32
        %dma_wait3A_333 = arith.constant 0 : i32
        %dma_wait3A_334 = arith.constant 0 : i32
        %dma_wait3A_335 = tpu.memref_slice %arg8[%dma_wait3A_332, %dma_wait3A_333, %dma_wait3A_334] : memref<2x16x128xi32, #tpu.memory_space<vmem>> -> memref<1x16x128xi32, #tpu.memory_space<vmem>>
        %dma_wait3A_336 = tpu.memref_squeeze %dma_wait3A_335 : memref<1x16x128xi32, #tpu.memory_space<vmem>> -> memref<16x128xi32, #tpu.memory_space<vmem>>
        %dma_wait3A_337 = arith.constant 0 : i32
        %dma_wait3A_338 = arith.constant 0 : i32
        %dma_wait3A_339 = tpu.memref_slice %arg4[%arg0, %arg1, %dma_wait3A_331, %dma_wait3A_337, %dma_wait3A_338] : memref<2x16x5x16x128xi32, #tpu.memory_space<hbm>> -> memref<1x1x1x16x128xi32, #tpu.memory_space<hbm>>
        %dma_wait3A_340 = tpu.memref_squeeze %dma_wait3A_339 : memref<1x1x1x16x128xi32, #tpu.memory_space<hbm>> -> memref<16x128xi32, #tpu.memory_space<hbm>>
        %dma_wait3A_341 = arith.constant 0 : i32
        %dma_wait3A_342 = arith.constant 0 : i32
        %dma_wait3A_343 = tpu.memref_slice %arg8[%dma_wait3A_332, %dma_wait3A_341, %dma_wait3A_342] : memref<2x16x128xi32, #tpu.memory_space<vmem>> -> memref<1x16x128xi32, #tpu.memory_space<vmem>>
        %dma_wait3A_344 = tpu.memref_squeeze %dma_wait3A_343 : memref<1x16x128xi32, #tpu.memory_space<vmem>> -> memref<16x128xi32, #tpu.memory_space<vmem>>
        %dma_wait3A_345 = arith.constant 0 : i32
        %dma_wait3A_346 = arith.constant 0 : i32
        %dma_wait3A_347 = tpu.memref_slice %arg4[%arg0, %arg1, %dma_wait3A_331, %dma_wait3A_345, %dma_wait3A_346] : memref<2x16x5x16x128xi32, #tpu.memory_space<hbm>> -> memref<1x1x1x16x128xi32, #tpu.memory_space<hbm>>
        %dma_wait3A_348 = tpu.memref_squeeze %dma_wait3A_347 : memref<1x1x1x16x128xi32, #tpu.memory_space<hbm>> -> memref<16x128xi32, #tpu.memory_space<hbm>>
        tpu.wait_dma2 semaphore(%arg15 : memref<!tpu.dma_semaphore, #tpu.memory_space<semaphore_mem>>) src(%dma_wait3A_348 : memref<16x128xi32, #tpu.memory_space<hbm>>) dst(%dma_wait3A_344 : memref<16x128xi32, #tpu.memory_space<vmem>>)
      } else {
      }
      %jit3A_228 = arith.constant 16 : i32
      %div3A = arith.divsi %mul3A_179, %jit3A_228 : i32
      %sign3A = arith.constant 0 : i32
      %sign3A_229 = arith.cmpi sgt, %mul3A_179, %sign3A : i32
      %sign3A_230 = arith.extui %sign3A_229 : i1 to i32
      %sign3A_231 = arith.constant 0 : i32
      %sign3A_232 = arith.cmpi slt, %mul3A_179, %sign3A_231 : i32
      %sign3A_233 = arith.extui %sign3A_232 : i1 to i32
      %sign3A_234 = arith.subi %sign3A_230, %sign3A_233 : i32
      %sign3A_235 = arith.constant 0 : i32
      %sign3A_236 = arith.cmpi sgt, %jit3A_228, %sign3A_235 : i32
      %sign3A_237 = arith.extui %sign3A_236 : i1 to i32
      %sign3A_238 = arith.constant 0 : i32
      %sign3A_239 = arith.cmpi slt, %jit3A_228, %sign3A_238 : i32
      %sign3A_240 = arith.extui %sign3A_239 : i1 to i32
      %sign3A_241 = arith.subi %sign3A_237, %sign3A_240 : i32
      %ne3A_242 = arith.cmpi ne, %sign3A_234, %sign3A_241 : i32
      %rem3A_243 = arith.remsi %mul3A_179, %jit3A_228 : i32
      %ne3A_244 = arith.constant 0 : i32
      %ne3A_245 = arith.cmpi ne, %rem3A_243, %ne3A_244 : i32
      %and3A_246 = arith.andi %ne3A_242, %ne3A_245 : i1
      %sub3A = arith.constant 1 : i32
      %sub3A_247 = arith.subi %div3A, %sub3A : i32
      %select_n3A_248 = arith.select %and3A_246, %sub3A_247, %div3A : i32
      %jit3A_249 = arith.constant 2 : i32
      %eq3A_250 = arith.constant 0 : i32
      %eq3A_251 = arith.cmpi eq, %jit3A_249, %eq3A_250 : i32
      %jit3A_252 = arith.constant 1 : i32
      %select_n3A_253 = arith.select %eq3A_251, %jit3A_252, %jit3A_249 : i32
      %rem3A_254 = arith.remsi %select_n3A_248, %select_n3A_253 : i32
      %ne3A_255 = arith.constant 0 : i32
      %ne3A_256 = arith.cmpi ne, %rem3A_254, %ne3A_255 : i32
      %lt3A_257 = arith.constant 0 : i32
      %lt3A_258 = arith.cmpi slt, %rem3A_254, %lt3A_257 : i32
      %lt3A_259 = arith.constant 0 : i32
      %lt3A_260 = arith.cmpi slt, %select_n3A_253, %lt3A_259 : i32
      %ne3A_261 = arith.xori %lt3A_258, %lt3A_260 : i1
      %and3A_262 = arith.andi %ne3A_261, %ne3A_256 : i1
      %add3A_263 = arith.addi %rem3A_254, %select_n3A_253 : i32
      %select_n3A_264 = arith.select %and3A_262, %add3A_263, %rem3A_254 : i32
      %jit3A_265 = arith.constant 16 : i32
      %eq3A_266 = arith.constant 0 : i32
      %eq3A_267 = arith.cmpi eq, %jit3A_265, %eq3A_266 : i32
      %jit3A_268 = arith.constant 1 : i32
      %select_n3A_269 = arith.select %eq3A_267, %jit3A_268, %jit3A_265 : i32
      %rem3A_270 = arith.remsi %mul3A_179, %select_n3A_269 : i32
      %ne3A_271 = arith.constant 0 : i32
      %ne3A_272 = arith.cmpi ne, %rem3A_270, %ne3A_271 : i32
      %lt3A_273 = arith.constant 0 : i32
      %lt3A_274 = arith.cmpi slt, %rem3A_270, %lt3A_273 : i32
      %lt3A_275 = arith.constant 0 : i32
      %lt3A_276 = arith.cmpi slt, %select_n3A_269, %lt3A_275 : i32
      %ne3A_277 = arith.xori %lt3A_274, %lt3A_276 : i1
      %and3A_278 = arith.andi %ne3A_277, %ne3A_272 : i1
      %add3A_279 = arith.addi %rem3A_270, %select_n3A_269 : i32
      %select_n3A_280 = arith.select %and3A_278, %add3A_279, %rem3A_270 : i32
      %dma_wait3A_281 = arith.constant 0 : i32
      %dma_wait3A_282 = arith.constant 0 : i32
      %dma_wait3A_283 = arith.constant 0 : i32
      %dma_wait3A_284 = tpu.memref_slice %arg7[%dma_wait3A_281, %dma_wait3A_282, %dma_wait3A_283] : memref<2x16x128xi32, #tpu.memory_space<vmem>> -> memref<1x1x128xi32, #tpu.memory_space<vmem>>
      %dma_wait3A_285 = tpu.memref_squeeze %dma_wait3A_284 : memref<1x1x128xi32, #tpu.memory_space<vmem>> -> memref<128xi32, #tpu.memory_space<vmem>>
      %dma_wait3A_286 = arith.constant 0 : i32
      %dma_wait3A_287 = arith.constant 0 : i32
      %dma_wait3A_288 = tpu.memref_slice %arg2[%dma_wait3A_286, %dma_wait3A_287] : memref<10240x128xf32, #tpu.memory_space<hbm>> -> memref<10240x128xf32, #tpu.memory_space<hbm>>
      tpu.wait_indirect_dma semaphore(%arg13 : memref<!tpu.dma_semaphore, #tpu.memory_space<semaphore_mem>>) src(%dma_wait3A_288 : memref<10240x128xf32, #tpu.memory_space<hbm>>) dst(%arg9 : memref<128x128xf32, #tpu.memory_space<vmem>>)
      "tpu.region"() ({
        %run_scoped3A = tpu.sem_alloc : memref<!tpu.dma_semaphore, #tpu.memory_space<semaphore_mem>>
        %dma_start3A_313 = arith.constant 0 : i32
        %dma_start3A_314 = tpu.memref_slice %arg8[%select_n3A_264, %select_n3A_280, %dma_start3A_313] : memref<2x16x128xi32, #tpu.memory_space<vmem>> -> memref<1x1x128xi32, #tpu.memory_space<vmem>>
        %dma_start3A_315 = tpu.memref_squeeze %dma_start3A_314 : memref<1x1x128xi32, #tpu.memory_space<vmem>> -> memref<128xi32, #tpu.memory_space<vmem>>
        %dma_start3A_316 = arith.constant 0 : i32
        %dma_start3A_317 = arith.constant 0 : i32
        %dma_start3A_318 = tpu.memref_slice %arg12[%dma_start3A_316, %dma_start3A_317] : memref<10240x128xf32, #tpu.memory_space<vmem_shared>> -> memref<10240x128xf32, #tpu.memory_space<vmem_shared>>
        tpu.enqueue_indirect_dma source(%arg9 : memref<128x128xf32, #tpu.memory_space<vmem>>) target(%dma_start3A_318 : memref<10240x128xf32, #tpu.memory_space<vmem_shared>>) offsets(%dma_start3A_315 : memref<128xi32, #tpu.memory_space<vmem>>) semaphore(%run_scoped3A : memref<!tpu.dma_semaphore, #tpu.memory_space<semaphore_mem>>) {add = true}
        %dma_wait3A_319 = arith.constant 0 : i32
        %dma_wait3A_320 = tpu.memref_slice %arg8[%select_n3A_264, %select_n3A_280, %dma_wait3A_319] : memref<2x16x128xi32, #tpu.memory_space<vmem>> -> memref<1x1x128xi32, #tpu.memory_space<vmem>>
        %dma_wait3A_321 = tpu.memref_squeeze %dma_wait3A_320 : memref<1x1x128xi32, #tpu.memory_space<vmem>> -> memref<128xi32, #tpu.memory_space<vmem>>
        %dma_wait3A_322 = arith.constant 0 : i32
        %dma_wait3A_323 = arith.constant 0 : i32
        %dma_wait3A_324 = tpu.memref_slice %arg12[%dma_wait3A_322, %dma_wait3A_323] : memref<10240x128xf32, #tpu.memory_space<vmem_shared>> -> memref<10240x128xf32, #tpu.memory_space<vmem_shared>>
        tpu.wait_indirect_dma semaphore(%run_scoped3A : memref<!tpu.dma_semaphore, #tpu.memory_space<semaphore_mem>>) src(%arg9 : memref<128x128xf32, #tpu.memory_space<vmem>>) dst(%dma_wait3A_324 : memref<10240x128xf32, #tpu.memory_space<vmem_shared>>)
        tpu.yield
      }) : () -> ()
      %add3A_289 = arith.constant 2 : i32
      %add3A_290 = arith.addi %mul3A_179, %add3A_289 : i32
      %lt3A_291 = arith.constant 80 : i32
      %lt3A_292 = arith.cmpi slt, %add3A_290, %lt3A_291 : i32
      %convert_element_type3A_293 = arith.extui %lt3A_292 : i1 to i32
      %cond3A_294 = arith.constant 0 : i32
      %cond3A_295 = arith.cmpi ne, %convert_element_type3A_293, %cond3A_294 : i32
      scf.if %cond3A_295 {
        %add3A_313 = arith.constant 2 : i32
        %add3A_314 = arith.addi %mul3A_179, %add3A_313 : i32
        %jit3A_315 = arith.constant 16 : i32
        %div3A_316 = arith.divsi %add3A_314, %jit3A_315 : i32
        %sign3A_317 = arith.constant 0 : i32
        %sign3A_318 = arith.cmpi sgt, %add3A_314, %sign3A_317 : i32
        %sign3A_319 = arith.extui %sign3A_318 : i1 to i32
        %sign3A_320 = arith.constant 0 : i32
        %sign3A_321 = arith.cmpi slt, %add3A_314, %sign3A_320 : i32
        %sign3A_322 = arith.extui %sign3A_321 : i1 to i32
        %sign3A_323 = arith.subi %sign3A_319, %sign3A_322 : i32
        %sign3A_324 = arith.constant 0 : i32
        %sign3A_325 = arith.cmpi sgt, %jit3A_315, %sign3A_324 : i32
        %sign3A_326 = arith.extui %sign3A_325 : i1 to i32
        %sign3A_327 = arith.constant 0 : i32
        %sign3A_328 = arith.cmpi slt, %jit3A_315, %sign3A_327 : i32
        %sign3A_329 = arith.extui %sign3A_328 : i1 to i32
        %sign3A_330 = arith.subi %sign3A_326, %sign3A_329 : i32
        %ne3A_331 = arith.cmpi ne, %sign3A_323, %sign3A_330 : i32
        %rem3A_332 = arith.remsi %add3A_314, %jit3A_315 : i32
        %ne3A_333 = arith.constant 0 : i32
        %ne3A_334 = arith.cmpi ne, %rem3A_332, %ne3A_333 : i32
        %and3A_335 = arith.andi %ne3A_331, %ne3A_334 : i1
        %sub3A_336 = arith.constant 1 : i32
        %sub3A_337 = arith.subi %div3A_316, %sub3A_336 : i32
        %select_n3A_338 = arith.select %and3A_335, %sub3A_337, %div3A_316 : i32
        %jit3A_339 = arith.constant 2 : i32
        %eq3A_340 = arith.constant 0 : i32
        %eq3A_341 = arith.cmpi eq, %jit3A_339, %eq3A_340 : i32
        %jit3A_342 = arith.constant 1 : i32
        %select_n3A_343 = arith.select %eq3A_341, %jit3A_342, %jit3A_339 : i32
        %rem3A_344 = arith.remsi %select_n3A_338, %select_n3A_343 : i32
        %ne3A_345 = arith.constant 0 : i32
        %ne3A_346 = arith.cmpi ne, %rem3A_344, %ne3A_345 : i32
        %lt3A_347 = arith.constant 0 : i32
        %lt3A_348 = arith.cmpi slt, %rem3A_344, %lt3A_347 : i32
        %lt3A_349 = arith.constant 0 : i32
        %lt3A_350 = arith.cmpi slt, %select_n3A_343, %lt3A_349 : i32
        %ne3A_351 = arith.xori %lt3A_348, %lt3A_350 : i1
        %and3A_352 = arith.andi %ne3A_351, %ne3A_346 : i1
        %add3A_353 = arith.addi %rem3A_344, %select_n3A_343 : i32
        %select_n3A_354 = arith.select %and3A_352, %add3A_353, %rem3A_344 : i32
        %jit3A_355 = arith.constant 16 : i32
        %eq3A_356 = arith.constant 0 : i32
        %eq3A_357 = arith.cmpi eq, %jit3A_355, %eq3A_356 : i32
        %jit3A_358 = arith.constant 1 : i32
        %select_n3A_359 = arith.select %eq3A_357, %jit3A_358, %jit3A_355 : i32
        %rem3A_360 = arith.remsi %add3A_314, %select_n3A_359 : i32
        %ne3A_361 = arith.constant 0 : i32
        %ne3A_362 = arith.cmpi ne, %rem3A_360, %ne3A_361 : i32
        %lt3A_363 = arith.constant 0 : i32
        %lt3A_364 = arith.cmpi slt, %rem3A_360, %lt3A_363 : i32
        %lt3A_365 = arith.constant 0 : i32
        %lt3A_366 = arith.cmpi slt, %select_n3A_359, %lt3A_365 : i32
        %ne3A_367 = arith.xori %lt3A_364, %lt3A_366 : i1
        %and3A_368 = arith.andi %ne3A_367, %ne3A_362 : i1
        %add3A_369 = arith.addi %rem3A_360, %select_n3A_359 : i32
        %select_n3A_370 = arith.select %and3A_368, %add3A_369, %rem3A_360 : i32
        %dma_start3A_371 = arith.constant 0 : i32
        %dma_start3A_372 = tpu.memref_slice %arg7[%select_n3A_354, %select_n3A_370, %dma_start3A_371] : memref<2x16x128xi32, #tpu.memory_space<vmem>> -> memref<1x1x128xi32, #tpu.memory_space<vmem>>
        %dma_start3A_373 = tpu.memref_squeeze %dma_start3A_372 : memref<1x1x128xi32, #tpu.memory_space<vmem>> -> memref<128xi32, #tpu.memory_space<vmem>>
        %dma_start3A_374 = arith.constant 0 : i32
        %dma_start3A_375 = arith.constant 0 : i32
        %dma_start3A_376 = tpu.memref_slice %arg2[%dma_start3A_374, %dma_start3A_375] : memref<10240x128xf32, #tpu.memory_space<hbm>> -> memref<10240x128xf32, #tpu.memory_space<hbm>>
        tpu.enqueue_indirect_dma source(%dma_start3A_376 : memref<10240x128xf32, #tpu.memory_space<hbm>>) target(%arg9 : memref<128x128xf32, #tpu.memory_space<vmem>>) offsets(%dma_start3A_373 : memref<128xi32, #tpu.memory_space<vmem>>) semaphore(%arg13 : memref<!tpu.dma_semaphore, #tpu.memory_space<semaphore_mem>>)
      } else {
      }
      %dma_wait3A_296 = arith.constant 0 : i32
      %dma_wait3A_297 = arith.constant 0 : i32
      %dma_wait3A_298 = arith.constant 0 : i32
      %dma_wait3A_299 = tpu.memref_slice %arg7[%dma_wait3A_296, %dma_wait3A_297, %dma_wait3A_298] : memref<2x16x128xi32, #tpu.memory_space<vmem>> -> memref<1x1x128xi32, #tpu.memory_space<vmem>>
      %dma_wait3A_300 = tpu.memref_squeeze %dma_wait3A_299 : memref<1x1x128xi32, #tpu.memory_space<vmem>> -> memref<128xi32, #tpu.memory_space<vmem>>
      %dma_wait3A_301 = arith.constant 0 : i32
      %dma_wait3A_302 = arith.constant 0 : i32
      %dma_wait3A_303 = tpu.memref_slice %arg2[%dma_wait3A_301, %dma_wait3A_302] : memref<10240x128xf32, #tpu.memory_space<hbm>> -> memref<10240x128xf32, #tpu.memory_space<hbm>>
      tpu.wait_indirect_dma semaphore(%arg14 : memref<!tpu.dma_semaphore, #tpu.memory_space<semaphore_mem>>) src(%dma_wait3A_303 : memref<10240x128xf32, #tpu.memory_space<hbm>>) dst(%arg10 : memref<128x128xf32, #tpu.memory_space<vmem>>)
      %add3A_304 = arith.constant 1 : i32
      %add3A_305 = arith.addi %select_n3A_280, %add3A_304 : i32
      "tpu.region"() ({
        %run_scoped3A = tpu.sem_alloc : memref<!tpu.dma_semaphore, #tpu.memory_space<semaphore_mem>>
        %dma_start3A_313 = arith.constant 0 : i32
        %dma_start3A_314 = tpu.memref_slice %arg8[%select_n3A_264, %add3A_305, %dma_start3A_313] : memref<2x16x128xi32, #tpu.memory_space<vmem>> -> memref<1x1x128xi32, #tpu.memory_space<vmem>>
        %dma_start3A_315 = tpu.memref_squeeze %dma_start3A_314 : memref<1x1x128xi32, #tpu.memory_space<vmem>> -> memref<128xi32, #tpu.memory_space<vmem>>
        %dma_start3A_316 = arith.constant 0 : i32
        %dma_start3A_317 = arith.constant 0 : i32
        %dma_start3A_318 = tpu.memref_slice %arg12[%dma_start3A_316, %dma_start3A_317] : memref<10240x128xf32, #tpu.memory_space<vmem_shared>> -> memref<10240x128xf32, #tpu.memory_space<vmem_shared>>
        tpu.enqueue_indirect_dma source(%arg10 : memref<128x128xf32, #tpu.memory_space<vmem>>) target(%dma_start3A_318 : memref<10240x128xf32, #tpu.memory_space<vmem_shared>>) offsets(%dma_start3A_315 : memref<128xi32, #tpu.memory_space<vmem>>) semaphore(%run_scoped3A : memref<!tpu.dma_semaphore, #tpu.memory_space<semaphore_mem>>) {add = true}
        %dma_wait3A_319 = arith.constant 0 : i32
        %dma_wait3A_320 = tpu.memref_slice %arg8[%select_n3A_264, %add3A_305, %dma_wait3A_319] : memref<2x16x128xi32, #tpu.memory_space<vmem>> -> memref<1x1x128xi32, #tpu.memory_space<vmem>>
        %dma_wait3A_321 = tpu.memref_squeeze %dma_wait3A_320 : memref<1x1x128xi32, #tpu.memory_space<vmem>> -> memref<128xi32, #tpu.memory_space<vmem>>
        %dma_wait3A_322 = arith.constant 0 : i32
        %dma_wait3A_323 = arith.constant 0 : i32
        %dma_wait3A_324 = tpu.memref_slice %arg12[%dma_wait3A_322, %dma_wait3A_323] : memref<10240x128xf32, #tpu.memory_space<vmem_shared>> -> memref<10240x128xf32, #tpu.memory_space<vmem_shared>>
        tpu.wait_indirect_dma semaphore(%run_scoped3A : memref<!tpu.dma_semaphore, #tpu.memory_space<semaphore_mem>>) src(%arg10 : memref<128x128xf32, #tpu.memory_space<vmem>>) dst(%dma_wait3A_324 : memref<10240x128xf32, #tpu.memory_space<vmem_shared>>)
        tpu.yield
      }) : () -> ()
      %add3A_306 = arith.constant 3 : i32
      %add3A_307 = arith.addi %mul3A_179, %add3A_306 : i32
      %lt3A_308 = arith.constant 80 : i32
      %lt3A_309 = arith.cmpi slt, %add3A_307, %lt3A_308 : i32
      %convert_element_type3A_310 = arith.extui %lt3A_309 : i1 to i32
      %cond3A_311 = arith.constant 0 : i32
      %cond3A_312 = arith.cmpi ne, %convert_element_type3A_310, %cond3A_311 : i32
      scf.if %cond3A_312 {
        %add3A_313 = arith.constant 3 : i32
        %add3A_314 = arith.addi %mul3A_179, %add3A_313 : i32
        %jit3A_315 = arith.constant 16 : i32
        %div3A_316 = arith.divsi %add3A_314, %jit3A_315 : i32
        %sign3A_317 = arith.constant 0 : i32
        %sign3A_318 = arith.cmpi sgt, %add3A_314, %sign3A_317 : i32
        %sign3A_319 = arith.extui %sign3A_318 : i1 to i32
        %sign3A_320 = arith.constant 0 : i32
        %sign3A_321 = arith.cmpi slt, %add3A_314, %sign3A_320 : i32
        %sign3A_322 = arith.extui %sign3A_321 : i1 to i32
        %sign3A_323 = arith.subi %sign3A_319, %sign3A_322 : i32
        %sign3A_324 = arith.constant 0 : i32
        %sign3A_325 = arith.cmpi sgt, %jit3A_315, %sign3A_324 : i32
        %sign3A_326 = arith.extui %sign3A_325 : i1 to i32
        %sign3A_327 = arith.constant 0 : i32
        %sign3A_328 = arith.cmpi slt, %jit3A_315, %sign3A_327 : i32
        %sign3A_329 = arith.extui %sign3A_328 : i1 to i32
        %sign3A_330 = arith.subi %sign3A_326, %sign3A_329 : i32
        %ne3A_331 = arith.cmpi ne, %sign3A_323, %sign3A_330 : i32
        %rem3A_332 = arith.remsi %add3A_314, %jit3A_315 : i32
        %ne3A_333 = arith.constant 0 : i32
        %ne3A_334 = arith.cmpi ne, %rem3A_332, %ne3A_333 : i32
        %and3A_335 = arith.andi %ne3A_331, %ne3A_334 : i1
        %sub3A_336 = arith.constant 1 : i32
        %sub3A_337 = arith.subi %div3A_316, %sub3A_336 : i32
        %select_n3A_338 = arith.select %and3A_335, %sub3A_337, %div3A_316 : i32
        %jit3A_339 = arith.constant 2 : i32
        %eq3A_340 = arith.constant 0 : i32
        %eq3A_341 = arith.cmpi eq, %jit3A_339, %eq3A_340 : i32
        %jit3A_342 = arith.constant 1 : i32
        %select_n3A_343 = arith.select %eq3A_341, %jit3A_342, %jit3A_339 : i32
        %rem3A_344 = arith.remsi %select_n3A_338, %select_n3A_343 : i32
        %ne3A_345 = arith.constant 0 : i32
        %ne3A_346 = arith.cmpi ne, %rem3A_344, %ne3A_345 : i32
        %lt3A_347 = arith.constant 0 : i32
        %lt3A_348 = arith.cmpi slt, %rem3A_344, %lt3A_347 : i32
        %lt3A_349 = arith.constant 0 : i32
        %lt3A_350 = arith.cmpi slt, %select_n3A_343, %lt3A_349 : i32
        %ne3A_351 = arith.xori %lt3A_348, %lt3A_350 : i1
        %and3A_352 = arith.andi %ne3A_351, %ne3A_346 : i1
        %add3A_353 = arith.addi %rem3A_344, %select_n3A_343 : i32
        %select_n3A_354 = arith.select %and3A_352, %add3A_353, %rem3A_344 : i32
        %jit3A_355 = arith.constant 16 : i32
        %eq3A_356 = arith.constant 0 : i32
        %eq3A_357 = arith.cmpi eq, %jit3A_355, %eq3A_356 : i32
        %jit3A_358 = arith.constant 1 : i32
        %select_n3A_359 = arith.select %eq3A_357, %jit3A_358, %jit3A_355 : i32
        %rem3A_360 = arith.remsi %add3A_314, %select_n3A_359 : i32
        %ne3A_361 = arith.constant 0 : i32
        %ne3A_362 = arith.cmpi ne, %rem3A_360, %ne3A_361 : i32
        %lt3A_363 = arith.constant 0 : i32
        %lt3A_364 = arith.cmpi slt, %rem3A_360, %lt3A_363 : i32
        %lt3A_365 = arith.constant 0 : i32
        %lt3A_366 = arith.cmpi slt, %select_n3A_359, %lt3A_365 : i32
        %ne3A_367 = arith.xori %lt3A_364, %lt3A_366 : i1
        %and3A_368 = arith.andi %ne3A_367, %ne3A_362 : i1
        %add3A_369 = arith.addi %rem3A_360, %select_n3A_359 : i32
        %select_n3A_370 = arith.select %and3A_368, %add3A_369, %rem3A_360 : i32
        %dma_start3A_371 = arith.constant 0 : i32
        %dma_start3A_372 = tpu.memref_slice %arg7[%select_n3A_354, %select_n3A_370, %dma_start3A_371] : memref<2x16x128xi32, #tpu.memory_space<vmem>> -> memref<1x1x128xi32, #tpu.memory_space<vmem>>
        %dma_start3A_373 = tpu.memref_squeeze %dma_start3A_372 : memref<1x1x128xi32, #tpu.memory_space<vmem>> -> memref<128xi32, #tpu.memory_space<vmem>>
        %dma_start3A_374 = arith.constant 0 : i32
        %dma_start3A_375 = arith.constant 0 : i32
        %dma_start3A_376 = tpu.memref_slice %arg2[%dma_start3A_374, %dma_start3A_375] : memref<10240x128xf32, #tpu.memory_space<hbm>> -> memref<10240x128xf32, #tpu.memory_space<hbm>>
        tpu.enqueue_indirect_dma source(%dma_start3A_376 : memref<10240x128xf32, #tpu.memory_space<hbm>>) target(%arg10 : memref<128x128xf32, #tpu.memory_space<vmem>>) offsets(%dma_start3A_373 : memref<128xi32, #tpu.memory_space<vmem>>) semaphore(%arg14 : memref<!tpu.dma_semaphore, #tpu.memory_space<semaphore_mem>>)
      } else {
      }
    }
    %scan3A_175 = arith.constant 40 : i32
    %barrier3A_176 = arith.constant 0 : index
    tpu.barrier barrier_id(%barrier3A_176)
    "tpu.region"() ({
      %run_scoped3A = tpu.sem_alloc : memref<!tpu.dma_semaphore, #tpu.memory_space<semaphore_mem>>
      %dma_start3A_177 = arith.constant 0 : i32
      %dma_start3A_178 = tpu.memref_slice %arg6[%arg0, %mul3A_0, %dma_start3A_177] : memref<2x10240x128xf32, #tpu.memory_space<hbm>> -> memref<1x640x128xf32, #tpu.memory_space<hbm>>
      %dma_start3A_179 = tpu.memref_squeeze %dma_start3A_178 : memref<1x640x128xf32, #tpu.memory_space<hbm>> -> memref<640x128xf32, #tpu.memory_space<hbm>>
      %dma_start3A_180 = arith.constant 0 : i32
      %dma_start3A_181 = tpu.memref_slice %arg12[%mul3A_0, %dma_start3A_180] : memref<10240x128xf32, #tpu.memory_space<vmem_shared>> -> memref<640x128xf32, #tpu.memory_space<vmem_shared>>
      tpu.enqueue_dma source(%dma_start3A_181 : memref<640x128xf32, #tpu.memory_space<vmem_shared>>) target(%dma_start3A_179 : memref<640x128xf32, #tpu.memory_space<hbm>>) target_semaphore(%run_scoped3A : memref<!tpu.dma_semaphore, #tpu.memory_space<semaphore_mem>>)
      %dma_wait3A_182 = arith.constant 0 : i32
      %dma_wait3A_183 = tpu.memref_slice %arg6[%arg0, %mul3A_0, %dma_wait3A_182] : memref<2x10240x128xf32, #tpu.memory_space<hbm>> -> memref<1x640x128xf32, #tpu.memory_space<hbm>>
      %dma_wait3A_184 = tpu.memref_squeeze %dma_wait3A_183 : memref<1x640x128xf32, #tpu.memory_space<hbm>> -> memref<640x128xf32, #tpu.memory_space<hbm>>
      %dma_wait3A_185 = arith.constant 0 : i32
      %dma_wait3A_186 = tpu.memref_slice %arg12[%mul3A_0, %dma_wait3A_185] : memref<10240x128xf32, #tpu.memory_space<vmem_shared>> -> memref<640x128xf32, #tpu.memory_space<vmem_shared>>
      tpu.wait_dma2 semaphore(%run_scoped3A : memref<!tpu.dma_semaphore, #tpu.memory_space<semaphore_mem>>) src(%dma_wait3A_186 : memref<640x128xf32, #tpu.memory_space<vmem_shared>>) dst(%dma_wait3A_184 : memref<640x128xf32, #tpu.memory_space<hbm>>)
      tpu.yield
    }) : () -> ()
    return
  }
}

#map = affine_map<(d0, d1) -> (0, 0)>
#map1 = affine_map<(d0, d1) -> (0, 0, 0, 0, 0)>
#map2 = affine_map<(d0, d1) -> (0, 0, 0)>
module attributes {stable_mosaic.version = 14 : i64} {
  func.func @_sc_propagate(%arg0: i32, %arg1: i32, %arg2: memref<10240x128xf32, #tpu.memory_space<hbm>>, %arg3: memref<2x16x5x16x128xi32, #tpu.memory_space<hbm>>, %arg4: memref<2x16x5x16x128xi32, #tpu.memory_space<hbm>>, %arg5: memref<40x128xf32, #tpu.memory_space<hbm>>, %arg6: memref<2x10240x128xf32, #tpu.memory_space<hbm>>, %arg7: memref<2x16x128xi32, #tpu.memory_space<vmem>>, %arg8: memref<2x16x128xi32, #tpu.memory_space<vmem>>, %arg9: memref<128x128xf32, #tpu.memory_space<vmem>>, %arg10: memref<128x128xf32, #tpu.memory_space<vmem>>, %arg11: memref<40x128xf32, #tpu.memory_space<vmem>>, %arg12: memref<10240x128xf32, #tpu.memory_space<vmem_shared>>, %arg13: memref<!tpu.dma_semaphore, #tpu.memory_space<semaphore_mem>>, %arg14: memref<!tpu.dma_semaphore, #tpu.memory_space<semaphore_mem>>, %arg15: memref<!tpu.dma_semaphore, #tpu.memory_space<semaphore_mem>>, %arg16: memref<!tpu.dma_semaphore, #tpu.memory_space<semaphore_mem>>) attributes {dimension_semantics = [#tpu.dimension_semantics<core_parallel>, #tpu.dimension_semantics<subcore_parallel>], iteration_bounds = array<i64: 2, 16>, scalar_prefetch = 0 : i64, scratch_operands = 10 : i64, tpu.core_type = #tpu.core_type<sc_vector_subcore>, window_params = [{transform_indices = #map}, {transform_indices = #map1}, {transform_indices = #map1}, {transform_indices = #map}, {transform_indices = #map2}]} {
    %mul3A = arith.constant 640 : i32
    %mul3A_0 = arith.muli %arg1, %mul3A : i32
    %dma_start3A = arith.constant 0 : i32
    %dma_start3A_1 = arith.constant 0 : i32
    %dma_start3A_2 = arith.constant 0 : i32
    %dma_start3A_3 = arith.constant 0 : i32
    %dma_start3A_4 = tpu.memref_slice %arg7[%dma_start3A_1, %dma_start3A_2, %dma_start3A_3] : memref<2x16x128xi32, #tpu.memory_space<vmem>> -> memref<1x16x128xi32, #tpu.memory_space<vmem>>
    %dma_start3A_5 = tpu.memref_squeeze %dma_start3A_4 : memref<1x16x128xi32, #tpu.memory_space<vmem>> -> memref<16x128xi32, #tpu.memory_space<vmem>>
    %dma_start3A_6 = arith.constant 0 : i32
    %dma_start3A_7 = arith.constant 0 : i32
    %dma_start3A_8 = tpu.memref_slice %arg3[%arg0, %arg1, %dma_start3A, %dma_start3A_6, %dma_start3A_7] : memref<2x16x5x16x128xi32, #tpu.memory_space<hbm>> -> memref<1x1x1x16x128xi32, #tpu.memory_space<hbm>>
    %dma_start3A_9 = tpu.memref_squeeze %dma_start3A_8 : memref<1x1x1x16x128xi32, #tpu.memory_space<hbm>> -> memref<16x128xi32, #tpu.memory_space<hbm>>
    %dma_start3A_10 = arith.constant 0 : i32
    %dma_start3A_11 = arith.constant 0 : i32
    %dma_start3A_12 = tpu.memref_slice %arg7[%dma_start3A_1, %dma_start3A_10, %dma_start3A_11] : memref<2x16x128xi32, #tpu.memory_space<vmem>> -> memref<1x16x128xi32, #tpu.memory_space<vmem>>
    %dma_start3A_13 = tpu.memref_squeeze %dma_start3A_12 : memref<1x16x128xi32, #tpu.memory_space<vmem>> -> memref<16x128xi32, #tpu.memory_space<vmem>>
    %dma_start3A_14 = arith.constant 0 : i32
    %dma_start3A_15 = arith.constant 0 : i32
    %dma_start3A_16 = tpu.memref_slice %arg3[%arg0, %arg1, %dma_start3A, %dma_start3A_14, %dma_start3A_15] : memref<2x16x5x16x128xi32, #tpu.memory_space<hbm>> -> memref<1x1x1x16x128xi32, #tpu.memory_space<hbm>>
    %dma_start3A_17 = tpu.memref_squeeze %dma_start3A_16 : memref<1x1x1x16x128xi32, #tpu.memory_space<hbm>> -> memref<16x128xi32, #tpu.memory_space<hbm>>
    tpu.enqueue_dma source(%dma_start3A_17 : memref<16x128xi32, #tpu.memory_space<hbm>>) target(%dma_start3A_13 : memref<16x128xi32, #tpu.memory_space<vmem>>) target_semaphore(%arg15 : memref<!tpu.dma_semaphore, #tpu.memory_space<semaphore_mem>>)
    %dma_start3A_18 = arith.constant 0 : i32
    %dma_start3A_19 = arith.constant 0 : i32
    %dma_start3A_20 = arith.constant 0 : i32
    %dma_start3A_21 = arith.constant 0 : i32
    %dma_start3A_22 = tpu.memref_slice %arg8[%dma_start3A_19, %dma_start3A_20, %dma_start3A_21] : memref<2x16x128xi32, #tpu.memory_space<vmem>> -> memref<1x16x128xi32, #tpu.memory_space<vmem>>
    %dma_start3A_23 = tpu.memref_squeeze %dma_start3A_22 : memref<1x16x128xi32, #tpu.memory_space<vmem>> -> memref<16x128xi32, #tpu.memory_space<vmem>>
    %dma_start3A_24 = arith.constant 0 : i32
    %dma_start3A_25 = arith.constant 0 : i32
    %dma_start3A_26 = tpu.memref_slice %arg4[%arg0, %arg1, %dma_start3A_18, %dma_start3A_24, %dma_start3A_25] : memref<2x16x5x16x128xi32, #tpu.memory_space<hbm>> -> memref<1x1x1x16x128xi32, #tpu.memory_space<hbm>>
    %dma_start3A_27 = tpu.memref_squeeze %dma_start3A_26 : memref<1x1x1x16x128xi32, #tpu.memory_space<hbm>> -> memref<16x128xi32, #tpu.memory_space<hbm>>
    %dma_start3A_28 = arith.constant 0 : i32
    %dma_start3A_29 = arith.constant 0 : i32
    %dma_start3A_30 = tpu.memref_slice %arg8[%dma_start3A_19, %dma_start3A_28, %dma_start3A_29] : memref<2x16x128xi32, #tpu.memory_space<vmem>> -> memref<1x16x128xi32, #tpu.memory_space<vmem>>
    %dma_start3A_31 = tpu.memref_squeeze %dma_start3A_30 : memref<1x16x128xi32, #tpu.memory_space<vmem>> -> memref<16x128xi32, #tpu.memory_space<vmem>>
    %dma_start3A_32 = arith.constant 0 : i32
    %dma_start3A_33 = arith.constant 0 : i32
    %dma_start3A_34 = tpu.memref_slice %arg4[%arg0, %arg1, %dma_start3A_18, %dma_start3A_32, %dma_start3A_33] : memref<2x16x5x16x128xi32, #tpu.memory_space<hbm>> -> memref<1x1x1x16x128xi32, #tpu.memory_space<hbm>>
    %dma_start3A_35 = tpu.memref_squeeze %dma_start3A_34 : memref<1x1x1x16x128xi32, #tpu.memory_space<hbm>> -> memref<16x128xi32, #tpu.memory_space<hbm>>
    tpu.enqueue_dma source(%dma_start3A_35 : memref<16x128xi32, #tpu.memory_space<hbm>>) target(%dma_start3A_31 : memref<16x128xi32, #tpu.memory_space<vmem>>) target_semaphore(%arg15 : memref<!tpu.dma_semaphore, #tpu.memory_space<semaphore_mem>>)
    %dma_start3A_36 = arith.constant 1 : i32
    %dma_start3A_37 = arith.constant 1 : i32
    %dma_start3A_38 = arith.constant 0 : i32
    %dma_start3A_39 = arith.constant 0 : i32
    %dma_start3A_40 = tpu.memref_slice %arg7[%dma_start3A_37, %dma_start3A_38, %dma_start3A_39] : memref<2x16x128xi32, #tpu.memory_space<vmem>> -> memref<1x16x128xi32, #tpu.memory_space<vmem>>
    %dma_start3A_41 = tpu.memref_squeeze %dma_start3A_40 : memref<1x16x128xi32, #tpu.memory_space<vmem>> -> memref<16x128xi32, #tpu.memory_space<vmem>>
    %dma_start3A_42 = arith.constant 0 : i32
    %dma_start3A_43 = arith.constant 0 : i32
    %dma_start3A_44 = tpu.memref_slice %arg3[%arg0, %arg1, %dma_start3A_36, %dma_start3A_42, %dma_start3A_43] : memref<2x16x5x16x128xi32, #tpu.memory_space<hbm>> -> memref<1x1x1x16x128xi32, #tpu.memory_space<hbm>>
    %dma_start3A_45 = tpu.memref_squeeze %dma_start3A_44 : memref<1x1x1x16x128xi32, #tpu.memory_space<hbm>> -> memref<16x128xi32, #tpu.memory_space<hbm>>
    %dma_start3A_46 = arith.constant 0 : i32
    %dma_start3A_47 = arith.constant 0 : i32
    %dma_start3A_48 = tpu.memref_slice %arg7[%dma_start3A_37, %dma_start3A_46, %dma_start3A_47] : memref<2x16x128xi32, #tpu.memory_space<vmem>> -> memref<1x16x128xi32, #tpu.memory_space<vmem>>
    %dma_start3A_49 = tpu.memref_squeeze %dma_start3A_48 : memref<1x16x128xi32, #tpu.memory_space<vmem>> -> memref<16x128xi32, #tpu.memory_space<vmem>>
    %dma_start3A_50 = arith.constant 0 : i32
    %dma_start3A_51 = arith.constant 0 : i32
    %dma_start3A_52 = tpu.memref_slice %arg3[%arg0, %arg1, %dma_start3A_36, %dma_start3A_50, %dma_start3A_51] : memref<2x16x5x16x128xi32, #tpu.memory_space<hbm>> -> memref<1x1x1x16x128xi32, #tpu.memory_space<hbm>>
    %dma_start3A_53 = tpu.memref_squeeze %dma_start3A_52 : memref<1x1x1x16x128xi32, #tpu.memory_space<hbm>> -> memref<16x128xi32, #tpu.memory_space<hbm>>
    tpu.enqueue_dma source(%dma_start3A_53 : memref<16x128xi32, #tpu.memory_space<hbm>>) target(%dma_start3A_49 : memref<16x128xi32, #tpu.memory_space<vmem>>) target_semaphore(%arg15 : memref<!tpu.dma_semaphore, #tpu.memory_space<semaphore_mem>>)
    %dma_start3A_54 = arith.constant 1 : i32
    %dma_start3A_55 = arith.constant 1 : i32
    %dma_start3A_56 = arith.constant 0 : i32
    %dma_start3A_57 = arith.constant 0 : i32
    %dma_start3A_58 = tpu.memref_slice %arg8[%dma_start3A_55, %dma_start3A_56, %dma_start3A_57] : memref<2x16x128xi32, #tpu.memory_space<vmem>> -> memref<1x16x128xi32, #tpu.memory_space<vmem>>
    %dma_start3A_59 = tpu.memref_squeeze %dma_start3A_58 : memref<1x16x128xi32, #tpu.memory_space<vmem>> -> memref<16x128xi32, #tpu.memory_space<vmem>>
    %dma_start3A_60 = arith.constant 0 : i32
    %dma_start3A_61 = arith.constant 0 : i32
    %dma_start3A_62 = tpu.memref_slice %arg4[%arg0, %arg1, %dma_start3A_54, %dma_start3A_60, %dma_start3A_61] : memref<2x16x5x16x128xi32, #tpu.memory_space<hbm>> -> memref<1x1x1x16x128xi32, #tpu.memory_space<hbm>>
    %dma_start3A_63 = tpu.memref_squeeze %dma_start3A_62 : memref<1x1x1x16x128xi32, #tpu.memory_space<hbm>> -> memref<16x128xi32, #tpu.memory_space<hbm>>
    %dma_start3A_64 = arith.constant 0 : i32
    %dma_start3A_65 = arith.constant 0 : i32
    %dma_start3A_66 = tpu.memref_slice %arg8[%dma_start3A_55, %dma_start3A_64, %dma_start3A_65] : memref<2x16x128xi32, #tpu.memory_space<vmem>> -> memref<1x16x128xi32, #tpu.memory_space<vmem>>
    %dma_start3A_67 = tpu.memref_squeeze %dma_start3A_66 : memref<1x16x128xi32, #tpu.memory_space<vmem>> -> memref<16x128xi32, #tpu.memory_space<vmem>>
    %dma_start3A_68 = arith.constant 0 : i32
    %dma_start3A_69 = arith.constant 0 : i32
    %dma_start3A_70 = tpu.memref_slice %arg4[%arg0, %arg1, %dma_start3A_54, %dma_start3A_68, %dma_start3A_69] : memref<2x16x5x16x128xi32, #tpu.memory_space<hbm>> -> memref<1x1x1x16x128xi32, #tpu.memory_space<hbm>>
    %dma_start3A_71 = tpu.memref_squeeze %dma_start3A_70 : memref<1x1x1x16x128xi32, #tpu.memory_space<hbm>> -> memref<16x128xi32, #tpu.memory_space<hbm>>
    tpu.enqueue_dma source(%dma_start3A_71 : memref<16x128xi32, #tpu.memory_space<hbm>>) target(%dma_start3A_67 : memref<16x128xi32, #tpu.memory_space<vmem>>) target_semaphore(%arg15 : memref<!tpu.dma_semaphore, #tpu.memory_space<semaphore_mem>>)
    "tpu.region"() ({
      %run_scoped3A = tpu.sem_alloc : memref<!tpu.dma_semaphore, #tpu.memory_space<semaphore_mem>>
      tpu.enqueue_dma source(%arg5 : memref<40x128xf32, #tpu.memory_space<hbm>>) target(%arg11 : memref<40x128xf32, #tpu.memory_space<vmem>>) target_semaphore(%run_scoped3A : memref<!tpu.dma_semaphore, #tpu.memory_space<semaphore_mem>>)
      tpu.wait_dma2 semaphore(%run_scoped3A : memref<!tpu.dma_semaphore, #tpu.memory_space<semaphore_mem>>) src(%arg5 : memref<40x128xf32, #tpu.memory_space<hbm>>) dst(%arg11 : memref<40x128xf32, #tpu.memory_space<vmem>>)
      tpu.yield
    }) : () -> ()
    %scan3A = arith.constant 0 : i32
    %scan3A_72 = arith.constant 0 : i32
    %scan3A_73 = arith.constant 16 : i32
    %scan3A_74 = arith.addi %scan3A_72, %scan3A_73 : i32
    %scan3A_75 = arith.constant 1 : i32
    scf.for %scan3A_177 = %scan3A_72 to %scan3A_74 step %scan3A_75  : i32 {
      %mul3A_178 = arith.constant 40 : i32
      %mul3A_179 = arith.muli %mul3A_178, %scan3A_177 : i32
      %add3A = arith.addi %mul3A_0, %mul3A_179 : i32
      %dma_start3A_180 = arith.constant 0 : i32
      %dma_start3A_181 = tpu.memref_slice %arg12[%add3A, %dma_start3A_180] : memref<10240x128xf32, #tpu.memory_space<vmem_shared>> -> memref<40x128xf32, #tpu.memory_space<vmem_shared>>
      %dma_start3A_182 = arith.constant 0 : i32
      %dma_start3A_183 = tpu.memref_slice %arg12[%add3A, %dma_start3A_182] : memref<10240x128xf32, #tpu.memory_space<vmem_shared>> -> memref<40x128xf32, #tpu.memory_space<vmem_shared>>
      tpu.enqueue_dma source(%arg11 : memref<40x128xf32, #tpu.memory_space<vmem>>) target(%dma_start3A_183 : memref<40x128xf32, #tpu.memory_space<vmem_shared>>) target_semaphore(%arg16 : memref<!tpu.dma_semaphore, #tpu.memory_space<semaphore_mem>>)
    }
    %scan3A_76 = arith.constant 16 : i32
    %dma_wait3A = arith.constant 0 : i32
    %dma_wait3A_77 = arith.constant 0 : i32
    %dma_wait3A_78 = arith.constant 0 : i32
    %dma_wait3A_79 = arith.constant 0 : i32
    %dma_wait3A_80 = tpu.memref_slice %arg7[%dma_wait3A_77, %dma_wait3A_78, %dma_wait3A_79] : memref<2x16x128xi32, #tpu.memory_space<vmem>> -> memref<1x16x128xi32, #tpu.memory_space<vmem>>
    %dma_wait3A_81 = tpu.memref_squeeze %dma_wait3A_80 : memref<1x16x128xi32, #tpu.memory_space<vmem>> -> memref<16x128xi32, #tpu.memory_space<vmem>>
    %dma_wait3A_82 = arith.constant 0 : i32
    %dma_wait3A_83 = arith.constant 0 : i32
    %dma_wait3A_84 = tpu.memref_slice %arg3[%arg0, %arg1, %dma_wait3A, %dma_wait3A_82, %dma_wait3A_83] : memref<2x16x5x16x128xi32, #tpu.memory_space<hbm>> -> memref<1x1x1x16x128xi32, #tpu.memory_space<hbm>>
    %dma_wait3A_85 = tpu.memref_squeeze %dma_wait3A_84 : memref<1x1x1x16x128xi32, #tpu.memory_space<hbm>> -> memref<16x128xi32, #tpu.memory_space<hbm>>
    %dma_wait3A_86 = arith.constant 0 : i32
    %dma_wait3A_87 = arith.constant 0 : i32
    %dma_wait3A_88 = tpu.memref_slice %arg7[%dma_wait3A_77, %dma_wait3A_86, %dma_wait3A_87] : memref<2x16x128xi32, #tpu.memory_space<vmem>> -> memref<1x16x128xi32, #tpu.memory_space<vmem>>
    %dma_wait3A_89 = tpu.memref_squeeze %dma_wait3A_88 : memref<1x16x128xi32, #tpu.memory_space<vmem>> -> memref<16x128xi32, #tpu.memory_space<vmem>>
    %dma_wait3A_90 = arith.constant 0 : i32
    %dma_wait3A_91 = arith.constant 0 : i32
    %dma_wait3A_92 = tpu.memref_slice %arg3[%arg0, %arg1, %dma_wait3A, %dma_wait3A_90, %dma_wait3A_91] : memref<2x16x5x16x128xi32, #tpu.memory_space<hbm>> -> memref<1x1x1x16x128xi32, #tpu.memory_space<hbm>>
    %dma_wait3A_93 = tpu.memref_squeeze %dma_wait3A_92 : memref<1x1x1x16x128xi32, #tpu.memory_space<hbm>> -> memref<16x128xi32, #tpu.memory_space<hbm>>
    tpu.wait_dma2 semaphore(%arg15 : memref<!tpu.dma_semaphore, #tpu.memory_space<semaphore_mem>>) src(%dma_wait3A_93 : memref<16x128xi32, #tpu.memory_space<hbm>>) dst(%dma_wait3A_89 : memref<16x128xi32, #tpu.memory_space<vmem>>)
    %dma_wait3A_94 = arith.constant 0 : i32
    %dma_wait3A_95 = arith.constant 0 : i32
    %dma_wait3A_96 = arith.constant 0 : i32
    %dma_wait3A_97 = arith.constant 0 : i32
    %dma_wait3A_98 = tpu.memref_slice %arg8[%dma_wait3A_95, %dma_wait3A_96, %dma_wait3A_97] : memref<2x16x128xi32, #tpu.memory_space<vmem>> -> memref<1x16x128xi32, #tpu.memory_space<vmem>>
    %dma_wait3A_99 = tpu.memref_squeeze %dma_wait3A_98 : memref<1x16x128xi32, #tpu.memory_space<vmem>> -> memref<16x128xi32, #tpu.memory_space<vmem>>
    %dma_wait3A_100 = arith.constant 0 : i32
    %dma_wait3A_101 = arith.constant 0 : i32
    %dma_wait3A_102 = tpu.memref_slice %arg4[%arg0, %arg1, %dma_wait3A_94, %dma_wait3A_100, %dma_wait3A_101] : memref<2x16x5x16x128xi32, #tpu.memory_space<hbm>> -> memref<1x1x1x16x128xi32, #tpu.memory_space<hbm>>
    %dma_wait3A_103 = tpu.memref_squeeze %dma_wait3A_102 : memref<1x1x1x16x128xi32, #tpu.memory_space<hbm>> -> memref<16x128xi32, #tpu.memory_space<hbm>>
    %dma_wait3A_104 = arith.constant 0 : i32
    %dma_wait3A_105 = arith.constant 0 : i32
    %dma_wait3A_106 = tpu.memref_slice %arg8[%dma_wait3A_95, %dma_wait3A_104, %dma_wait3A_105] : memref<2x16x128xi32, #tpu.memory_space<vmem>> -> memref<1x16x128xi32, #tpu.memory_space<vmem>>
    %dma_wait3A_107 = tpu.memref_squeeze %dma_wait3A_106 : memref<1x16x128xi32, #tpu.memory_space<vmem>> -> memref<16x128xi32, #tpu.memory_space<vmem>>
    %dma_wait3A_108 = arith.constant 0 : i32
    %dma_wait3A_109 = arith.constant 0 : i32
    %dma_wait3A_110 = tpu.memref_slice %arg4[%arg0, %arg1, %dma_wait3A_94, %dma_wait3A_108, %dma_wait3A_109] : memref<2x16x5x16x128xi32, #tpu.memory_space<hbm>> -> memref<1x1x1x16x128xi32, #tpu.memory_space<hbm>>
    %dma_wait3A_111 = tpu.memref_squeeze %dma_wait3A_110 : memref<1x1x1x16x128xi32, #tpu.memory_space<hbm>> -> memref<16x128xi32, #tpu.memory_space<hbm>>
    tpu.wait_dma2 semaphore(%arg15 : memref<!tpu.dma_semaphore, #tpu.memory_space<semaphore_mem>>) src(%dma_wait3A_111 : memref<16x128xi32, #tpu.memory_space<hbm>>) dst(%dma_wait3A_107 : memref<16x128xi32, #tpu.memory_space<vmem>>)
    %dma_wait3A_112 = arith.constant 0 : i32
    %dma_wait3A_113 = arith.constant 0 : i32
    %dma_wait3A_114 = arith.constant 0 : i32
    %dma_wait3A_115 = arith.constant 0 : i32
    %dma_wait3A_116 = tpu.memref_slice %arg7[%dma_wait3A_113, %dma_wait3A_114, %dma_wait3A_115] : memref<2x16x128xi32, #tpu.memory_space<vmem>> -> memref<1x16x128xi32, #tpu.memory_space<vmem>>
    %dma_wait3A_117 = tpu.memref_squeeze %dma_wait3A_116 : memref<1x16x128xi32, #tpu.memory_space<vmem>> -> memref<16x128xi32, #tpu.memory_space<vmem>>
    %dma_wait3A_118 = arith.constant 0 : i32
    %dma_wait3A_119 = arith.constant 0 : i32
    %dma_wait3A_120 = tpu.memref_slice %arg3[%arg0, %arg1, %dma_wait3A_112, %dma_wait3A_118, %dma_wait3A_119] : memref<2x16x5x16x128xi32, #tpu.memory_space<hbm>> -> memref<1x1x1x16x128xi32, #tpu.memory_space<hbm>>
    %dma_wait3A_121 = tpu.memref_squeeze %dma_wait3A_120 : memref<1x1x1x16x128xi32, #tpu.memory_space<hbm>> -> memref<16x128xi32, #tpu.memory_space<hbm>>
    %dma_wait3A_122 = arith.constant 0 : i32
    %dma_wait3A_123 = arith.constant 0 : i32
    %dma_wait3A_124 = tpu.memref_slice %arg7[%dma_wait3A_113, %dma_wait3A_122, %dma_wait3A_123] : memref<2x16x128xi32, #tpu.memory_space<vmem>> -> memref<1x16x128xi32, #tpu.memory_space<vmem>>
    %dma_wait3A_125 = tpu.memref_squeeze %dma_wait3A_124 : memref<1x16x128xi32, #tpu.memory_space<vmem>> -> memref<16x128xi32, #tpu.memory_space<vmem>>
    %dma_wait3A_126 = arith.constant 0 : i32
    %dma_wait3A_127 = arith.constant 0 : i32
    %dma_wait3A_128 = tpu.memref_slice %arg3[%arg0, %arg1, %dma_wait3A_112, %dma_wait3A_126, %dma_wait3A_127] : memref<2x16x5x16x128xi32, #tpu.memory_space<hbm>> -> memref<1x1x1x16x128xi32, #tpu.memory_space<hbm>>
    %dma_wait3A_129 = tpu.memref_squeeze %dma_wait3A_128 : memref<1x1x1x16x128xi32, #tpu.memory_space<hbm>> -> memref<16x128xi32, #tpu.memory_space<hbm>>
    tpu.wait_dma2 semaphore(%arg15 : memref<!tpu.dma_semaphore, #tpu.memory_space<semaphore_mem>>) src(%dma_wait3A_129 : memref<16x128xi32, #tpu.memory_space<hbm>>) dst(%dma_wait3A_125 : memref<16x128xi32, #tpu.memory_space<vmem>>)
    %dma_wait3A_130 = arith.constant 0 : i32
    %dma_wait3A_131 = arith.constant 0 : i32
    %dma_wait3A_132 = arith.constant 0 : i32
    %dma_wait3A_133 = arith.constant 0 : i32
    %dma_wait3A_134 = tpu.memref_slice %arg8[%dma_wait3A_131, %dma_wait3A_132, %dma_wait3A_133] : memref<2x16x128xi32, #tpu.memory_space<vmem>> -> memref<1x16x128xi32, #tpu.memory_space<vmem>>
    %dma_wait3A_135 = tpu.memref_squeeze %dma_wait3A_134 : memref<1x16x128xi32, #tpu.memory_space<vmem>> -> memref<16x128xi32, #tpu.memory_space<vmem>>
    %dma_wait3A_136 = arith.constant 0 : i32
    %dma_wait3A_137 = arith.constant 0 : i32
    %dma_wait3A_138 = tpu.memref_slice %arg4[%arg0, %arg1, %dma_wait3A_130, %dma_wait3A_136, %dma_wait3A_137] : memref<2x16x5x16x128xi32, #tpu.memory_space<hbm>> -> memref<1x1x1x16x128xi32, #tpu.memory_space<hbm>>
    %dma_wait3A_139 = tpu.memref_squeeze %dma_wait3A_138 : memref<1x1x1x16x128xi32, #tpu.memory_space<hbm>> -> memref<16x128xi32, #tpu.memory_space<hbm>>
    %dma_wait3A_140 = arith.constant 0 : i32
    %dma_wait3A_141 = arith.constant 0 : i32
    %dma_wait3A_142 = tpu.memref_slice %arg8[%dma_wait3A_131, %dma_wait3A_140, %dma_wait3A_141] : memref<2x16x128xi32, #tpu.memory_space<vmem>> -> memref<1x16x128xi32, #tpu.memory_space<vmem>>
    %dma_wait3A_143 = tpu.memref_squeeze %dma_wait3A_142 : memref<1x16x128xi32, #tpu.memory_space<vmem>> -> memref<16x128xi32, #tpu.memory_space<vmem>>
    %dma_wait3A_144 = arith.constant 0 : i32
    %dma_wait3A_145 = arith.constant 0 : i32
    %dma_wait3A_146 = tpu.memref_slice %arg4[%arg0, %arg1, %dma_wait3A_130, %dma_wait3A_144, %dma_wait3A_145] : memref<2x16x5x16x128xi32, #tpu.memory_space<hbm>> -> memref<1x1x1x16x128xi32, #tpu.memory_space<hbm>>
    %dma_wait3A_147 = tpu.memref_squeeze %dma_wait3A_146 : memref<1x1x1x16x128xi32, #tpu.memory_space<hbm>> -> memref<16x128xi32, #tpu.memory_space<hbm>>
    tpu.wait_dma2 semaphore(%arg15 : memref<!tpu.dma_semaphore, #tpu.memory_space<semaphore_mem>>) src(%dma_wait3A_147 : memref<16x128xi32, #tpu.memory_space<hbm>>) dst(%dma_wait3A_143 : memref<16x128xi32, #tpu.memory_space<vmem>>)
    %dma_start3A_148 = arith.constant 0 : i32
    %dma_start3A_149 = arith.constant 0 : i32
    %dma_start3A_150 = arith.constant 0 : i32
    %dma_start3A_151 = tpu.memref_slice %arg7[%dma_start3A_148, %dma_start3A_149, %dma_start3A_150] : memref<2x16x128xi32, #tpu.memory_space<vmem>> -> memref<1x1x128xi32, #tpu.memory_space<vmem>>
    %dma_start3A_152 = tpu.memref_squeeze %dma_start3A_151 : memref<1x1x128xi32, #tpu.memory_space<vmem>> -> memref<128xi32, #tpu.memory_space<vmem>>
    %dma_start3A_153 = arith.constant 0 : i32
    %dma_start3A_154 = arith.constant 0 : i32
    %dma_start3A_155 = tpu.memref_slice %arg2[%dma_start3A_153, %dma_start3A_154] : memref<10240x128xf32, #tpu.memory_space<hbm>> -> memref<10240x128xf32, #tpu.memory_space<hbm>>
    tpu.enqueue_indirect_dma source(%dma_start3A_155 : memref<10240x128xf32, #tpu.memory_space<hbm>>) target(%arg9 : memref<128x128xf32, #tpu.memory_space<vmem>>) offsets(%dma_start3A_152 : memref<128xi32, #tpu.memory_space<vmem>>) semaphore(%arg13 : memref<!tpu.dma_semaphore, #tpu.memory_space<semaphore_mem>>)
    %dma_start3A_156 = arith.constant 0 : i32
    %dma_start3A_157 = arith.constant 1 : i32
    %dma_start3A_158 = arith.constant 0 : i32
    %dma_start3A_159 = tpu.memref_slice %arg7[%dma_start3A_156, %dma_start3A_157, %dma_start3A_158] : memref<2x16x128xi32, #tpu.memory_space<vmem>> -> memref<1x1x128xi32, #tpu.memory_space<vmem>>
    %dma_start3A_160 = tpu.memref_squeeze %dma_start3A_159 : memref<1x1x128xi32, #tpu.memory_space<vmem>> -> memref<128xi32, #tpu.memory_space<vmem>>
    %dma_start3A_161 = arith.constant 0 : i32
    %dma_start3A_162 = arith.constant 0 : i32
    %dma_start3A_163 = tpu.memref_slice %arg2[%dma_start3A_161, %dma_start3A_162] : memref<10240x128xf32, #tpu.memory_space<hbm>> -> memref<10240x128xf32, #tpu.memory_space<hbm>>
    tpu.enqueue_indirect_dma source(%dma_start3A_163 : memref<10240x128xf32, #tpu.memory_space<hbm>>) target(%arg10 : memref<128x128xf32, #tpu.memory_space<vmem>>) offsets(%dma_start3A_160 : memref<128xi32, #tpu.memory_space<vmem>>) semaphore(%arg14 : memref<!tpu.dma_semaphore, #tpu.memory_space<semaphore_mem>>)
    %scan3A_164 = arith.constant 0 : i32
    %scan3A_165 = arith.constant 0 : i32
    %scan3A_166 = arith.constant 16 : i32
    %scan3A_167 = arith.addi %scan3A_165, %scan3A_166 : i32
    %scan3A_168 = arith.constant 1 : i32
    scf.for %scan3A_177 = %scan3A_165 to %scan3A_167 step %scan3A_168  : i32 {
      %dma_wait3A_178 = arith.constant 0 : i32
      %dma_wait3A_179 = tpu.memref_slice %arg12[%mul3A_0, %dma_wait3A_178] : memref<10240x128xf32, #tpu.memory_space<vmem_shared>> -> memref<40x128xf32, #tpu.memory_space<vmem_shared>>
      %dma_wait3A_180 = arith.constant 0 : i32
      %dma_wait3A_181 = tpu.memref_slice %arg12[%mul3A_0, %dma_wait3A_180] : memref<10240x128xf32, #tpu.memory_space<vmem_shared>> -> memref<40x128xf32, #tpu.memory_space<vmem_shared>>
      tpu.wait_dma2 semaphore(%arg16 : memref<!tpu.dma_semaphore, #tpu.memory_space<semaphore_mem>>) src(%arg11 : memref<40x128xf32, #tpu.memory_space<vmem>>) dst(%dma_wait3A_181 : memref<40x128xf32, #tpu.memory_space<vmem_shared>>)
    }
    %scan3A_169 = arith.constant 16 : i32
    %barrier3A = arith.constant 0 : index
    tpu.barrier barrier_id(%barrier3A)
    %scan3A_170 = arith.constant 0 : i32
    %scan3A_171 = arith.constant 0 : i32
    %scan3A_172 = arith.constant 40 : i32
    %scan3A_173 = arith.addi %scan3A_171, %scan3A_172 : i32
    %scan3A_174 = arith.constant 1 : i32
    scf.for %scan3A_177 = %scan3A_171 to %scan3A_173 step %scan3A_174  : i32 {
      %mul3A_178 = arith.constant 2 : i32
      %mul3A_179 = arith.muli %mul3A_178, %scan3A_177 : i32
      %jit3A = arith.constant 16 : i32
      %eq3A = arith.constant 0 : i32
      %eq3A_180 = arith.cmpi eq, %jit3A, %eq3A : i32
      %jit3A_181 = arith.constant 1 : i32
      %select_n3A = arith.select %eq3A_180, %jit3A_181, %jit3A : i32
      %rem3A = arith.remsi %mul3A_179, %select_n3A : i32
      %ne3A = arith.constant 0 : i32
      %ne3A_182 = arith.cmpi ne, %rem3A, %ne3A : i32
      %lt3A = arith.constant 0 : i32
      %lt3A_183 = arith.cmpi slt, %rem3A, %lt3A : i32
      %lt3A_184 = arith.constant 0 : i32
      %lt3A_185 = arith.cmpi slt, %select_n3A, %lt3A_184 : i32
      %ne3A_186 = arith.xori %lt3A_183, %lt3A_185 : i1
      %and3A = arith.andi %ne3A_186, %ne3A_182 : i1
      %add3A = arith.addi %rem3A, %select_n3A : i32
      %select_n3A_187 = arith.select %and3A, %add3A, %rem3A : i32
      %eq3A_188 = arith.constant 0 : i32
      %eq3A_189 = arith.cmpi eq, %select_n3A_187, %eq3A_188 : i32
      %gt3A = arith.constant 0 : i32
      %gt3A_190 = arith.cmpi sgt, %mul3A_179, %gt3A : i32
      %and3A_191 = arith.andi %eq3A_189, %gt3A_190 : i1
      %lt3A_192 = arith.constant 64 : i32
      %lt3A_193 = arith.cmpi slt, %mul3A_179, %lt3A_192 : i32
      %and3A_194 = arith.andi %and3A_191, %lt3A_193 : i1
      %convert_element_type3A = arith.extui %and3A_194 : i1 to i32
      %cond3A = arith.constant 0 : i32
      %cond3A_195 = arith.cmpi ne, %convert_element_type3A, %cond3A : i32
      scf.if %cond3A_195 {
        %jit3A_313 = arith.constant 16 : i32
        %div3A_314 = arith.divsi %mul3A_179, %jit3A_313 : i32
        %sign3A_315 = arith.constant 0 : i32
        %sign3A_316 = arith.cmpi sgt, %mul3A_179, %sign3A_315 : i32
        %sign3A_317 = arith.extui %sign3A_316 : i1 to i32
        %sign3A_318 = arith.constant 0 : i32
        %sign3A_319 = arith.cmpi slt, %mul3A_179, %sign3A_318 : i32
        %sign3A_320 = arith.extui %sign3A_319 : i1 to i32
        %sign3A_321 = arith.subi %sign3A_317, %sign3A_320 : i32
        %sign3A_322 = arith.constant 0 : i32
        %sign3A_323 = arith.cmpi sgt, %jit3A_313, %sign3A_322 : i32
        %sign3A_324 = arith.extui %sign3A_323 : i1 to i32
        %sign3A_325 = arith.constant 0 : i32
        %sign3A_326 = arith.cmpi slt, %jit3A_313, %sign3A_325 : i32
        %sign3A_327 = arith.extui %sign3A_326 : i1 to i32
        %sign3A_328 = arith.subi %sign3A_324, %sign3A_327 : i32
        %ne3A_329 = arith.cmpi ne, %sign3A_321, %sign3A_328 : i32
        %rem3A_330 = arith.remsi %mul3A_179, %jit3A_313 : i32
        %ne3A_331 = arith.constant 0 : i32
        %ne3A_332 = arith.cmpi ne, %rem3A_330, %ne3A_331 : i32
        %and3A_333 = arith.andi %ne3A_329, %ne3A_332 : i1
        %sub3A_334 = arith.constant 1 : i32
        %sub3A_335 = arith.subi %div3A_314, %sub3A_334 : i32
        %select_n3A_336 = arith.select %and3A_333, %sub3A_335, %div3A_314 : i32
        %add3A_337 = arith.constant 1 : i32
        %add3A_338 = arith.addi %select_n3A_336, %add3A_337 : i32
        %jit3A_339 = arith.constant 2 : i32
        %eq3A_340 = arith.constant 0 : i32
        %eq3A_341 = arith.cmpi eq, %jit3A_339, %eq3A_340 : i32
        %jit3A_342 = arith.constant 1 : i32
        %select_n3A_343 = arith.select %eq3A_341, %jit3A_342, %jit3A_339 : i32
        %rem3A_344 = arith.remsi %add3A_338, %select_n3A_343 : i32
        %ne3A_345 = arith.constant 0 : i32
        %ne3A_346 = arith.cmpi ne, %rem3A_344, %ne3A_345 : i32
        %lt3A_347 = arith.constant 0 : i32
        %lt3A_348 = arith.cmpi slt, %rem3A_344, %lt3A_347 : i32
        %lt3A_349 = arith.constant 0 : i32
        %lt3A_350 = arith.cmpi slt, %select_n3A_343, %lt3A_349 : i32
        %ne3A_351 = arith.xori %lt3A_348, %lt3A_350 : i1
        %and3A_352 = arith.andi %ne3A_351, %ne3A_346 : i1
        %add3A_353 = arith.addi %rem3A_344, %select_n3A_343 : i32
        %select_n3A_354 = arith.select %and3A_352, %add3A_353, %rem3A_344 : i32
        %dma_start3A_355 = arith.constant 0 : i32
        %dma_start3A_356 = arith.constant 0 : i32
        %dma_start3A_357 = tpu.memref_slice %arg7[%select_n3A_354, %dma_start3A_355, %dma_start3A_356] : memref<2x16x128xi32, #tpu.memory_space<vmem>> -> memref<1x16x128xi32, #tpu.memory_space<vmem>>
        %dma_start3A_358 = tpu.memref_squeeze %dma_start3A_357 : memref<1x16x128xi32, #tpu.memory_space<vmem>> -> memref<16x128xi32, #tpu.memory_space<vmem>>
        %dma_start3A_359 = arith.constant 0 : i32
        %dma_start3A_360 = arith.constant 0 : i32
        %dma_start3A_361 = tpu.memref_slice %arg3[%arg0, %arg1, %add3A_338, %dma_start3A_359, %dma_start3A_360] : memref<2x16x5x16x128xi32, #tpu.memory_space<hbm>> -> memref<1x1x1x16x128xi32, #tpu.memory_space<hbm>>
        %dma_start3A_362 = tpu.memref_squeeze %dma_start3A_361 : memref<1x1x1x16x128xi32, #tpu.memory_space<hbm>> -> memref<16x128xi32, #tpu.memory_space<hbm>>
        %dma_start3A_363 = arith.constant 0 : i32
        %dma_start3A_364 = arith.constant 0 : i32
        %dma_start3A_365 = tpu.memref_slice %arg7[%select_n3A_354, %dma_start3A_363, %dma_start3A_364] : memref<2x16x128xi32, #tpu.memory_space<vmem>> -> memref<1x16x128xi32, #tpu.memory_space<vmem>>
        %dma_start3A_366 = tpu.memref_squeeze %dma_start3A_365 : memref<1x16x128xi32, #tpu.memory_space<vmem>> -> memref<16x128xi32, #tpu.memory_space<vmem>>
        %dma_start3A_367 = arith.constant 0 : i32
        %dma_start3A_368 = arith.constant 0 : i32
        %dma_start3A_369 = tpu.memref_slice %arg3[%arg0, %arg1, %add3A_338, %dma_start3A_367, %dma_start3A_368] : memref<2x16x5x16x128xi32, #tpu.memory_space<hbm>> -> memref<1x1x1x16x128xi32, #tpu.memory_space<hbm>>
        %dma_start3A_370 = tpu.memref_squeeze %dma_start3A_369 : memref<1x1x1x16x128xi32, #tpu.memory_space<hbm>> -> memref<16x128xi32, #tpu.memory_space<hbm>>
        tpu.enqueue_dma source(%dma_start3A_370 : memref<16x128xi32, #tpu.memory_space<hbm>>) target(%dma_start3A_366 : memref<16x128xi32, #tpu.memory_space<vmem>>) target_semaphore(%arg15 : memref<!tpu.dma_semaphore, #tpu.memory_space<semaphore_mem>>)
        %jit3A_371 = arith.constant 2 : i32
        %eq3A_372 = arith.constant 0 : i32
        %eq3A_373 = arith.cmpi eq, %jit3A_371, %eq3A_372 : i32
        %jit3A_374 = arith.constant 1 : i32
        %select_n3A_375 = arith.select %eq3A_373, %jit3A_374, %jit3A_371 : i32
        %rem3A_376 = arith.remsi %add3A_338, %select_n3A_375 : i32
        %ne3A_377 = arith.constant 0 : i32
        %ne3A_378 = arith.cmpi ne, %rem3A_376, %ne3A_377 : i32
        %lt3A_379 = arith.constant 0 : i32
        %lt3A_380 = arith.cmpi slt, %rem3A_376, %lt3A_379 : i32
        %lt3A_381 = arith.constant 0 : i32
        %lt3A_382 = arith.cmpi slt, %select_n3A_375, %lt3A_381 : i32
        %ne3A_383 = arith.xori %lt3A_380, %lt3A_382 : i1
        %and3A_384 = arith.andi %ne3A_383, %ne3A_378 : i1
        %add3A_385 = arith.addi %rem3A_376, %select_n3A_375 : i32
        %select_n3A_386 = arith.select %and3A_384, %add3A_385, %rem3A_376 : i32
        %dma_start3A_387 = arith.constant 0 : i32
        %dma_start3A_388 = arith.constant 0 : i32
        %dma_start3A_389 = tpu.memref_slice %arg8[%select_n3A_386, %dma_start3A_387, %dma_start3A_388] : memref<2x16x128xi32, #tpu.memory_space<vmem>> -> memref<1x16x128xi32, #tpu.memory_space<vmem>>
        %dma_start3A_390 = tpu.memref_squeeze %dma_start3A_389 : memref<1x16x128xi32, #tpu.memory_space<vmem>> -> memref<16x128xi32, #tpu.memory_space<vmem>>
        %dma_start3A_391 = arith.constant 0 : i32
        %dma_start3A_392 = arith.constant 0 : i32
        %dma_start3A_393 = tpu.memref_slice %arg4[%arg0, %arg1, %add3A_338, %dma_start3A_391, %dma_start3A_392] : memref<2x16x5x16x128xi32, #tpu.memory_space<hbm>> -> memref<1x1x1x16x128xi32, #tpu.memory_space<hbm>>
        %dma_start3A_394 = tpu.memref_squeeze %dma_start3A_393 : memref<1x1x1x16x128xi32, #tpu.memory_space<hbm>> -> memref<16x128xi32, #tpu.memory_space<hbm>>
        %dma_start3A_395 = arith.constant 0 : i32
        %dma_start3A_396 = arith.constant 0 : i32
        %dma_start3A_397 = tpu.memref_slice %arg8[%select_n3A_386, %dma_start3A_395, %dma_start3A_396] : memref<2x16x128xi32, #tpu.memory_space<vmem>> -> memref<1x16x128xi32, #tpu.memory_space<vmem>>
        %dma_start3A_398 = tpu.memref_squeeze %dma_start3A_397 : memref<1x16x128xi32, #tpu.memory_space<vmem>> -> memref<16x128xi32, #tpu.memory_space<vmem>>
        %dma_start3A_399 = arith.constant 0 : i32
        %dma_start3A_400 = arith.constant 0 : i32
        %dma_start3A_401 = tpu.memref_slice %arg4[%arg0, %arg1, %add3A_338, %dma_start3A_399, %dma_start3A_400] : memref<2x16x5x16x128xi32, #tpu.memory_space<hbm>> -> memref<1x1x1x16x128xi32, #tpu.memory_space<hbm>>
        %dma_start3A_402 = tpu.memref_squeeze %dma_start3A_401 : memref<1x1x1x16x128xi32, #tpu.memory_space<hbm>> -> memref<16x128xi32, #tpu.memory_space<hbm>>
        tpu.enqueue_dma source(%dma_start3A_402 : memref<16x128xi32, #tpu.memory_space<hbm>>) target(%dma_start3A_398 : memref<16x128xi32, #tpu.memory_space<vmem>>) target_semaphore(%arg15 : memref<!tpu.dma_semaphore, #tpu.memory_space<semaphore_mem>>)
      } else {
      }
      %add3A_196 = arith.constant 2 : i32
      %add3A_197 = arith.addi %mul3A_179, %add3A_196 : i32
      %jit3A_198 = arith.constant 16 : i32
      %eq3A_199 = arith.constant 0 : i32
      %eq3A_200 = arith.cmpi eq, %jit3A_198, %eq3A_199 : i32
      %jit3A_201 = arith.constant 1 : i32
      %select_n3A_202 = arith.select %eq3A_200, %jit3A_201, %jit3A_198 : i32
      %rem3A_203 = arith.remsi %add3A_197, %select_n3A_202 : i32
      %ne3A_204 = arith.constant 0 : i32
      %ne3A_205 = arith.cmpi ne, %rem3A_203, %ne3A_204 : i32
      %lt3A_206 = arith.constant 0 : i32
      %lt3A_207 = arith.cmpi slt, %rem3A_203, %lt3A_206 : i32
      %lt3A_208 = arith.constant 0 : i32
      %lt3A_209 = arith.cmpi slt, %select_n3A_202, %lt3A_208 : i32
      %ne3A_210 = arith.xori %lt3A_207, %lt3A_209 : i1
      %and3A_211 = arith.andi %ne3A_210, %ne3A_205 : i1
      %add3A_212 = arith.addi %rem3A_203, %select_n3A_202 : i32
      %select_n3A_213 = arith.select %and3A_211, %add3A_212, %rem3A_203 : i32
      %eq3A_214 = arith.constant 0 : i32
      %eq3A_215 = arith.cmpi eq, %select_n3A_213, %eq3A_214 : i32
      %add3A_216 = arith.constant 2 : i32
      %add3A_217 = arith.addi %mul3A_179, %add3A_216 : i32
      %ge3A = arith.constant 32 : i32
      %ge3A_218 = arith.cmpi sge, %add3A_217, %ge3A : i32
      %and3A_219 = arith.andi %eq3A_215, %ge3A_218 : i1
      %add3A_220 = arith.constant 2 : i32
      %add3A_221 = arith.addi %mul3A_179, %add3A_220 : i32
      %lt3A_222 = arith.constant 80 : i32
      %lt3A_223 = arith.cmpi slt, %add3A_221, %lt3A_222 : i32
      %and3A_224 = arith.andi %and3A_219, %lt3A_223 : i1
      %convert_element_type3A_225 = arith.extui %and3A_224 : i1 to i32
      %cond3A_226 = arith.constant 0 : i32
      %cond3A_227 = arith.cmpi ne, %convert_element_type3A_225, %cond3A_226 : i32
      scf.if %cond3A_227 {
        %dma_wait3A_313 = arith.constant 0 : i32
        %dma_wait3A_314 = arith.constant 0 : i32
        %dma_wait3A_315 = arith.constant 0 : i32
        %dma_wait3A_316 = arith.constant 0 : i32
        %dma_wait3A_317 = tpu.memref_slice %arg7[%dma_wait3A_314, %dma_wait3A_315, %dma_wait3A_316] : memref<2x16x128xi32, #tpu.memory_space<vmem>> -> memref<1x16x128xi32, #tpu.memory_space<vmem>>
        %dma_wait3A_318 = tpu.memref_squeeze %dma_wait3A_317 : memref<1x16x128xi32, #tpu.memory_space<vmem>> -> memref<16x128xi32, #tpu.memory_space<vmem>>
        %dma_wait3A_319 = arith.constant 0 : i32
        %dma_wait3A_320 = arith.constant 0 : i32
        %dma_wait3A_321 = tpu.memref_slice %arg3[%arg0, %arg1, %dma_wait3A_313, %dma_wait3A_319, %dma_wait3A_320] : memref<2x16x5x16x128xi32, #tpu.memory_space<hbm>> -> memref<1x1x1x16x128xi32, #tpu.memory_space<hbm>>
        %dma_wait3A_322 = tpu.memref_squeeze %dma_wait3A_321 : memref<1x1x1x16x128xi32, #tpu.memory_space<hbm>> -> memref<16x128xi32, #tpu.memory_space<hbm>>
        %dma_wait3A_323 = arith.constant 0 : i32
        %dma_wait3A_324 = arith.constant 0 : i32
        %dma_wait3A_325 = tpu.memref_slice %arg7[%dma_wait3A_314, %dma_wait3A_323, %dma_wait3A_324] : memref<2x16x128xi32, #tpu.memory_space<vmem>> -> memref<1x16x128xi32, #tpu.memory_space<vmem>>
        %dma_wait3A_326 = tpu.memref_squeeze %dma_wait3A_325 : memref<1x16x128xi32, #tpu.memory_space<vmem>> -> memref<16x128xi32, #tpu.memory_space<vmem>>
        %dma_wait3A_327 = arith.constant 0 : i32
        %dma_wait3A_328 = arith.constant 0 : i32
        %dma_wait3A_329 = tpu.memref_slice %arg3[%arg0, %arg1, %dma_wait3A_313, %dma_wait3A_327, %dma_wait3A_328] : memref<2x16x5x16x128xi32, #tpu.memory_space<hbm>> -> memref<1x1x1x16x128xi32, #tpu.memory_space<hbm>>
        %dma_wait3A_330 = tpu.memref_squeeze %dma_wait3A_329 : memref<1x1x1x16x128xi32, #tpu.memory_space<hbm>> -> memref<16x128xi32, #tpu.memory_space<hbm>>
        tpu.wait_dma2 semaphore(%arg15 : memref<!tpu.dma_semaphore, #tpu.memory_space<semaphore_mem>>) src(%dma_wait3A_330 : memref<16x128xi32, #tpu.memory_space<hbm>>) dst(%dma_wait3A_326 : memref<16x128xi32, #tpu.memory_space<vmem>>)
        %dma_wait3A_331 = arith.constant 0 : i32
        %dma_wait3A_332 = arith.constant 0 : i32
        %dma_wait3A_333 = arith.constant 0 : i32
        %dma_wait3A_334 = arith.constant 0 : i32
        %dma_wait3A_335 = tpu.memref_slice %arg8[%dma_wait3A_332, %dma_wait3A_333, %dma_wait3A_334] : memref<2x16x128xi32, #tpu.memory_space<vmem>> -> memref<1x16x128xi32, #tpu.memory_space<vmem>>
        %dma_wait3A_336 = tpu.memref_squeeze %dma_wait3A_335 : memref<1x16x128xi32, #tpu.memory_space<vmem>> -> memref<16x128xi32, #tpu.memory_space<vmem>>
        %dma_wait3A_337 = arith.constant 0 : i32
        %dma_wait3A_338 = arith.constant 0 : i32
        %dma_wait3A_339 = tpu.memref_slice %arg4[%arg0, %arg1, %dma_wait3A_331, %dma_wait3A_337, %dma_wait3A_338] : memref<2x16x5x16x128xi32, #tpu.memory_space<hbm>> -> memref<1x1x1x16x128xi32, #tpu.memory_space<hbm>>
        %dma_wait3A_340 = tpu.memref_squeeze %dma_wait3A_339 : memref<1x1x1x16x128xi32, #tpu.memory_space<hbm>> -> memref<16x128xi32, #tpu.memory_space<hbm>>
        %dma_wait3A_341 = arith.constant 0 : i32
        %dma_wait3A_342 = arith.constant 0 : i32
        %dma_wait3A_343 = tpu.memref_slice %arg8[%dma_wait3A_332, %dma_wait3A_341, %dma_wait3A_342] : memref<2x16x128xi32, #tpu.memory_space<vmem>> -> memref<1x16x128xi32, #tpu.memory_space<vmem>>
        %dma_wait3A_344 = tpu.memref_squeeze %dma_wait3A_343 : memref<1x16x128xi32, #tpu.memory_space<vmem>> -> memref<16x128xi32, #tpu.memory_space<vmem>>
        %dma_wait3A_345 = arith.constant 0 : i32
        %dma_wait3A_346 = arith.constant 0 : i32
        %dma_wait3A_347 = tpu.memref_slice %arg4[%arg0, %arg1, %dma_wait3A_331, %dma_wait3A_345, %dma_wait3A_346] : memref<2x16x5x16x128xi32, #tpu.memory_space<hbm>> -> memref<1x1x1x16x128xi32, #tpu.memory_space<hbm>>
        %dma_wait3A_348 = tpu.memref_squeeze %dma_wait3A_347 : memref<1x1x1x16x128xi32, #tpu.memory_space<hbm>> -> memref<16x128xi32, #tpu.memory_space<hbm>>
        tpu.wait_dma2 semaphore(%arg15 : memref<!tpu.dma_semaphore, #tpu.memory_space<semaphore_mem>>) src(%dma_wait3A_348 : memref<16x128xi32, #tpu.memory_space<hbm>>) dst(%dma_wait3A_344 : memref<16x128xi32, #tpu.memory_space<vmem>>)
      } else {
      }
      %jit3A_228 = arith.constant 16 : i32
      %div3A = arith.divsi %mul3A_179, %jit3A_228 : i32
      %sign3A = arith.constant 0 : i32
      %sign3A_229 = arith.cmpi sgt, %mul3A_179, %sign3A : i32
      %sign3A_230 = arith.extui %sign3A_229 : i1 to i32
      %sign3A_231 = arith.constant 0 : i32
      %sign3A_232 = arith.cmpi slt, %mul3A_179, %sign3A_231 : i32
      %sign3A_233 = arith.extui %sign3A_232 : i1 to i32
      %sign3A_234 = arith.subi %sign3A_230, %sign3A_233 : i32
      %sign3A_235 = arith.constant 0 : i32
      %sign3A_236 = arith.cmpi sgt, %jit3A_228, %sign3A_235 : i32
      %sign3A_237 = arith.extui %sign3A_236 : i1 to i32
      %sign3A_238 = arith.constant 0 : i32
      %sign3A_239 = arith.cmpi slt, %jit3A_228, %sign3A_238 : i32
      %sign3A_240 = arith.extui %sign3A_239 : i1 to i32
      %sign3A_241 = arith.subi %sign3A_237, %sign3A_240 : i32
      %ne3A_242 = arith.cmpi ne, %sign3A_234, %sign3A_241 : i32
      %rem3A_243 = arith.remsi %mul3A_179, %jit3A_228 : i32
      %ne3A_244 = arith.constant 0 : i32
      %ne3A_245 = arith.cmpi ne, %rem3A_243, %ne3A_244 : i32
      %and3A_246 = arith.andi %ne3A_242, %ne3A_245 : i1
      %sub3A = arith.constant 1 : i32
      %sub3A_247 = arith.subi %div3A, %sub3A : i32
      %select_n3A_248 = arith.select %and3A_246, %sub3A_247, %div3A : i32
      %jit3A_249 = arith.constant 2 : i32
      %eq3A_250 = arith.constant 0 : i32
      %eq3A_251 = arith.cmpi eq, %jit3A_249, %eq3A_250 : i32
      %jit3A_252 = arith.constant 1 : i32
      %select_n3A_253 = arith.select %eq3A_251, %jit3A_252, %jit3A_249 : i32
      %rem3A_254 = arith.remsi %select_n3A_248, %select_n3A_253 : i32
      %ne3A_255 = arith.constant 0 : i32
      %ne3A_256 = arith.cmpi ne, %rem3A_254, %ne3A_255 : i32
      %lt3A_257 = arith.constant 0 : i32
      %lt3A_258 = arith.cmpi slt, %rem3A_254, %lt3A_257 : i32
      %lt3A_259 = arith.constant 0 : i32
      %lt3A_260 = arith.cmpi slt, %select_n3A_253, %lt3A_259 : i32
      %ne3A_261 = arith.xori %lt3A_258, %lt3A_260 : i1
      %and3A_262 = arith.andi %ne3A_261, %ne3A_256 : i1
      %add3A_263 = arith.addi %rem3A_254, %select_n3A_253 : i32
      %select_n3A_264 = arith.select %and3A_262, %add3A_263, %rem3A_254 : i32
      %jit3A_265 = arith.constant 16 : i32
      %eq3A_266 = arith.constant 0 : i32
      %eq3A_267 = arith.cmpi eq, %jit3A_265, %eq3A_266 : i32
      %jit3A_268 = arith.constant 1 : i32
      %select_n3A_269 = arith.select %eq3A_267, %jit3A_268, %jit3A_265 : i32
      %rem3A_270 = arith.remsi %mul3A_179, %select_n3A_269 : i32
      %ne3A_271 = arith.constant 0 : i32
      %ne3A_272 = arith.cmpi ne, %rem3A_270, %ne3A_271 : i32
      %lt3A_273 = arith.constant 0 : i32
      %lt3A_274 = arith.cmpi slt, %rem3A_270, %lt3A_273 : i32
      %lt3A_275 = arith.constant 0 : i32
      %lt3A_276 = arith.cmpi slt, %select_n3A_269, %lt3A_275 : i32
      %ne3A_277 = arith.xori %lt3A_274, %lt3A_276 : i1
      %and3A_278 = arith.andi %ne3A_277, %ne3A_272 : i1
      %add3A_279 = arith.addi %rem3A_270, %select_n3A_269 : i32
      %select_n3A_280 = arith.select %and3A_278, %add3A_279, %rem3A_270 : i32
      %dma_wait3A_281 = arith.constant 0 : i32
      %dma_wait3A_282 = arith.constant 0 : i32
      %dma_wait3A_283 = arith.constant 0 : i32
      %dma_wait3A_284 = tpu.memref_slice %arg7[%dma_wait3A_281, %dma_wait3A_282, %dma_wait3A_283] : memref<2x16x128xi32, #tpu.memory_space<vmem>> -> memref<1x1x128xi32, #tpu.memory_space<vmem>>
      %dma_wait3A_285 = tpu.memref_squeeze %dma_wait3A_284 : memref<1x1x128xi32, #tpu.memory_space<vmem>> -> memref<128xi32, #tpu.memory_space<vmem>>
      %dma_wait3A_286 = arith.constant 0 : i32
      %dma_wait3A_287 = arith.constant 0 : i32
      %dma_wait3A_288 = tpu.memref_slice %arg2[%dma_wait3A_286, %dma_wait3A_287] : memref<10240x128xf32, #tpu.memory_space<hbm>> -> memref<10240x128xf32, #tpu.memory_space<hbm>>
      tpu.wait_indirect_dma semaphore(%arg13 : memref<!tpu.dma_semaphore, #tpu.memory_space<semaphore_mem>>) src(%dma_wait3A_288 : memref<10240x128xf32, #tpu.memory_space<hbm>>) dst(%arg9 : memref<128x128xf32, #tpu.memory_space<vmem>>)
      "tpu.region"() ({
        %run_scoped3A = tpu.sem_alloc : memref<!tpu.dma_semaphore, #tpu.memory_space<semaphore_mem>>
        %dma_start3A_313 = arith.constant 0 : i32
        %dma_start3A_314 = tpu.memref_slice %arg8[%select_n3A_264, %select_n3A_280, %dma_start3A_313] : memref<2x16x128xi32, #tpu.memory_space<vmem>> -> memref<1x1x128xi32, #tpu.memory_space<vmem>>
        %dma_start3A_315 = tpu.memref_squeeze %dma_start3A_314 : memref<1x1x128xi32, #tpu.memory_space<vmem>> -> memref<128xi32, #tpu.memory_space<vmem>>
        %dma_start3A_316 = arith.constant 0 : i32
        %dma_start3A_317 = arith.constant 0 : i32
        %dma_start3A_318 = tpu.memref_slice %arg12[%dma_start3A_316, %dma_start3A_317] : memref<10240x128xf32, #tpu.memory_space<vmem_shared>> -> memref<10240x128xf32, #tpu.memory_space<vmem_shared>>
        tpu.enqueue_indirect_dma source(%arg9 : memref<128x128xf32, #tpu.memory_space<vmem>>) target(%dma_start3A_318 : memref<10240x128xf32, #tpu.memory_space<vmem_shared>>) offsets(%dma_start3A_315 : memref<128xi32, #tpu.memory_space<vmem>>) semaphore(%run_scoped3A : memref<!tpu.dma_semaphore, #tpu.memory_space<semaphore_mem>>) {add = true}
        %dma_wait3A_319 = arith.constant 0 : i32
        %dma_wait3A_320 = tpu.memref_slice %arg8[%select_n3A_264, %select_n3A_280, %dma_wait3A_319] : memref<2x16x128xi32, #tpu.memory_space<vmem>> -> memref<1x1x128xi32, #tpu.memory_space<vmem>>
        %dma_wait3A_321 = tpu.memref_squeeze %dma_wait3A_320 : memref<1x1x128xi32, #tpu.memory_space<vmem>> -> memref<128xi32, #tpu.memory_space<vmem>>
        %dma_wait3A_322 = arith.constant 0 : i32
        %dma_wait3A_323 = arith.constant 0 : i32
        %dma_wait3A_324 = tpu.memref_slice %arg12[%dma_wait3A_322, %dma_wait3A_323] : memref<10240x128xf32, #tpu.memory_space<vmem_shared>> -> memref<10240x128xf32, #tpu.memory_space<vmem_shared>>
        tpu.wait_indirect_dma semaphore(%run_scoped3A : memref<!tpu.dma_semaphore, #tpu.memory_space<semaphore_mem>>) src(%arg9 : memref<128x128xf32, #tpu.memory_space<vmem>>) dst(%dma_wait3A_324 : memref<10240x128xf32, #tpu.memory_space<vmem_shared>>)
        tpu.yield
      }) : () -> ()
      %add3A_289 = arith.constant 2 : i32
      %add3A_290 = arith.addi %mul3A_179, %add3A_289 : i32
      %lt3A_291 = arith.constant 80 : i32
      %lt3A_292 = arith.cmpi slt, %add3A_290, %lt3A_291 : i32
      %convert_element_type3A_293 = arith.extui %lt3A_292 : i1 to i32
      %cond3A_294 = arith.constant 0 : i32
      %cond3A_295 = arith.cmpi ne, %convert_element_type3A_293, %cond3A_294 : i32
      scf.if %cond3A_295 {
        %add3A_313 = arith.constant 2 : i32
        %add3A_314 = arith.addi %mul3A_179, %add3A_313 : i32
        %jit3A_315 = arith.constant 16 : i32
        %div3A_316 = arith.divsi %add3A_314, %jit3A_315 : i32
        %sign3A_317 = arith.constant 0 : i32
        %sign3A_318 = arith.cmpi sgt, %add3A_314, %sign3A_317 : i32
        %sign3A_319 = arith.extui %sign3A_318 : i1 to i32
        %sign3A_320 = arith.constant 0 : i32
        %sign3A_321 = arith.cmpi slt, %add3A_314, %sign3A_320 : i32
        %sign3A_322 = arith.extui %sign3A_321 : i1 to i32
        %sign3A_323 = arith.subi %sign3A_319, %sign3A_322 : i32
        %sign3A_324 = arith.constant 0 : i32
        %sign3A_325 = arith.cmpi sgt, %jit3A_315, %sign3A_324 : i32
        %sign3A_326 = arith.extui %sign3A_325 : i1 to i32
        %sign3A_327 = arith.constant 0 : i32
        %sign3A_328 = arith.cmpi slt, %jit3A_315, %sign3A_327 : i32
        %sign3A_329 = arith.extui %sign3A_328 : i1 to i32
        %sign3A_330 = arith.subi %sign3A_326, %sign3A_329 : i32
        %ne3A_331 = arith.cmpi ne, %sign3A_323, %sign3A_330 : i32
        %rem3A_332 = arith.remsi %add3A_314, %jit3A_315 : i32
        %ne3A_333 = arith.constant 0 : i32
        %ne3A_334 = arith.cmpi ne, %rem3A_332, %ne3A_333 : i32
        %and3A_335 = arith.andi %ne3A_331, %ne3A_334 : i1
        %sub3A_336 = arith.constant 1 : i32
        %sub3A_337 = arith.subi %div3A_316, %sub3A_336 : i32
        %select_n3A_338 = arith.select %and3A_335, %sub3A_337, %div3A_316 : i32
        %jit3A_339 = arith.constant 2 : i32
        %eq3A_340 = arith.constant 0 : i32
        %eq3A_341 = arith.cmpi eq, %jit3A_339, %eq3A_340 : i32
        %jit3A_342 = arith.constant 1 : i32
        %select_n3A_343 = arith.select %eq3A_341, %jit3A_342, %jit3A_339 : i32
        %rem3A_344 = arith.remsi %select_n3A_338, %select_n3A_343 : i32
        %ne3A_345 = arith.constant 0 : i32
        %ne3A_346 = arith.cmpi ne, %rem3A_344, %ne3A_345 : i32
        %lt3A_347 = arith.constant 0 : i32
        %lt3A_348 = arith.cmpi slt, %rem3A_344, %lt3A_347 : i32
        %lt3A_349 = arith.constant 0 : i32
        %lt3A_350 = arith.cmpi slt, %select_n3A_343, %lt3A_349 : i32
        %ne3A_351 = arith.xori %lt3A_348, %lt3A_350 : i1
        %and3A_352 = arith.andi %ne3A_351, %ne3A_346 : i1
        %add3A_353 = arith.addi %rem3A_344, %select_n3A_343 : i32
        %select_n3A_354 = arith.select %and3A_352, %add3A_353, %rem3A_344 : i32
        %jit3A_355 = arith.constant 16 : i32
        %eq3A_356 = arith.constant 0 : i32
        %eq3A_357 = arith.cmpi eq, %jit3A_355, %eq3A_356 : i32
        %jit3A_358 = arith.constant 1 : i32
        %select_n3A_359 = arith.select %eq3A_357, %jit3A_358, %jit3A_355 : i32
        %rem3A_360 = arith.remsi %add3A_314, %select_n3A_359 : i32
        %ne3A_361 = arith.constant 0 : i32
        %ne3A_362 = arith.cmpi ne, %rem3A_360, %ne3A_361 : i32
        %lt3A_363 = arith.constant 0 : i32
        %lt3A_364 = arith.cmpi slt, %rem3A_360, %lt3A_363 : i32
        %lt3A_365 = arith.constant 0 : i32
        %lt3A_366 = arith.cmpi slt, %select_n3A_359, %lt3A_365 : i32
        %ne3A_367 = arith.xori %lt3A_364, %lt3A_366 : i1
        %and3A_368 = arith.andi %ne3A_367, %ne3A_362 : i1
        %add3A_369 = arith.addi %rem3A_360, %select_n3A_359 : i32
        %select_n3A_370 = arith.select %and3A_368, %add3A_369, %rem3A_360 : i32
        %dma_start3A_371 = arith.constant 0 : i32
        %dma_start3A_372 = tpu.memref_slice %arg7[%select_n3A_354, %select_n3A_370, %dma_start3A_371] : memref<2x16x128xi32, #tpu.memory_space<vmem>> -> memref<1x1x128xi32, #tpu.memory_space<vmem>>
        %dma_start3A_373 = tpu.memref_squeeze %dma_start3A_372 : memref<1x1x128xi32, #tpu.memory_space<vmem>> -> memref<128xi32, #tpu.memory_space<vmem>>
        %dma_start3A_374 = arith.constant 0 : i32
        %dma_start3A_375 = arith.constant 0 : i32
        %dma_start3A_376 = tpu.memref_slice %arg2[%dma_start3A_374, %dma_start3A_375] : memref<10240x128xf32, #tpu.memory_space<hbm>> -> memref<10240x128xf32, #tpu.memory_space<hbm>>
        tpu.enqueue_indirect_dma source(%dma_start3A_376 : memref<10240x128xf32, #tpu.memory_space<hbm>>) target(%arg9 : memref<128x128xf32, #tpu.memory_space<vmem>>) offsets(%dma_start3A_373 : memref<128xi32, #tpu.memory_space<vmem>>) semaphore(%arg13 : memref<!tpu.dma_semaphore, #tpu.memory_space<semaphore_mem>>)
      } else {
      }
      %dma_wait3A_296 = arith.constant 0 : i32
      %dma_wait3A_297 = arith.constant 0 : i32
      %dma_wait3A_298 = arith.constant 0 : i32
      %dma_wait3A_299 = tpu.memref_slice %arg7[%dma_wait3A_296, %dma_wait3A_297, %dma_wait3A_298] : memref<2x16x128xi32, #tpu.memory_space<vmem>> -> memref<1x1x128xi32, #tpu.memory_space<vmem>>
      %dma_wait3A_300 = tpu.memref_squeeze %dma_wait3A_299 : memref<1x1x128xi32, #tpu.memory_space<vmem>> -> memref<128xi32, #tpu.memory_space<vmem>>
      %dma_wait3A_301 = arith.constant 0 : i32
      %dma_wait3A_302 = arith.constant 0 : i32
      %dma_wait3A_303 = tpu.memref_slice %arg2[%dma_wait3A_301, %dma_wait3A_302] : memref<10240x128xf32, #tpu.memory_space<hbm>> -> memref<10240x128xf32, #tpu.memory_space<hbm>>
      tpu.wait_indirect_dma semaphore(%arg14 : memref<!tpu.dma_semaphore, #tpu.memory_space<semaphore_mem>>) src(%dma_wait3A_303 : memref<10240x128xf32, #tpu.memory_space<hbm>>) dst(%arg10 : memref<128x128xf32, #tpu.memory_space<vmem>>)
      %add3A_304 = arith.constant 1 : i32
      %add3A_305 = arith.addi %select_n3A_280, %add3A_304 : i32
      "tpu.region"() ({
        %run_scoped3A = tpu.sem_alloc : memref<!tpu.dma_semaphore, #tpu.memory_space<semaphore_mem>>
        %dma_start3A_313 = arith.constant 0 : i32
        %dma_start3A_314 = tpu.memref_slice %arg8[%select_n3A_264, %add3A_305, %dma_start3A_313] : memref<2x16x128xi32, #tpu.memory_space<vmem>> -> memref<1x1x128xi32, #tpu.memory_space<vmem>>
        %dma_start3A_315 = tpu.memref_squeeze %dma_start3A_314 : memref<1x1x128xi32, #tpu.memory_space<vmem>> -> memref<128xi32, #tpu.memory_space<vmem>>
        %dma_start3A_316 = arith.constant 0 : i32
        %dma_start3A_317 = arith.constant 0 : i32
        %dma_start3A_318 = tpu.memref_slice %arg12[%dma_start3A_316, %dma_start3A_317] : memref<10240x128xf32, #tpu.memory_space<vmem_shared>> -> memref<10240x128xf32, #tpu.memory_space<vmem_shared>>
        tpu.enqueue_indirect_dma source(%arg10 : memref<128x128xf32, #tpu.memory_space<vmem>>) target(%dma_start3A_318 : memref<10240x128xf32, #tpu.memory_space<vmem_shared>>) offsets(%dma_start3A_315 : memref<128xi32, #tpu.memory_space<vmem>>) semaphore(%run_scoped3A : memref<!tpu.dma_semaphore, #tpu.memory_space<semaphore_mem>>) {add = true}
        %dma_wait3A_319 = arith.constant 0 : i32
        %dma_wait3A_320 = tpu.memref_slice %arg8[%select_n3A_264, %add3A_305, %dma_wait3A_319] : memref<2x16x128xi32, #tpu.memory_space<vmem>> -> memref<1x1x128xi32, #tpu.memory_space<vmem>>
        %dma_wait3A_321 = tpu.memref_squeeze %dma_wait3A_320 : memref<1x1x128xi32, #tpu.memory_space<vmem>> -> memref<128xi32, #tpu.memory_space<vmem>>
        %dma_wait3A_322 = arith.constant 0 : i32
        %dma_wait3A_323 = arith.constant 0 : i32
        %dma_wait3A_324 = tpu.memref_slice %arg12[%dma_wait3A_322, %dma_wait3A_323] : memref<10240x128xf32, #tpu.memory_space<vmem_shared>> -> memref<10240x128xf32, #tpu.memory_space<vmem_shared>>
        tpu.wait_indirect_dma semaphore(%run_scoped3A : memref<!tpu.dma_semaphore, #tpu.memory_space<semaphore_mem>>) src(%arg10 : memref<128x128xf32, #tpu.memory_space<vmem>>) dst(%dma_wait3A_324 : memref<10240x128xf32, #tpu.memory_space<vmem_shared>>)
        tpu.yield
      }) : () -> ()
      %add3A_306 = arith.constant 3 : i32
      %add3A_307 = arith.addi %mul3A_179, %add3A_306 : i32
      %lt3A_308 = arith.constant 80 : i32
      %lt3A_309 = arith.cmpi slt, %add3A_307, %lt3A_308 : i32
      %convert_element_type3A_310 = arith.extui %lt3A_309 : i1 to i32
      %cond3A_311 = arith.constant 0 : i32
      %cond3A_312 = arith.cmpi ne, %convert_element_type3A_310, %cond3A_311 : i32
      scf.if %cond3A_312 {
        %add3A_313 = arith.constant 3 : i32
        %add3A_314 = arith.addi %mul3A_179, %add3A_313 : i32
        %jit3A_315 = arith.constant 16 : i32
        %div3A_316 = arith.divsi %add3A_314, %jit3A_315 : i32
        %sign3A_317 = arith.constant 0 : i32
        %sign3A_318 = arith.cmpi sgt, %add3A_314, %sign3A_317 : i32
        %sign3A_319 = arith.extui %sign3A_318 : i1 to i32
        %sign3A_320 = arith.constant 0 : i32
        %sign3A_321 = arith.cmpi slt, %add3A_314, %sign3A_320 : i32
        %sign3A_322 = arith.extui %sign3A_321 : i1 to i32
        %sign3A_323 = arith.subi %sign3A_319, %sign3A_322 : i32
        %sign3A_324 = arith.constant 0 : i32
        %sign3A_325 = arith.cmpi sgt, %jit3A_315, %sign3A_324 : i32
        %sign3A_326 = arith.extui %sign3A_325 : i1 to i32
        %sign3A_327 = arith.constant 0 : i32
        %sign3A_328 = arith.cmpi slt, %jit3A_315, %sign3A_327 : i32
        %sign3A_329 = arith.extui %sign3A_328 : i1 to i32
        %sign3A_330 = arith.subi %sign3A_326, %sign3A_329 : i32
        %ne3A_331 = arith.cmpi ne, %sign3A_323, %sign3A_330 : i32
        %rem3A_332 = arith.remsi %add3A_314, %jit3A_315 : i32
        %ne3A_333 = arith.constant 0 : i32
        %ne3A_334 = arith.cmpi ne, %rem3A_332, %ne3A_333 : i32
        %and3A_335 = arith.andi %ne3A_331, %ne3A_334 : i1
        %sub3A_336 = arith.constant 1 : i32
        %sub3A_337 = arith.subi %div3A_316, %sub3A_336 : i32
        %select_n3A_338 = arith.select %and3A_335, %sub3A_337, %div3A_316 : i32
        %jit3A_339 = arith.constant 2 : i32
        %eq3A_340 = arith.constant 0 : i32
        %eq3A_341 = arith.cmpi eq, %jit3A_339, %eq3A_340 : i32
        %jit3A_342 = arith.constant 1 : i32
        %select_n3A_343 = arith.select %eq3A_341, %jit3A_342, %jit3A_339 : i32
        %rem3A_344 = arith.remsi %select_n3A_338, %select_n3A_343 : i32
        %ne3A_345 = arith.constant 0 : i32
        %ne3A_346 = arith.cmpi ne, %rem3A_344, %ne3A_345 : i32
        %lt3A_347 = arith.constant 0 : i32
        %lt3A_348 = arith.cmpi slt, %rem3A_344, %lt3A_347 : i32
        %lt3A_349 = arith.constant 0 : i32
        %lt3A_350 = arith.cmpi slt, %select_n3A_343, %lt3A_349 : i32
        %ne3A_351 = arith.xori %lt3A_348, %lt3A_350 : i1
        %and3A_352 = arith.andi %ne3A_351, %ne3A_346 : i1
        %add3A_353 = arith.addi %rem3A_344, %select_n3A_343 : i32
        %select_n3A_354 = arith.select %and3A_352, %add3A_353, %rem3A_344 : i32
        %jit3A_355 = arith.constant 16 : i32
        %eq3A_356 = arith.constant 0 : i32
        %eq3A_357 = arith.cmpi eq, %jit3A_355, %eq3A_356 : i32
        %jit3A_358 = arith.constant 1 : i32
        %select_n3A_359 = arith.select %eq3A_357, %jit3A_358, %jit3A_355 : i32
        %rem3A_360 = arith.remsi %add3A_314, %select_n3A_359 : i32
        %ne3A_361 = arith.constant 0 : i32
        %ne3A_362 = arith.cmpi ne, %rem3A_360, %ne3A_361 : i32
        %lt3A_363 = arith.constant 0 : i32
        %lt3A_364 = arith.cmpi slt, %rem3A_360, %lt3A_363 : i32
        %lt3A_365 = arith.constant 0 : i32
        %lt3A_366 = arith.cmpi slt, %select_n3A_359, %lt3A_365 : i32
        %ne3A_367 = arith.xori %lt3A_364, %lt3A_366 : i1
        %and3A_368 = arith.andi %ne3A_367, %ne3A_362 : i1
        %add3A_369 = arith.addi %rem3A_360, %select_n3A_359 : i32
        %select_n3A_370 = arith.select %and3A_368, %add3A_369, %rem3A_360 : i32
        %dma_start3A_371 = arith.constant 0 : i32
        %dma_start3A_372 = tpu.memref_slice %arg7[%select_n3A_354, %select_n3A_370, %dma_start3A_371] : memref<2x16x128xi32, #tpu.memory_space<vmem>> -> memref<1x1x128xi32, #tpu.memory_space<vmem>>
        %dma_start3A_373 = tpu.memref_squeeze %dma_start3A_372 : memref<1x1x128xi32, #tpu.memory_space<vmem>> -> memref<128xi32, #tpu.memory_space<vmem>>
        %dma_start3A_374 = arith.constant 0 : i32
        %dma_start3A_375 = arith.constant 0 : i32
        %dma_start3A_376 = tpu.memref_slice %arg2[%dma_start3A_374, %dma_start3A_375] : memref<10240x128xf32, #tpu.memory_space<hbm>> -> memref<10240x128xf32, #tpu.memory_space<hbm>>
        tpu.enqueue_indirect_dma source(%dma_start3A_376 : memref<10240x128xf32, #tpu.memory_space<hbm>>) target(%arg10 : memref<128x128xf32, #tpu.memory_space<vmem>>) offsets(%dma_start3A_373 : memref<128xi32, #tpu.memory_space<vmem>>) semaphore(%arg14 : memref<!tpu.dma_semaphore, #tpu.memory_space<semaphore_mem>>)
      } else {
      }
    }
    %scan3A_175 = arith.constant 40 : i32
    %barrier3A_176 = arith.constant 0 : index
    tpu.barrier barrier_id(%barrier3A_176)
    "tpu.region"() ({
      %run_scoped3A = tpu.sem_alloc : memref<!tpu.dma_semaphore, #tpu.memory_space<semaphore_mem>>
      %dma_start3A_177 = arith.constant 0 : i32
      %dma_start3A_178 = tpu.memref_slice %arg6[%arg0, %mul3A_0, %dma_start3A_177] : memref<2x10240x128xf32, #tpu.memory_space<hbm>> -> memref<1x640x128xf32, #tpu.memory_space<hbm>>
      %dma_start3A_179 = tpu.memref_squeeze %dma_start3A_178 : memref<1x640x128xf32, #tpu.memory_space<hbm>> -> memref<640x128xf32, #tpu.memory_space<hbm>>
      %dma_start3A_180 = arith.constant 0 : i32
      %dma_start3A_181 = tpu.memref_slice %arg12[%mul3A_0, %dma_start3A_180] : memref<10240x128xf32, #tpu.memory_space<vmem_shared>> -> memref<640x128xf32, #tpu.memory_space<vmem_shared>>
      tpu.enqueue_dma source(%dma_start3A_181 : memref<640x128xf32, #tpu.memory_space<vmem_shared>>) target(%dma_start3A_179 : memref<640x128xf32, #tpu.memory_space<hbm>>) target_semaphore(%run_scoped3A : memref<!tpu.dma_semaphore, #tpu.memory_space<semaphore_mem>>)
      %dma_wait3A_182 = arith.constant 0 : i32
      %dma_wait3A_183 = tpu.memref_slice %arg6[%arg0, %mul3A_0, %dma_wait3A_182] : memref<2x10240x128xf32, #tpu.memory_space<hbm>> -> memref<1x640x128xf32, #tpu.memory_space<hbm>>
      %dma_wait3A_184 = tpu.memref_squeeze %dma_wait3A_183 : memref<1x640x128xf32, #tpu.memory_space<hbm>> -> memref<640x128xf32, #tpu.memory_space<hbm>>
      %dma_wait3A_185 = arith.constant 0 : i32
      %dma_wait3A_186 = tpu.memref_slice %arg12[%mul3A_0, %dma_wait3A_185] : memref<10240x128xf32, #tpu.memory_space<vmem_shared>> -> memref<640x128xf32, #tpu.memory_space<vmem_shared>>
      tpu.wait_dma2 semaphore(%run_scoped3A : memref<!tpu.dma_semaphore, #tpu.memory_space<semaphore_mem>>) src(%dma_wait3A_186 : memref<640x128xf32, #tpu.memory_space<vmem_shared>>) dst(%dma_wait3A_184 : memref<640x128xf32, #tpu.memory_space<hbm>>)
      tpu.yield
    }) : () -> ()
    return
  }
}

module attributes {stable_mosaic.version = 14 : i64} {
  func.func @_mm_first_body(%arg0: i32, %arg1: memref<512x128xf32, #tpu.memory_space<vmem>>, %arg2: memref<128x128xf32, #tpu.memory_space<vmem>>, %arg3: memref<512x128xf32, #tpu.memory_space<vmem>>) attributes {dimension_semantics = [#tpu.dimension_semantics<arbitrary>], iteration_bounds = array<i64: 20>, scalar_prefetch = 0 : i64, scratch_operands = 0 : i64, tpu.core_type = #tpu.core_type<tc>, window_params = [{transform_indices = @transform_0, window_bounds = array<i64: 512, 128>}, {pipeline_mode = #tpu.pipeline_mode<synchronous>, transform_indices = @transform_1, window_bounds = array<i64: 128, 128>}, {transform_indices = @transform_2, window_bounds = array<i64: 512, 128>}]} {
    %get3A = arith.constant 0 : index
    %get3A_0 = arith.constant 0 : index
    %get3A_1 = vector.load %arg1[%get3A, %get3A_0] : memref<512x128xf32, #tpu.memory_space<vmem>>, vector<512x128xf32>
    %get3A_2 = arith.constant 0 : index
    %get3A_3 = arith.constant 0 : index
    %get3A_4 = vector.load %arg2[%get3A_2, %get3A_3] : memref<128x128xf32, #tpu.memory_space<vmem>>, vector<128x128xf32>
    %dot_general3A = arith.constant dense<0.000000e+00> : vector<512x128xf32>
    %dot_general3A_5 = tpu.matmul %get3A_1, %get3A_4, %dot_general3A {dimension_numbers = #tpu.dot_dimension_numbers<[1], [0], [0], [1], [0, 0, 1, 1], [], []>, precision = #tpu.contract_precision<fp32>, transpose_lhs_hint = false} : vector<512x128xf32>, vector<128x128xf32>, vector<512x128xf32> -> vector<512x128xf32>
    %swap3A = arith.constant 0 : index
    %swap3A_6 = arith.constant 0 : index
    %swap3A_7 = vector.load %arg3[%swap3A, %swap3A_6] : memref<512x128xf32, #tpu.memory_space<vmem>>, vector<512x128xf32>
    tpu.vector_store %arg3[%swap3A, %swap3A_6], %dot_general3A_5 {strides = array<i32>} : memref<512x128xf32, #tpu.memory_space<vmem>>, vector<512x128xf32>,
    return
  }
  func.func @transform_0(%arg0: i32) -> (i32, i32) {
    %c0_i32 = arith.constant 0 : i32
    %c0_i32_0 = arith.constant 0 : i32
    return %arg0, %c0_i32 : i32, i32
  }
  func.func @transform_1(%arg0: i32) -> (i32, i32) {
    %c0_i32 = arith.constant 0 : i32
    %c0_i32_0 = arith.constant 0 : i32
    %c0_i32_1 = arith.constant 0 : i32
    return %c0_i32, %c0_i32_0 : i32, i32
  }
  func.func @transform_2(%arg0: i32) -> (i32, i32) {
    %c0_i32 = arith.constant 0 : i32
    %c0_i32_0 = arith.constant 0 : i32
    return %arg0, %c0_i32 : i32, i32
  }
}

module attributes {stable_mosaic.version = 14 : i64} {
  func.func @_mm_mid_body(%arg0: i32, %arg1: memref<2x512x128xf32, #tpu.memory_space<vmem>>, %arg2: memref<1x128xf32, #tpu.memory_space<vmem>>, %arg3: memref<128x128xf32, #tpu.memory_space<vmem>>, %arg4: memref<512x128xf32, #tpu.memory_space<vmem>>) attributes {dimension_semantics = [#tpu.dimension_semantics<arbitrary>], iteration_bounds = array<i64: 20>, scalar_prefetch = 0 : i64, scratch_operands = 0 : i64, tpu.core_type = #tpu.core_type<tc>, window_params = [{transform_indices = @transform_0, window_bounds = array<i64: 2, 512, 128>}, {pipeline_mode = #tpu.pipeline_mode<synchronous>, transform_indices = @transform_1, window_bounds = array<i64: 1, 128>}, {pipeline_mode = #tpu.pipeline_mode<synchronous>, transform_indices = @transform_2, window_bounds = array<i64: 128, 128>}, {transform_indices = @transform_3, window_bounds = array<i64: 512, 128>}]} {
    %get3A = arith.constant 0 : index
    %get3A_0 = arith.constant 0 : index
    %get3A_1 = arith.constant 0 : index
    %get3A_2 = vector.load %arg1[%get3A, %get3A_0, %get3A_1] : memref<2x512x128xf32, #tpu.memory_space<vmem>>, vector<1x512x128xf32>
    %get3A_3 = vector.shape_cast %get3A_2 : vector<1x512x128xf32> to vector<512x128xf32>
    %get3A_4 = arith.constant 1 : index
    %get3A_5 = arith.constant 0 : index
    %get3A_6 = arith.constant 0 : index
    %get3A_7 = vector.load %arg1[%get3A_4, %get3A_5, %get3A_6] : memref<2x512x128xf32, #tpu.memory_space<vmem>>, vector<1x512x128xf32>
    %get3A_8 = vector.shape_cast %get3A_7 : vector<1x512x128xf32> to vector<512x128xf32>
    %add3A = arith.addf %get3A_3, %get3A_8 : vector<512x128xf32>
    %get3A_9 = arith.constant 0 : index
    %get3A_10 = arith.constant 0 : index
    %get3A_11 = vector.load %arg2[%get3A_9, %get3A_10] : memref<1x128xf32, #tpu.memory_space<vmem>>, vector<1x128xf32>
    %add3A_12 = vector.broadcast %get3A_11 : vector<1x128xf32> to vector<512x128xf32>
    %add3A_13 = arith.addf %add3A, %add3A_12 : vector<512x128xf32>
    %max3A = arith.constant 0.000000e+00 : f32
    %max3A_14 = vector.broadcast %max3A : f32 to vector<512x128xf32>
    %max3A_15 = arith.maximumf %add3A_13, %max3A_14 : vector<512x128xf32>
    %get3A_16 = arith.constant 0 : index
    %get3A_17 = arith.constant 0 : index
    %get3A_18 = vector.load %arg3[%get3A_16, %get3A_17] : memref<128x128xf32, #tpu.memory_space<vmem>>, vector<128x128xf32>
    %dot_general3A = arith.constant dense<0.000000e+00> : vector<512x128xf32>
    %dot_general3A_19 = tpu.matmul %max3A_15, %get3A_18, %dot_general3A {dimension_numbers = #tpu.dot_dimension_numbers<[1], [0], [0], [1], [0, 0, 1, 1], [], []>, precision = #tpu.contract_precision<fp32>, transpose_lhs_hint = false} : vector<512x128xf32>, vector<128x128xf32>, vector<512x128xf32> -> vector<512x128xf32>
    %swap3A = arith.constant 0 : index
    %swap3A_20 = arith.constant 0 : index
    %swap3A_21 = vector.load %arg4[%swap3A, %swap3A_20] : memref<512x128xf32, #tpu.memory_space<vmem>>, vector<512x128xf32>
    tpu.vector_store %arg4[%swap3A, %swap3A_20], %dot_general3A_19 {strides = array<i32>} : memref<512x128xf32, #tpu.memory_space<vmem>>, vector<512x128xf32>,
    return
  }
  func.func @transform_0(%arg0: i32) -> (i32, i32, i32) {
    %c0_i32 = arith.constant 0 : i32
    %c0_i32_0 = arith.constant 0 : i32
    %c0_i32_1 = arith.constant 0 : i32
    return %c0_i32, %arg0, %c0_i32_0 : i32, i32, i32
  }
  func.func @transform_1(%arg0: i32) -> (i32, i32) {
    %c0_i32 = arith.constant 0 : i32
    %c0_i32_0 = arith.constant 0 : i32
    %c0_i32_1 = arith.constant 0 : i32
    return %c0_i32, %c0_i32_0 : i32, i32
  }
  func.func @transform_2(%arg0: i32) -> (i32, i32) {
    %c0_i32 = arith.constant 0 : i32
    %c0_i32_0 = arith.constant 0 : i32
    %c0_i32_1 = arith.constant 0 : i32
    return %c0_i32, %c0_i32_0 : i32, i32
  }
  func.func @transform_3(%arg0: i32) -> (i32, i32) {
    %c0_i32 = arith.constant 0 : i32
    %c0_i32_0 = arith.constant 0 : i32
    return %arg0, %c0_i32 : i32, i32
  }
}

module attributes {stable_mosaic.version = 14 : i64} {
  func.func @_relu_body(%arg0: i32, %arg1: memref<2x512x128xf32, #tpu.memory_space<vmem>>, %arg2: memref<1x128xf32, #tpu.memory_space<vmem>>, %arg3: memref<512x128xf32, #tpu.memory_space<vmem>>) attributes {dimension_semantics = [#tpu.dimension_semantics<arbitrary>], iteration_bounds = array<i64: 20>, scalar_prefetch = 0 : i64, scratch_operands = 0 : i64, tpu.core_type = #tpu.core_type<tc>, window_params = [{transform_indices = @transform_0, window_bounds = array<i64: 2, 512, 128>}, {pipeline_mode = #tpu.pipeline_mode<synchronous>, transform_indices = @transform_1, window_bounds = array<i64: 1, 128>}, {transform_indices = @transform_2, window_bounds = array<i64: 512, 128>}]} {
    %get3A = arith.constant 0 : index
    %get3A_0 = arith.constant 0 : index
    %get3A_1 = arith.constant 0 : index
    %get3A_2 = vector.load %arg1[%get3A, %get3A_0, %get3A_1] : memref<2x512x128xf32, #tpu.memory_space<vmem>>, vector<1x512x128xf32>
    %get3A_3 = vector.shape_cast %get3A_2 : vector<1x512x128xf32> to vector<512x128xf32>
    %get3A_4 = arith.constant 1 : index
    %get3A_5 = arith.constant 0 : index
    %get3A_6 = arith.constant 0 : index
    %get3A_7 = vector.load %arg1[%get3A_4, %get3A_5, %get3A_6] : memref<2x512x128xf32, #tpu.memory_space<vmem>>, vector<1x512x128xf32>
    %get3A_8 = vector.shape_cast %get3A_7 : vector<1x512x128xf32> to vector<512x128xf32>
    %add3A = arith.addf %get3A_3, %get3A_8 : vector<512x128xf32>
    %get3A_9 = arith.constant 0 : index
    %get3A_10 = arith.constant 0 : index
    %get3A_11 = vector.load %arg2[%get3A_9, %get3A_10] : memref<1x128xf32, #tpu.memory_space<vmem>>, vector<1x128xf32>
    %add3A_12 = vector.broadcast %get3A_11 : vector<1x128xf32> to vector<512x128xf32>
    %add3A_13 = arith.addf %add3A, %add3A_12 : vector<512x128xf32>
    %max3A = arith.constant 0.000000e+00 : f32
    %max3A_14 = vector.broadcast %max3A : f32 to vector<512x128xf32>
    %max3A_15 = arith.maximumf %add3A_13, %max3A_14 : vector<512x128xf32>
    %swap3A = arith.constant 0 : index
    %swap3A_16 = arith.constant 0 : index
    %swap3A_17 = vector.load %arg3[%swap3A, %swap3A_16] : memref<512x128xf32, #tpu.memory_space<vmem>>, vector<512x128xf32>
    tpu.vector_store %arg3[%swap3A, %swap3A_16], %max3A_15 {strides = array<i32>} : memref<512x128xf32, #tpu.memory_space<vmem>>, vector<512x128xf32>,
    return
  }
  func.func @transform_0(%arg0: i32) -> (i32, i32, i32) {
    %c0_i32 = arith.constant 0 : i32
    %c0_i32_0 = arith.constant 0 : i32
    %c0_i32_1 = arith.constant 0 : i32
    return %c0_i32, %arg0, %c0_i32_0 : i32, i32, i32
  }
  func.func @transform_1(%arg0: i32) -> (i32, i32) {
    %c0_i32 = arith.constant 0 : i32
    %c0_i32_0 = arith.constant 0 : i32
    %c0_i32_1 = arith.constant 0 : i32
    return %c0_i32, %c0_i32_0 : i32, i32
  }
  func.func @transform_2(%arg0: i32) -> (i32, i32) {
    %c0_i32 = arith.constant 0 : i32
    %c0_i32_0 = arith.constant 0 : i32
    return %arg0, %c0_i32 : i32, i32
  }
}

</mosaic_0001>

<sc_bundles>
// kernel: kernel.12.cloned.1.call-start
scs
__scs_entry_jumppad:
0x0: {  	(pc) =	sbr.rel $0x88, $3  }
0x1: {  	(tag) =	ssettag $0x0;
	lr =	simm.s32 $0x1  }
0x2: {  	[smem:$0x3F99] =	sst lr;
	_ =	strace $0xD0000000  }
0x3: {  	_ = 	snop  }
0x4: {  	_ = 	snop  }
0x5: {  	_ = 	snop  }
0x6: {  	_ = 	snop  }
0x7: {  	_ = 	snop  }
__scs_overlays_trampoline_lowered:
0x8: {  	[smem:$0x3FA8] =	sst s0  }
0x9: {  	[smem:$0x3FA9] =	sst s1  }
0xa: {  	[smem:$0x3FAA] =	sst s2  }
0xb: {  	[smem:$0x3FAB] =	sst s3  }
0xc: {  	[smem:$0x3FAC] =	sst s4  }
0xd: {  	[smem:$0x3FAD] =	sst s5  }
0xe: {  	[smem:$0x3FAE] =	sst s6  }
0xf: {  	[smem:$0x3FAF] =	sst s7  }
0x10: {  	[smem:$0x3FB0] =	sst s8  }
0x11: {  	[smem:$0x3FB1] =	sst s9;
	s0 =	simm.s32 @!p0 $0x0  }
0x12: {  	s1 =	sld [smem:$0x3F97];
	s0 =	simm.s32 @p0 $0x1  }
0x13: {  	[smem:$0x3FB2] =	sst s0;
	s0 =	simm.s32 @!p1 $0x0  }
0x14: {  	s2 =	sld [smem:$0x3F96];
	s0 =	simm.s32 @p1 $0x1  }
0x15: {  	[smem:$0x3FB3] =	sst s0;
	s0 =	simm.s32 @!p2 $0x0  }
0x16: {  	s3 =	sld [smem:$0x3FDB];
	s0 =	simm.s32 @p2 $0x1  }
0x17: {  	s4 =	simm.s32 $0x1BF5;
	[smem:$0x3FB5] =	sst s0  }
0x18: {  	s0 =	sld [smem:$0x3F98];
	_ =	swait.ge [sflag:s4], $0x0  }
0x19: {  	s7 =	sld [smem:$0x3F99]  }
0x1a: {  	s8 =	sadd.s32 $0xFFFFE003, lr  }
0x1b: {  	s9 =	sadd.s32 $0xFFFFFEF7, lr;
	s5 =	simm.s32 $0xFFFFFFFF;
	p2 =	slt.u32 s8, $0xFFFFF086  }
0x1c: {  	p1 =	slt.u32 s9, $0xF7A;
	s5 =	simm.s32 @!p2 $0x0  }
0x1d: {  	s5 =	simm.s32 @p1 $0x1;
	p0 =	seq.s32 s7, s2  }
0x1e: {  	s7 =	smul.u32 @!p0 $0xF7A, s2;
	p2 =	seq.s32 @!p0 s5, $0x0  }
0x1f: {  	s9 =	smul.u32 $0xF7A, s1;
	s8 =	simm.s32 @!p0 $0x1BF5;
	p2 =	por !p2, p0  }
0x20: {  	[sflag:s8] =	ssyncset.s32 @!p0 $0xFFFFF086;
	s6 =	sadd.s32 @!p0 s3, s7;
	s7 =	simm.s32 @!p0 $0x108  }
0x21: {  	s3 =	sadd.s32 s3, s9;
	s6 =	sadd.s32 @!p0 $0x88, s6;
	s7 =	simm.s32 @p2 $0x1082  }
0x22: {  	[simem:s7], [sflag:s8] =	dma.local @!p0 [hbm:s6], $0xF7A  }
0x23: {  	s9 =	sor.u32 $0xD0000000, s2;
	s6 =	simm.s32 $0x108;
	_ =	swait.ge @!p0 [sflag:s8], $0x0  }
0x24: {  	s3 =	sadd.s32 $0x88, s3;
	s6 =	simm.s32 @!p1 $0x1082;
	[sflag:s4] =	ssyncset.s32 $0xFFFFF086  }
0x25: {  	[simem:s6], [sflag:s4] =	dma.local [hbm:s3], $0xF7A  }
0x26: {  	[smem:$0x3F99] =	sst s1;
	(tag) =	ssettag s2;
	_ =	strace s9  }
0x27: {  	s1 =	sld [smem:$0x3FA9]  }
0x28: {  	s2 =	sld [smem:$0x3FAA]  }
0x29: {  	s4 =	sld [smem:$0x3FAC]  }
0x2a: {  	p0 =	seq.s32 s5, $0x0;
	s5 =	sld [smem:$0x3FAD]  }
0x2b: {  	s6 =	sld [smem:$0x3FAE]  }
0x2c: {  	s7 =	sld [smem:$0x3FAF]  }
0x2d: {  	s3 =	simm.s32 $0x108;
	s8 =	sld [smem:$0x3FB0]  }
0x2e: {  	s3 =	simm.s32 @!p0 $0x1082;
	s9 =	sld [smem:$0x3FB1]  }
0x2f: {  	lr =	sadd.s32 s0, s3;
	s0 =	sld [smem:$0x3FA8]  }
0x30: {  	s3 =	sld [smem:$0x3FAB]  }
0x31: {  	[smem:$0x3FB4] =	sst s10  }
0x32: {  	s10 =	sld [smem:$0x3FB2];
	_ =	sdelay $0x3  }
0x33: {  	p0 =	seq.s32 s10, $0x1;
	s10 =	sld [smem:$0x3FB4];
	_ =	sdelay $0x3  }
0x34: {  	[smem:$0x3FB4] =	sst s10  }
0x35: {  	s10 =	sld [smem:$0x3FB3];
	_ =	sdelay $0x3  }
0x36: {  	p1 =	seq.s32 s10, $0x1;
	s10 =	sld [smem:$0x3FB4];
	_ =	sdelay $0x3  }
0x37: {  	[smem:$0x3FB4] =	sst s10  }
0x38: {  	s10 =	sld [smem:$0x3FB5]  }
0x39: {  	_ = 	snop;
	(pc) =	sbr.ind lr, $3  }
0x3a: {  	_ = 	snop  }
0x3b: {  	_ = 	snop  }
0x3c: {  	p2 =	seq.s32 s10, $0x1;
	s10 =	sld [smem:$0x3FB4]  }
0x3d: {  	_ =	shalt  }
0x3e: {  	_ =	shalt  }
0x3f: {  	_ =	shalt  }
0x40: {  	_ =	shalt  }
0x41: {  	_ =	shalt  }
0x42: {  	_ =	shalt  }
0x43: {  	_ =	shalt  }
0x44: {  	_ =	shalt  }
0x45: {  	_ =	shalt  }
0x46: {  	_ =	shalt  }
0x47: {  	_ =	shalt  }
0x48: {  	_ =	shalt  }
0x49: {  	_ =	shalt  }
0x4a: {  	_ =	shalt  }
0x4b: {  	_ =	shalt  }
0x4c: {  	_ =	shalt  }
0x4d: {  	_ =	shalt  }
0x4e: {  	_ =	shalt  }
0x4f: {  	_ =	shalt  }
0x50: {  	_ =	shalt  }
0x51: {  	_ =	shalt  }
0x52: {  	_ =	shalt  }
0x53: {  	_ =	shalt  }
0x54: {  	_ =	shalt  }
0x55: {  	_ =	shalt  }
0x56: {  	_ =	shalt  }
0x57: {  	_ =	shalt  }
0x58: {  	_ =	shalt  }
0x59: {  	_ =	shalt  }
0x5a: {  	_ =	shalt  }
0x5b: {  	_ =	shalt  }
0x5c: {  	_ =	shalt  }
0x5d: {  	_ =	shalt  }
0x5e: {  	_ =	shalt  }
0x5f: {  	_ =	shalt  }
0x60: {  	_ =	shalt  }
0x61: {  	_ =	shalt  }
0x62: {  	_ =	shalt  }
0x63: {  	_ =	shalt  }
0x64: {  	_ =	shalt  }
0x65: {  	_ =	shalt  }
0x66: {  	_ =	shalt  }
0x67: {  	_ =	shalt  }
0x68: {  	_ =	shalt  }
0x69: {  	_ =	shalt  }
0x6a: {  	_ =	shalt  }
0x6b: {  	_ =	shalt  }
0x6c: {  	_ =	shalt  }
0x6d: {  	_ =	shalt  }
0x6e: {  	_ =	shalt  }
0x6f: {  	_ =	shalt  }
0x70: {  	_ =	shalt  }
0x71: {  	_ =	shalt  }
0x72: {  	_ =	shalt  }
0x73: {  	_ =	shalt  }
0x74: {  	_ =	shalt  }
0x75: {  	_ =	shalt  }
0x76: {  	_ =	shalt  }
0x77: {  	_ =	shalt  }
0x78: {  	_ =	shalt  }
0x79: {  	_ =	shalt  }
0x7a: {  	_ =	shalt  }
0x7b: {  	_ =	shalt  }
0x7c: {  	_ =	shalt  }
0x7d: {  	_ =	shalt  }
0x7e: {  	_ =	shalt  }
0x7f: {  	_ =	shalt  }
0x80: {  	_ =	shalt  }
0x81: {  	_ =	shalt  }
0x82: {  	_ =	shalt  }
0x83: {  	_ =	shalt  }
0x84: {  	_ =	shalt  }
0x85: {  	_ =	shalt  }
0x86: {  	_ =	shalt  }
0x87: {  	_ =	shalt  }
.Lfunc_end0:
.L_simem_size_0:
called_computation.1_lowered:
.L_overlay_start_0:
0x88: {  	s2 =	sld [smem:$0x3FD9]  }
0x89: {  	s3 =	sld [smem:$0x3FFE];
	_ =	sdelay $0x1  }
0x8a: {  	s1 =	srdreg.scid  }
0x8b: {  	s0 =	sand.u32 $0x1, s1  }
0x8c: {  	s17 =	sshll.u32 s0, $0xA;
	s2 =	sadd.s32 s3, s2  }
0x8d: {  	s2 =	sadd.s32 s2, s17  }
0x8e: {  	[smem:$0x3FC0] =	sst s2  }
0x8f: {  	_ = 	snop  }
0x90: {  	s2 =	sld [smem:$0x3FD0];
	(tm) =	ssettm $0x1  }
0x91: {  	s18 =	sld [smem:$0x3FFB];
	_ =	sdelay $0x3  }
0x92: {  	_ =	strace s18  }
0x93: {  	s3 =	sld [smem:$0x3FFC];
	_ =	sdelay $0x3  }
0x94: {  	_ =	strace s3  }
0x95: {  	s3 =	sld [smem:$0x3FFD];
	_ =	sdelay $0x3  }
0x96: {  	_ =	strace s3  }
0x97: {  	_ =	strace $0x8FFFFFFF  }
0x98: {  	s19 =	sld [smem:$0x3FDB];
	_ =	sdelay $0x1  }
0x99: {  	s4 =	simm.s32 $_scs_section_size  }
0x9a: {  	s5 =	simm.s32 $_size__tile_overlayer_lowered;
	s6 =	simm.s32 $_tile_overlayer_lowered  }
0x9b: {  	s22 =	simm.s32 $0x1BFF;
	s21 =	sshll.u32 s6, $0x1;
	s3 =	sadd.s32 s4, s19  }
0x9c: {  	s7 =	simm.s32 $0x0;
	s20 =	sshll.u32 s5, $0x1;
	s5 =	sadd.s32 s21, s3  }
0x9d: {  	[timem:s7], [sflag:s22] =	dma.local [hbm:s5], s20  }
0x9e: {  	_ =	swait.ge [sflag:s22], s20  }
0x9f: {  	s4 =	ssub.s32 $0x0, s20;
	[sflag:s22] =	ssyncset.done $0x0  }
0xa0: {  	[sflag:s22] =	ssyncadd.s32 s4;
	_ =	sdelay $0x1  }
0xa1: {  	s23 =	simm.s32 $0x1B8B  }
0xa2: {  	_ =	swait.ge [sflag:s23], $0x1  }
0xa3: {  	[sflag:s23] =	ssyncset.done $0x0  }
0xa4: {  	s25 =	simm.s32 $0x1B8E;
	s24 =	sld [smem:$0x3FFE];
	[sflag:s23] =	ssyncadd.s32 $0xFFFFFFFF  }
0xa5: {  	s26 =	simm.s32 $execute0_lowered;
	[smem:$0x3FD2] =	sst s25  }
0xa6: {  	s5 =	sshll.u32 s26, $0x1;
	_ =	strace $0x80000049;
	[dreg:$0x1] =	wrdreg $0xFFFFFFFF  }
0xa7: {  	s28 =	simm.s32 $_size_execute0_lowered;
	s3 =	sadd.s32 s3, s5;
	[dreg:$0x0] =	wrdreg $0x0  }
0xa8: {  	s5 =	sshll.u32 s28, $0x1;
	[dreg:$0x2] =	wrdreg s3  }
0xa9: {  	[dreg:$0x3] =	wrdreg s5  }
0xaa: {  	[dreg:$0x4] =	wrdreg $0xC0  }
0xab: {  	_ =	task [dreg:s7], $0x5FFFF  }
0xac: {  	[dreg:$0x1] =	wrdreg $0xFFFFFFFF  }
0xad: {  	[dreg:$0x0] =	wrdreg $0x60  }
0xae: {  	[dreg:$0x2] =	wrdreg s24  }
0xaf: {  	[dreg:$0x3] =	wrdreg s2  }
0xb0: {  	[dreg:$0x4] =	wrdreg $0xB4000  }
0xb1: {  	[dreg:$0x5] =	wrdreg $0x9  }
0xb2: {  	_ =	task.clear_ibuf [dreg:s7], $0x6FFFF;
	_ =	strace $0x90000049  }
0xb3: {  	s29 =	simm.s32 $0x9;
	_ =	strace $0x8000004B  }
0xb4: {  	_ =	swait.ge [sflag:s29], $0x1  }
0xb5: {  	[sflag:s29] =	ssyncadd.s32 $0xFFFFFFFF  }
0xb6: {  	_ =	strace $0x9000004B  }
0xb7: {  	_ =	sfence  }
0xb8: {  	s30 =	sld [smem:$0x0];
	_ =	sdelay $0x2  }
0xb9: {  	s31 =	sshll.u32 s1, $0xD;
	s1 =	sshrl.u32 s1, $0x2  }
0xba: {  	s3 =	sand.u32 $0x4000, s31;
	s1 =	sadd.s32 s1, s30  }
0xbb: {  	s0 =	sor.u32 s3, s0;
	s1 =	sshll.u32 s1, $0x11  }
0xbc: {  	s0 =	sor.u32 s1, s0  }
0xbd: {  	s0 =	sadd.s32 $0x8F2B, s0  }
0xbe: {  	[sflag:s0] =	ssyncadd.remote.s32 $0x1  }
0xbf: {  	_ =	sfence.sel $0xFFFF  }
0xc0: {  	[dreg:$0x0] =	wrdreg $0xFFFFFFFF;
	(pc) =	sbr.abs _section_cstart, $3  }
0xc1: {  	[dreg:$0x1] =	wrdreg $0xFFFFFFFF  }
0xc2: {  	_ =	task.clear_ibuf [dreg:s7], $0x2FFFF;
	_ =	strace $0x9FFFFFFF  }
0xc3: {  	(tm) =	ssettm $0x7FFFFFFF  }
tec
execute0_lowered:
.L_overlay_start_1:
0x0: {  	(tag) =	ssettag $0x1  }
0x1: {  	s0 =	rddreg [dreg:$0x0]  }
0x2: {  	s2 =	rddreg [dreg:$0x1]  }
0x3: {  	s1 =	srdreg.scid;
	s11 =	stileid.u32  }
0x4: {  	s3 =	rddreg [dreg:$0x2];
	s8 =	smul.u32 $0x14000, s11  }
0x5: {  	s4 =	simm.s32 $0x0;
	s1 =	sand.u32 $0x1, s1;
	s10 =	smul.u32 $0x2800, s11  }
0x6: {  	[smem:$0x7FF] =	sst s4;
	s5 =	sadd.s32 $0xBE00, s0;
	s11 =	smul.u32 $0x50000, s11  }
0x7: {  	s6 =	sadd.s32 $0x1E00, s0;
	s12 =	sadd.s32 $0x33E00, s0;
	s7 =	smul.u32 $0x140000, s1  }
0x8: {  	s9 =	smul.u32 $0x28000, s1;
	_ =	strace $0x8000004A;
	s1 =	ssub.s32 $0x2, s1  }
0x9: {  	[dreg:$0x4] =	wrdreg s12;
	s12 =	simm.s32 $0x4;
	s13 =	sshrl.u32 s1, $0x1  }
0xa: {  	s17 =	sshrl.u32 s11, $0x2;
	s11 =	simm.s32 $0x6000;
	s7 =	sadd.s32 s8, s7  }
0xb: {  	s8 =	sadd.s32 s10, s9;
	s1 =	ssub.s32 s1, s13;
	s13 =	sadd.s32 s17, s3  }
0xc: {  	s9 =	simm.s32 $0x80;
	s7 =	sshrl.u32 s7, $0x3;
	s18 =	smax.u32 s1, $0x1  }
0xd: {  	s10 =	sshrl.u32 s8, $0x3;
	s19 =	sadd.s32 $0x1400, s13;
	[dreg:$0xa] =	wrdreg s18  }
0xe: {  	s20 =	sadd.s32 $0x2800, s13;
	s21 =	sadd.s32 $0x3C00, s13;
	[dreg:$0xb] =	wrdreg s19  }
0xf: {  	s22 =	sadd.s32 $0x5000, s13;
	s23 =	sadd.s32 $0x6400, s13;
	[dreg:$0xc] =	wrdreg s20  }
0x10: {  	s24 =	sadd.s32 $0x7800, s13;
	s25 =	sadd.s32 $0x8C00, s13;
	[dreg:$0xd] =	wrdreg s21  }
0x11: {  	s26 =	sadd.s32 $0xA000, s13;
	s28 =	sadd.s32 $0xF000, s13;
	[dreg:$0xe] =	wrdreg s22  }
0x12: {  	s29 =	sadd.s32 $0x10400, s13;
	s30 =	sadd.s32 $0x11800, s13;
	[dreg:$0xf] =	wrdreg s23  }
0x13: {  	s31 =	sadd.s32 $0x12C00, s13;
	s1 =	simm.s32 $0xA000;
	[dreg:$0x10] =	wrdreg s24  }
0x14: {  	s0 =	sadd.s32 s7, s0;
	s14 =	sadd.s32 s2, s10;
	[dreg:$0x11] =	wrdreg s25  }
0x15: {  	s15 =	sadd.s32 s6, s10;
	s16 =	sadd.s32 $0x100, s10;
	[dreg:$0x12] =	wrdreg s26  }
0x16: {  	s24 =	sadd.s32 $0xB400, s13;
	s25 =	sadd.s32 $0xC800, s13;
	[dreg:$0x5] =	wrdreg s14  }
.Ltmp0:
0x17: {  	[dreg:$0x6] =	wrdreg s15;
	s10 =	sadd.s32 s2, s16;
	(pc) =	sbr.rel .LBB2_1-.Ltmp0, $4  }
0x18: {  	s26 =	sadd.s32 $0xDC00, s13;
	s7 =	sadd.s32 s6, s16;
	[dreg:$0x7] =	wrdreg s10  }
0x19: {  	s0 =	sadd.s32 $0x34200, s0;
	s14 =	simm.s32 $0x1;
	[dreg:$0x8] =	wrdreg s7  }
0x1a: {  	s15 =	simm.s32 $0x2;
	s16 =	simm.s32 $0x0;
	[dreg:$0x9] =	wrdreg s0  }
0x1b: {  	s0 =	simm.s32 $0x5;
	s7 =	simm.s32 $0x3;
	s10 =	simm.s32 $0x2000  }
.LBB2_4:
0x1c: {  	_ =	swait.ge [sflag:s15], $0x4000  }
0x1d: {  	[sflag:s15] =	ssyncset.done $0x0  }
0x1e: {  	[sflag:s15] =	ssyncadd.s32 $0xFFFFC000  }
0x1f: {  	[spmem:s3] =	stream.indirect.scatter.add.f32 [tilespmem:s11], [sflag:$0x5], $0x80, s20, s9, $0xb8;
	[tilespmem:$0x1F400] =	vst v63  }
0x20: {  	_ =	swait.ge [sflag:s0], $0x4000  }
0x21: {  	[sflag:s0] =	ssyncset.done $0x0  }
0x22: {  	s17 =	stileid.u32;
	[sflag:s0] =	ssyncadd.s32 $0xFFFFC000  }
0x23: {  	s17 =	sshll.u32 s17, $0x6;
	[bflag:$0x0] =	sbarrier.arrive $0xFFFF  }
0x24: {  	s18 =	sshrl.u32 s13, $0x3;
	s17 =	sor.u32 $0x1C05, s17;
	s19 =	rddreg [dreg:$0x9]  }
0x25: {  	[hbm:s19], [sflag:s17] =	dma.local [spmem:s18], $0x2800  }
0x26: {  	_ =	swait.ge [sflag:s0], $0x2800  }
0x27: {  	s16 =	sadd.s32 $0x1, s16;
	s23 =	rddreg [dreg:$0xa]  }
0x28: {  	p0 =	sne.s32 s16, s23  }
.Ltmp1:
0x29: {  	_ = 	snop;
	(pc) =	sbr.rel @!p0 .LBB2_5-.Ltmp1, $3  }
0x2a: {  	_ =	sdelay $0x1  }
0x2b: {  	[sflag:s0] =	ssyncset.done $0x0  }
0x2c: {  	[sflag:s0] =	ssyncadd.s32 $0xFFFFD800  }
.LBB2_1:
0x2d: {  	s17 =	rddreg [dreg:$0x5]  }
0x2e: {  	[tilespmem:s4], [sflag:$0x3] =	stream.linear.gather [hbm4b:s17+s4], $0x800, $0x38;
	[tilespmem:$0x1F400] =	vst v63  }
0x2f: {  	s21 =	rddreg [dreg:$0x6];
	s18 =	simm.s32 $0x1000  }
0x30: {  	[tilespmem:s18], [sflag:$0x3] =	stream.linear.gather [hbm4b:s21+s4], $0x800, $0x38;
	[tilespmem:$0x1F400] =	vst v63  }
0x31: {  	s22 =	rddreg [dreg:$0x7];
	s23 =	simm.s32 $0x800  }
0x32: {  	[tilespmem:s23], [sflag:$0x3] =	stream.linear.gather [hbm4b:s22+s4], $0x800, $0x38;
	[tilespmem:$0x1F400] =	vst v63  }
0x33: {  	s19 =	rddreg [dreg:$0x8];
	s20 =	simm.s32 $0x1800  }
0x34: {  	[tilespmem:s20], [sflag:$0x3] =	stream.linear.gather [hbm4b:s19+s4], $0x800, $0x38;
	[tilespmem:$0x1F400] =	vst v63  }
0x35: {  	s21 =	rddreg [dreg:$0x4]  }
0x36: {  	[tilespmem:s1], [sflag:$0x5] =	stream.linear.gather [hbm4b:s21+s4], $0x1400, $0x38;
	[tilespmem:$0x1F400] =	vst v63  }
0x37: {  	_ =	swait.ge [sflag:s0], $0x1400  }
0x38: {  	[sflag:s0] =	ssyncset.done $0x0  }
0x39: {  	[sflag:s0] =	ssyncadd.s32 $0xFFFFEC00  }
0x3a: {  	[spmem:s13] =	stream.linear.scatter [tilespmem:s1], [sflag:$0x4], $0x1400, $0x38;
	[tilespmem:$0x1F400] =	vst v63  }
0x3b: {  	s22 =	rddreg [dreg:$0xb]  }
0x3c: {  	[spmem:s22] =	stream.linear.scatter [tilespmem:s1], [sflag:$0x4], $0x1400, $0x38;
	[tilespmem:$0x1F400] =	vst v63  }
0x3d: {  	s23 =	rddreg [dreg:$0xc]  }
0x3e: {  	[spmem:s23] =	stream.linear.scatter [tilespmem:s1], [sflag:$0x4], $0x1400, $0x38;
	[tilespmem:$0x1F400] =	vst v63  }
0x3f: {  	s18 =	rddreg [dreg:$0xd]  }
0x40: {  	[spmem:s18] =	stream.linear.scatter [tilespmem:s1], [sflag:$0x4], $0x1400, $0x38;
	[tilespmem:$0x1F400] =	vst v63  }
0x41: {  	s19 =	rddreg [dreg:$0xe]  }
0x42: {  	[spmem:s19] =	stream.linear.scatter [tilespmem:s1], [sflag:$0x4], $0x1400, $0x38;
	[tilespmem:$0x1F400] =	vst v63  }
0x43: {  	s20 =	rddreg [dreg:$0xf]  }
0x44: {  	[spmem:s20] =	stream.linear.scatter [tilespmem:s1], [sflag:$0x4], $0x1400, $0x38;
	[tilespmem:$0x1F400] =	vst v63  }
0x45: {  	s21 =	rddreg [dreg:$0x10]  }
0x46: {  	[spmem:s21] =	stream.linear.scatter [tilespmem:s1], [sflag:$0x4], $0x1400, $0x38;
	[tilespmem:$0x1F400] =	vst v63  }
0x47: {  	s22 =	rddreg [dreg:$0x11]  }
0x48: {  	[spmem:s22] =	stream.linear.scatter [tilespmem:s1], [sflag:$0x4], $0x1400, $0x38;
	[tilespmem:$0x1F400] =	vst v63  }
0x49: {  	s23 =	rddreg [dreg:$0x12]  }
0x4a: {  	[spmem:s23] =	stream.linear.scatter [tilespmem:s1], [sflag:$0x4], $0x1400, $0x38;
	[tilespmem:$0x1F400] =	vst v63  }
0x4b: {  	_ = 	snop  }
0x4c: {  	[spmem:s24] =	stream.linear.scatter [tilespmem:s1], [sflag:$0x4], $0x1400, $0x38;
	[tilespmem:$0x1F400] =	vst v63  }
0x4d: {  	_ = 	snop  }
0x4e: {  	[spmem:s25] =	stream.linear.scatter [tilespmem:s1], [sflag:$0x4], $0x1400, $0x38;
	[tilespmem:$0x1F400] =	vst v63  }
0x4f: {  	_ = 	snop  }
0x50: {  	[spmem:s26] =	stream.linear.scatter [tilespmem:s1], [sflag:$0x4], $0x1400, $0x38;
	[tilespmem:$0x1F400] =	vst v63  }
0x51: {  	_ = 	snop  }
0x52: {  	[spmem:s28] =	stream.linear.scatter [tilespmem:s1], [sflag:$0x4], $0x1400, $0x38;
	[tilespmem:$0x1F400] =	vst v63  }
0x53: {  	_ = 	snop  }
0x54: {  	[spmem:s29] =	stream.linear.scatter [tilespmem:s1], [sflag:$0x4], $0x1400, $0x38;
	[tilespmem:$0x1F400] =	vst v63  }
0x55: {  	_ = 	snop  }
0x56: {  	[spmem:s30] =	stream.linear.scatter [tilespmem:s1], [sflag:$0x4], $0x1400, $0x38;
	[tilespmem:$0x1F400] =	vst v63  }
0x57: {  	_ = 	snop  }
0x58: {  	[spmem:s31] =	stream.linear.scatter [tilespmem:s1], [sflag:$0x4], $0x1400, $0x38;
	[tilespmem:$0x1F400] =	vst v63  }
0x59: {  	_ =	swait.ge [sflag:s7], $0x800  }
0x5a: {  	[sflag:s7] =	ssyncset.done $0x0  }
0x5b: {  	[sflag:s7] =	ssyncadd.s32 $0xFFFFF800  }
0x5c: {  	_ =	swait.ge [sflag:s7], $0x800  }
0x5d: {  	[sflag:s7] =	ssyncset.done $0x0  }
0x5e: {  	[sflag:s7] =	ssyncadd.s32 $0xFFFFF800  }
0x5f: {  	_ =	swait.ge [sflag:s7], $0x800  }
0x60: {  	[sflag:s7] =	ssyncset.done $0x0  }
0x61: {  	[sflag:s7] =	ssyncadd.s32 $0xFFFFF800  }
0x62: {  	_ =	swait.ge [sflag:s7], $0x800  }
0x63: {  	[sflag:s7] =	ssyncset.done $0x0  }
0x64: {  	[sflag:s7] =	ssyncadd.s32 $0xFFFFF800  }
0x65: {  	[tilespmem:s10], [sflag:$0x1] =	stream.indirect.gather [hbm4b:s5+s9], $0x80, s4, s9, $0xb8;
	[tilespmem:$0x1F400] =	vst v63  }
0x66: {  	_ = 	snop  }
0x67: {  	[tilespmem:s11], [sflag:$0x2] =	stream.indirect.gather [hbm4b:s5+s9], $0x80, s9, s9, $0xb8;
	[tilespmem:$0x1F400] =	vst v63  }
0x68: {  	_ =	swait.ge [sflag:s12], $0x1400  }
0x69: {  	[sflag:s12] =	ssyncset.done $0x0  }
0x6a: {  	[sflag:s12] =	ssyncadd.s32 $0xFFFFEC00  }
0x6b: {  	_ =	swait.ge [sflag:s12], $0x1400  }
0x6c: {  	[sflag:s12] =	ssyncset.done $0x0  }
0x6d: {  	[sflag:s12] =	ssyncadd.s32 $0xFFFFEC00  }
0x6e: {  	_ =	swait.ge [sflag:s12], $0x1400  }
0x6f: {  	[sflag:s12] =	ssyncset.done $0x0  }
0x70: {  	[sflag:s12] =	ssyncadd.s32 $0xFFFFEC00  }
0x71: {  	_ =	swait.ge [sflag:s12], $0x1400  }
0x72: {  	[sflag:s12] =	ssyncset.done $0x0  }
0x73: {  	[sflag:s12] =	ssyncadd.s32 $0xFFFFEC00  }
0x74: {  	_ =	swait.ge [sflag:s12], $0x1400  }
0x75: {  	[sflag:s12] =	ssyncset.done $0x0  }
0x76: {  	[sflag:s12] =	ssyncadd.s32 $0xFFFFEC00  }
0x77: {  	_ =	swait.ge [sflag:s12], $0x1400  }
0x78: {  	[sflag:s12] =	ssyncset.done $0x0  }
0x79: {  	[sflag:s12] =	ssyncadd.s32 $0xFFFFEC00  }
0x7a: {  	_ =	swait.ge [sflag:s12], $0x1400  }
0x7b: {  	[sflag:s12] =	ssyncset.done $0x0  }
0x7c: {  	[sflag:s12] =	ssyncadd.s32 $0xFFFFEC00  }
0x7d: {  	_ =	swait.ge [sflag:s12], $0x1400  }
0x7e: {  	[sflag:s12] =	ssyncset.done $0x0  }
0x7f: {  	[sflag:s12] =	ssyncadd.s32 $0xFFFFEC00  }
0x80: {  	_ =	swait.ge [sflag:s12], $0x1400  }
0x81: {  	[sflag:s12] =	ssyncset.done $0x0  }
0x82: {  	[sflag:s12] =	ssyncadd.s32 $0xFFFFEC00  }
0x83: {  	_ =	swait.ge [sflag:s12], $0x1400  }
0x84: {  	[sflag:s12] =	ssyncset.done $0x0  }
0x85: {  	[sflag:s12] =	ssyncadd.s32 $0xFFFFEC00  }
0x86: {  	_ =	swait.ge [sflag:s12], $0x1400  }
0x87: {  	[sflag:s12] =	ssyncset.done $0x0  }
0x88: {  	[sflag:s12] =	ssyncadd.s32 $0xFFFFEC00  }
0x89: {  	_ =	swait.ge [sflag:s12], $0x1400  }
0x8a: {  	[sflag:s12] =	ssyncset.done $0x0  }
0x8b: {  	[sflag:s12] =	ssyncadd.s32 $0xFFFFEC00  }
0x8c: {  	_ =	swait.ge [sflag:s12], $0x1400  }
0x8d: {  	[sflag:s12] =	ssyncset.done $0x0  }
0x8e: {  	[sflag:s12] =	ssyncadd.s32 $0xFFFFEC00  }
0x8f: {  	_ =	swait.ge [sflag:s12], $0x1400  }
0x90: {  	[sflag:s12] =	ssyncset.done $0x0  }
0x91: {  	[sflag:s12] =	ssyncadd.s32 $0xFFFFEC00  }
0x92: {  	_ =	swait.ge [sflag:s12], $0x1400  }
0x93: {  	[sflag:s12] =	ssyncset.done $0x0  }
0x94: {  	[sflag:s12] =	ssyncadd.s32 $0xFFFFEC00  }
0x95: {  	_ =	swait.ge [sflag:s12], $0x1400  }
0x96: {  	[sflag:s12] =	ssyncset.done $0x0  }
0x97: {  	[sflag:s12] =	ssyncadd.s32 $0xFFFFEC00  }
0x98: {  	s17 =	simm.s32 $0x0;
	s18 =	simm.s32 $0x0;
	[bflag:$0x0] =	sbarrier.arrive $0xFFFF  }
.LBB2_2:
0x99: {  	s21 =	sand.u32 $0xE, s18  }
0x9a: {  	s20 =	smov.u32 s18;
	s18 =	sadd.s32 $0xFFFFFFFF, s18;
	p0 =	sne.s32 s21, $0x0  }
0x9b: {  	p1 =	sgt.u32 @!p0 s18, $0x3E  }
0x9c: {  	p0 =	por p1, p0  }
0x9d: {  	s18 =	sand.u32 @!p0 $0x3800, s17  }
0x9e: {  	s18 =	sadd.s32 @!p0 $0x800, s18  }
0x9f: {  	s19 =	sadd.s32 @!p0 s8, s18  }
0xa0: {  	s19 =	sshrl.u32 @!p0 s19, $0x3  }
0xa1: {  	s23 =	simm.s32 @!p0 $0x0;
	s18 =	sand.u32 @!p0 $0x800, s18;
	s22 =	sadd.s32 @!p0 s2, s19  }
0xa2: {  	[tilespmem:s18], [sflag:$0x3] =	stream.linear.gather @!p0 [hbm4b:s22+s23], $0x800, $0x38;
	[tilespmem:$0x1F400] =	vst v63  }
0xa3: {  	s19 =	sadd.s32 @!p0 s6, s19;
	s18 =	sor.u32 @!p0 $0x1000, s18  }
0xa4: {  	[tilespmem:s18], [sflag:$0x3] =	stream.linear.gather @!p0 [hbm4b:s19+s23], $0x800, $0x38;
	[tilespmem:$0x1F400] =	vst v63  }
0xa5: {  	s18 =	sadd.s32 $0x2, s20;
	s23 =	sadd.s32 $0xFFFFFFE2, s20  }
0xa6: {  	s19 =	sand.u32 $0xE, s18;
	p0 =	sgt.u32 s23, $0x2F  }
0xa7: {  	p1 =	sne.s32 @!p0 s19, $0x0  }
0xa8: {  	p0 =	por p1, p0  }
0xa9: {  	s22 =	simm.s32 @!p0 $0x3  }
0xaa: {  	_ =	swait.ge @!p0 [sflag:s22], $0x800  }
0xab: {  	[sflag:s22] =	ssyncset.done @!p0 $0x0  }
0xac: {  	[sflag:s22] =	ssyncadd.s32 @!p0 $0xFFFFF800  }
0xad: {  	_ =	swait.ge @!p0 [sflag:s22], $0x800  }
0xae: {  	[sflag:s22] =	ssyncset.done @!p0 $0x0  }
0xaf: {  	[sflag:s22] =	ssyncadd.s32 @!p0 $0xFFFFF800  }
0xb0: {  	s21 =	sshll.u32 s21, $0x7;
	s23 =	sand.u32 $0x800, s17;
	_ =	swait.ge [sflag:s14], $0x4000  }
0xb1: {  	s21 =	sor.u32 s21, s23;
	p0 =	seq.s32 s20, $0x4E;
	[sflag:s14] =	ssyncset.done $0x0  }
.Ltmp2:
0xb2: {  	s21 =	sor.u32 $0x1000, s21;
	[sflag:s14] =	ssyncadd.s32 $0xFFFFC000;
	(pc) =	sbr.rel @p0 .LBB2_4-.Ltmp2, $4  }
0xb3: {  	[spmem:s3] =	stream.indirect.scatter.add.f32 [tilespmem:s10], [sflag:$0x5], $0x80, s21, s9, $0xb8;
	[tilespmem:$0x1F400] =	vst v63  }
0xb4: {  	_ =	swait.ge [sflag:s0], $0x4000  }
0xb5: {  	[sflag:s0] =	ssyncset.done $0x0  }
0xb6: {  	s20 =	sadd.s32 $0x80, s21;
	[sflag:s0] =	ssyncadd.s32 $0xFFFFC000  }
0xb7: {  	s21 =	sadd.s32 $0x100, s17  }
0xb8: {  	s19 =	sshll.u32 s19, $0x7;
	s22 =	sand.u32 $0x800, s21  }
0xb9: {  	s19 =	sor.u32 s19, s22  }
0xba: {  	[tilespmem:s10], [sflag:$0x1] =	stream.indirect.gather [hbm4b:s5+s9], $0x80, s19, s9, $0xb8;
	[tilespmem:$0x1F400] =	vst v63  }
0xbb: {  	_ =	swait.ge [sflag:s15], $0x4000  }
0xbc: {  	[sflag:s15] =	ssyncset.done $0x0  }
0xbd: {  	[sflag:s15] =	ssyncadd.s32 $0xFFFFC000  }
0xbe: {  	[spmem:s3] =	stream.indirect.scatter.add.f32 [tilespmem:s11], [sflag:$0x5], $0x80, s20, s9, $0xb8;
	[tilespmem:$0x1F400] =	vst v63  }
.Ltmp3:
0xbf: {  	_ =	swait.ge [sflag:s0], $0x4000;
	(pc) =	sbr.rel .LBB2_2-.Ltmp3, $4  }
0xc0: {  	s23 =	sadd.s32 $0x180, s17;
	[sflag:s0] =	ssyncset.done $0x0  }
0xc1: {  	s17 =	sand.u32 $0xF80, s23;
	[sflag:s0] =	ssyncadd.s32 $0xFFFFC000  }
0xc2: {  	[tilespmem:s11], [sflag:$0x2] =	stream.indirect.gather [hbm4b:s5+s9], $0x80, s17, s9, $0xb8;
	[tilespmem:$0x1F400] =	vst v63  }
0xc3: {  	s17 =	smov.u32 s21  }
.LBB2_5:
0xc4: {  	_ =	sfence.sel $0x180000  }
0xc5: {  	[bflag:$0x0] =	sbarrier.arrive $0xFFFF  }
0xc6: {  	_ =	strace $0x9000004A  }
0xc7: {  	s0 =	stileid.u32;
	[bflag:$0x2] =	sbarrier.arrive $0xFFFF  }
0xc8: {  	p0 =	sne.s32 s0, $0x0;
	s0 =	rddreg [dreg:$0x3]  }
0xc9: {  	s0 =	sadd.s32 @!p0 $0x100000, s0  }
0xca: {  	[sflag:s0] =	ssyncadd.tile.s32 @!p0 $0x1;
	_ =	shalt  }
.Lfunc_end2:
_tile_overlayer_lowered:
.L_overlay_start_2:
0xcb: {  	(tag) =	ssettag $0x2  }
0xcc: {  	s0 =	rddreg [dreg:$0x0];
	s2 =	stileid.u32  }
0xcd: {  	s1 =	rddreg [dreg:$0x1];
	p0 =	sne.s32 s2, $0x0  }
0xce: {  	s3 =	rddreg [dreg:$0x2];
	[bflag:$0x3] =	sbarrier.arrive $0xFFFF;
	s2 =	simm.s32 @!p0 $0x1C05  }
0xcf: {  	[timem:s3], [sflag:s2] =	dma.local @!p0 [hbm:s0], s1  }
0xd0: {  	s0 =	simm.s32 @!p0 $0x5  }
0xd1: {  	_ =	swait.ge @!p0 [sflag:s0], s1  }
0xd2: {  	s1 =	ssub.s32 @!p0 $0x0, s1;
	[sflag:s0] =	ssyncset.done @!p0 $0x0  }
0xd3: {  	[sflag:s0] =	ssyncadd.s32 @!p0 s1  }
0xd4: {  	[bflag:$0x3] =	sbarrier.arrive $0xFFFF  }
0xd5: {  	_ =	shalt  }

// kernel: kernel.15.cloned.1.call-start
scs
__scs_entry_jumppad:
0x0: {  	(pc) =	sbr.rel $0x88, $3  }
0x1: {  	(tag) =	ssettag $0x0;
	lr =	simm.s32 $0x1  }
0x2: {  	[smem:$0x3F99] =	sst lr;
	_ =	strace $0xD0000000  }
0x3: {  	_ = 	snop  }
0x4: {  	_ = 	snop  }
0x5: {  	_ = 	snop  }
0x6: {  	_ = 	snop  }
0x7: {  	_ = 	snop  }
__scs_overlays_trampoline_lowered:
0x8: {  	[smem:$0x3FA8] =	sst s0  }
0x9: {  	[smem:$0x3FA9] =	sst s1  }
0xa: {  	[smem:$0x3FAA] =	sst s2  }
0xb: {  	[smem:$0x3FAB] =	sst s3  }
0xc: {  	[smem:$0x3FAC] =	sst s4  }
0xd: {  	[smem:$0x3FAD] =	sst s5  }
0xe: {  	[smem:$0x3FAE] =	sst s6  }
0xf: {  	[smem:$0x3FAF] =	sst s7  }
0x10: {  	[smem:$0x3FB0] =	sst s8  }
0x11: {  	[smem:$0x3FB1] =	sst s9;
	s0 =	simm.s32 @!p0 $0x0  }
0x12: {  	s1 =	sld [smem:$0x3F97];
	s0 =	simm.s32 @p0 $0x1  }
0x13: {  	[smem:$0x3FB2] =	sst s0;
	s0 =	simm.s32 @!p1 $0x0  }
0x14: {  	s2 =	sld [smem:$0x3F96];
	s0 =	simm.s32 @p1 $0x1  }
0x15: {  	[smem:$0x3FB3] =	sst s0;
	s0 =	simm.s32 @!p2 $0x0  }
0x16: {  	s3 =	sld [smem:$0x3FDB];
	s0 =	simm.s32 @p2 $0x1  }
0x17: {  	s4 =	simm.s32 $0x1BF5;
	[smem:$0x3FB5] =	sst s0  }
0x18: {  	s0 =	sld [smem:$0x3F98];
	_ =	swait.ge [sflag:s4], $0x0  }
0x19: {  	s7 =	sld [smem:$0x3F99]  }
0x1a: {  	s8 =	sadd.s32 $0xFFFFE003, lr  }
0x1b: {  	s9 =	sadd.s32 $0xFFFFFEF7, lr;
	s5 =	simm.s32 $0xFFFFFFFF;
	p2 =	slt.u32 s8, $0xFFFFF086  }
0x1c: {  	p1 =	slt.u32 s9, $0xF7A;
	s5 =	simm.s32 @!p2 $0x0  }
0x1d: {  	s5 =	simm.s32 @p1 $0x1;
	p0 =	seq.s32 s7, s2  }
0x1e: {  	s7 =	smul.u32 @!p0 $0xF7A, s2;
	p2 =	seq.s32 @!p0 s5, $0x0  }
0x1f: {  	s9 =	smul.u32 $0xF7A, s1;
	s8 =	simm.s32 @!p0 $0x1BF5;
	p2 =	por !p2, p0  }
0x20: {  	[sflag:s8] =	ssyncset.s32 @!p0 $0xFFFFF086;
	s6 =	sadd.s32 @!p0 s3, s7;
	s7 =	simm.s32 @!p0 $0x108  }
0x21: {  	s3 =	sadd.s32 s3, s9;
	s6 =	sadd.s32 @!p0 $0x88, s6;
	s7 =	simm.s32 @p2 $0x1082  }
0x22: {  	[simem:s7], [sflag:s8] =	dma.local @!p0 [hbm:s6], $0xF7A  }
0x23: {  	s9 =	sor.u32 $0xD0000000, s2;
	s6 =	simm.s32 $0x108;
	_ =	swait.ge @!p0 [sflag:s8], $0x0  }
0x24: {  	s3 =	sadd.s32 $0x88, s3;
	s6 =	simm.s32 @!p1 $0x1082;
	[sflag:s4] =	ssyncset.s32 $0xFFFFF086  }
0x25: {  	[simem:s6], [sflag:s4] =	dma.local [hbm:s3], $0xF7A  }
0x26: {  	[smem:$0x3F99] =	sst s1;
	(tag) =	ssettag s2;
	_ =	strace s9  }
0x27: {  	s1 =	sld [smem:$0x3FA9]  }
0x28: {  	s2 =	sld [smem:$0x3FAA]  }
0x29: {  	s4 =	sld [smem:$0x3FAC]  }
0x2a: {  	p0 =	seq.s32 s5, $0x0;
	s5 =	sld [smem:$0x3FAD]  }
0x2b: {  	s6 =	sld [smem:$0x3FAE]  }
0x2c: {  	s7 =	sld [smem:$0x3FAF]  }
0x2d: {  	s3 =	simm.s32 $0x108;
	s8 =	sld [smem:$0x3FB0]  }
0x2e: {  	s3 =	simm.s32 @!p0 $0x1082;
	s9 =	sld [smem:$0x3FB1]  }
0x2f: {  	lr =	sadd.s32 s0, s3;
	s0 =	sld [smem:$0x3FA8]  }
0x30: {  	s3 =	sld [smem:$0x3FAB]  }
0x31: {  	[smem:$0x3FB4] =	sst s10  }
0x32: {  	s10 =	sld [smem:$0x3FB2];
	_ =	sdelay $0x3  }
0x33: {  	p0 =	seq.s32 s10, $0x1;
	s10 =	sld [smem:$0x3FB4];
	_ =	sdelay $0x3  }
0x34: {  	[smem:$0x3FB4] =	sst s10  }
0x35: {  	s10 =	sld [smem:$0x3FB3];
	_ =	sdelay $0x3  }
0x36: {  	p1 =	seq.s32 s10, $0x1;
	s10 =	sld [smem:$0x3FB4];
	_ =	sdelay $0x3  }
0x37: {  	[smem:$0x3FB4] =	sst s10  }
0x38: {  	s10 =	sld [smem:$0x3FB5]  }
0x39: {  	_ = 	snop;
	(pc) =	sbr.ind lr, $3  }
0x3a: {  	_ = 	snop  }
0x3b: {  	_ = 	snop  }
0x3c: {  	p2 =	seq.s32 s10, $0x1;
	s10 =	sld [smem:$0x3FB4]  }
0x3d: {  	_ =	shalt  }
0x3e: {  	_ =	shalt  }
0x3f: {  	_ =	shalt  }
0x40: {  	_ =	shalt  }
0x41: {  	_ =	shalt  }
0x42: {  	_ =	shalt  }
0x43: {  	_ =	shalt  }
0x44: {  	_ =	shalt  }
0x45: {  	_ =	shalt  }
0x46: {  	_ =	shalt  }
0x47: {  	_ =	shalt  }
0x48: {  	_ =	shalt  }
0x49: {  	_ =	shalt  }
0x4a: {  	_ =	shalt  }
0x4b: {  	_ =	shalt  }
0x4c: {  	_ =	shalt  }
0x4d: {  	_ =	shalt  }
0x4e: {  	_ =	shalt  }
0x4f: {  	_ =	shalt  }
0x50: {  	_ =	shalt  }
0x51: {  	_ =	shalt  }
0x52: {  	_ =	shalt  }
0x53: {  	_ =	shalt  }
0x54: {  	_ =	shalt  }
0x55: {  	_ =	shalt  }
0x56: {  	_ =	shalt  }
0x57: {  	_ =	shalt  }
0x58: {  	_ =	shalt  }
0x59: {  	_ =	shalt  }
0x5a: {  	_ =	shalt  }
0x5b: {  	_ =	shalt  }
0x5c: {  	_ =	shalt  }
0x5d: {  	_ =	shalt  }
0x5e: {  	_ =	shalt  }
0x5f: {  	_ =	shalt  }
0x60: {  	_ =	shalt  }
0x61: {  	_ =	shalt  }
0x62: {  	_ =	shalt  }
0x63: {  	_ =	shalt  }
0x64: {  	_ =	shalt  }
0x65: {  	_ =	shalt  }
0x66: {  	_ =	shalt  }
0x67: {  	_ =	shalt  }
0x68: {  	_ =	shalt  }
0x69: {  	_ =	shalt  }
0x6a: {  	_ =	shalt  }
0x6b: {  	_ =	shalt  }
0x6c: {  	_ =	shalt  }
0x6d: {  	_ =	shalt  }
0x6e: {  	_ =	shalt  }
0x6f: {  	_ =	shalt  }
0x70: {  	_ =	shalt  }
0x71: {  	_ =	shalt  }
0x72: {  	_ =	shalt  }
0x73: {  	_ =	shalt  }
0x74: {  	_ =	shalt  }
0x75: {  	_ =	shalt  }
0x76: {  	_ =	shalt  }
0x77: {  	_ =	shalt  }
0x78: {  	_ =	shalt  }
0x79: {  	_ =	shalt  }
0x7a: {  	_ =	shalt  }
0x7b: {  	_ =	shalt  }
0x7c: {  	_ =	shalt  }
0x7d: {  	_ =	shalt  }
0x7e: {  	_ =	shalt  }
0x7f: {  	_ =	shalt  }
0x80: {  	_ =	shalt  }
0x81: {  	_ =	shalt  }
0x82: {  	_ =	shalt  }
0x83: {  	_ =	shalt  }
0x84: {  	_ =	shalt  }
0x85: {  	_ =	shalt  }
0x86: {  	_ =	shalt  }
0x87: {  	_ =	shalt  }
.Lfunc_end0:
.L_simem_size_0:
called_computation.2_lowered:
.L_overlay_start_0:
0x88: {  	s2 =	sld [smem:$0x3FD9]  }
0x89: {  	s3 =	sld [smem:$0x3FFE];
	_ =	sdelay $0x1  }
0x8a: {  	s1 =	srdreg.scid  }
0x8b: {  	s0 =	sand.u32 $0x1, s1  }
0x8c: {  	s17 =	sshll.u32 s0, $0xA;
	s2 =	sadd.s32 s3, s2  }
0x8d: {  	s2 =	sadd.s32 s2, s17  }
0x8e: {  	[smem:$0x3FC0] =	sst s2  }
0x8f: {  	_ = 	snop  }
0x90: {  	s2 =	sld [smem:$0x3FD0];
	(tm) =	ssettm $0x1  }
0x91: {  	s18 =	sld [smem:$0x3FFB];
	_ =	sdelay $0x3  }
0x92: {  	_ =	strace s18  }
0x93: {  	s3 =	sld [smem:$0x3FFC];
	_ =	sdelay $0x3  }
0x94: {  	_ =	strace s3  }
0x95: {  	s3 =	sld [smem:$0x3FFD];
	_ =	sdelay $0x3  }
0x96: {  	_ =	strace s3  }
0x97: {  	_ =	strace $0x8FFFFFFF  }
0x98: {  	s19 =	sld [smem:$0x3FDB];
	_ =	sdelay $0x1  }
0x99: {  	s4 =	simm.s32 $_scs_section_size  }
0x9a: {  	s5 =	simm.s32 $_size__tile_overlayer_lowered;
	s6 =	simm.s32 $_tile_overlayer_lowered  }
0x9b: {  	s22 =	simm.s32 $0x1BFF;
	s21 =	sshll.u32 s6, $0x1;
	s3 =	sadd.s32 s4, s19  }
0x9c: {  	s7 =	simm.s32 $0x0;
	s20 =	sshll.u32 s5, $0x1;
	s5 =	sadd.s32 s21, s3  }
0x9d: {  	[timem:s7], [sflag:s22] =	dma.local [hbm:s5], s20  }
0x9e: {  	_ =	swait.ge [sflag:s22], s20  }
0x9f: {  	s4 =	ssub.s32 $0x0, s20;
	[sflag:s22] =	ssyncset.done $0x0  }
0xa0: {  	[sflag:s22] =	ssyncadd.s32 s4;
	_ =	sdelay $0x1  }
0xa1: {  	s23 =	simm.s32 $0x1B8B  }
0xa2: {  	_ =	swait.ge [sflag:s23], $0x1  }
0xa3: {  	[sflag:s23] =	ssyncset.done $0x0  }
0xa4: {  	s25 =	simm.s32 $0x1B8E;
	s24 =	sld [smem:$0x3FFE];
	[sflag:s23] =	ssyncadd.s32 $0xFFFFFFFF  }
0xa5: {  	s26 =	simm.s32 $execute0_lowered;
	[smem:$0x3FD2] =	sst s25  }
0xa6: {  	s5 =	sshll.u32 s26, $0x1;
	_ =	strace $0x8000004C;
	[dreg:$0x1] =	wrdreg $0xFFFFFFFF  }
0xa7: {  	s28 =	simm.s32 $_size_execute0_lowered;
	s3 =	sadd.s32 s3, s5;
	[dreg:$0x0] =	wrdreg $0x0  }
0xa8: {  	s5 =	sshll.u32 s28, $0x1;
	[dreg:$0x2] =	wrdreg s3  }
0xa9: {  	[dreg:$0x3] =	wrdreg s5  }
0xaa: {  	[dreg:$0x4] =	wrdreg $0xC0  }
0xab: {  	_ =	task [dreg:s7], $0x5FFFF  }
0xac: {  	[dreg:$0x1] =	wrdreg $0xFFFFFFFF  }
0xad: {  	[dreg:$0x0] =	wrdreg $0x60  }
0xae: {  	[dreg:$0x2] =	wrdreg s24  }
0xaf: {  	[dreg:$0x3] =	wrdreg s2  }
0xb0: {  	[dreg:$0x4] =	wrdreg $0xB4000  }
0xb1: {  	[dreg:$0x5] =	wrdreg $0x9  }
0xb2: {  	_ =	task.clear_ibuf [dreg:s7], $0x6FFFF;
	_ =	strace $0x9000004C  }
0xb3: {  	s29 =	simm.s32 $0x9;
	_ =	strace $0x8000004E  }
0xb4: {  	_ =	swait.ge [sflag:s29], $0x1  }
0xb5: {  	[sflag:s29] =	ssyncadd.s32 $0xFFFFFFFF  }
0xb6: {  	_ =	strace $0x9000004E  }
0xb7: {  	_ =	sfence  }
0xb8: {  	s30 =	sld [smem:$0x0];
	_ =	sdelay $0x2  }
0xb9: {  	s31 =	sshll.u32 s1, $0xD;
	s1 =	sshrl.u32 s1, $0x2  }
0xba: {  	s3 =	sand.u32 $0x4000, s31;
	s1 =	sadd.s32 s1, s30  }
0xbb: {  	s0 =	sor.u32 s3, s0;
	s1 =	sshll.u32 s1, $0x11  }
0xbc: {  	s0 =	sor.u32 s1, s0  }
0xbd: {  	s0 =	sadd.s32 $0x8F2B, s0  }
0xbe: {  	[sflag:s0] =	ssyncadd.remote.s32 $0x1  }
0xbf: {  	_ =	sfence.sel $0xFFFF  }
0xc0: {  	[dreg:$0x0] =	wrdreg $0xFFFFFFFF;
	(pc) =	sbr.abs _section_cstart, $3  }
0xc1: {  	[dreg:$0x1] =	wrdreg $0xFFFFFFFF  }
0xc2: {  	_ =	task.clear_ibuf [dreg:s7], $0x2FFFF;
	_ =	strace $0x9FFFFFFF  }
0xc3: {  	(tm) =	ssettm $0x7FFFFFFF  }
tec
execute0_lowered:
.L_overlay_start_1:
0x0: {  	(tag) =	ssettag $0x1  }
0x1: {  	s0 =	rddreg [dreg:$0x0]  }
0x2: {  	s2 =	rddreg [dreg:$0x1]  }
0x3: {  	s1 =	srdreg.scid;
	s11 =	stileid.u32  }
0x4: {  	s3 =	rddreg [dreg:$0x2];
	s8 =	smul.u32 $0x14000, s11  }
0x5: {  	s4 =	simm.s32 $0x0;
	s1 =	sand.u32 $0x1, s1;
	s10 =	smul.u32 $0x2800, s11  }
0x6: {  	[smem:$0x7FF] =	sst s4;
	s5 =	sadd.s32 $0xBE00, s0;
	s11 =	smul.u32 $0x50000, s11  }
0x7: {  	s6 =	sadd.s32 $0x1E00, s0;
	s12 =	sadd.s32 $0x33E00, s0;
	s7 =	smul.u32 $0x140000, s1  }
0x8: {  	s9 =	smul.u32 $0x28000, s1;
	_ =	strace $0x8000004D;
	s1 =	ssub.s32 $0x2, s1  }
0x9: {  	[dreg:$0x4] =	wrdreg s12;
	s12 =	simm.s32 $0x4;
	s13 =	sshrl.u32 s1, $0x1  }
0xa: {  	s17 =	sshrl.u32 s11, $0x2;
	s11 =	simm.s32 $0x6000;
	s7 =	sadd.s32 s8, s7  }
0xb: {  	s8 =	sadd.s32 s10, s9;
	s1 =	ssub.s32 s1, s13;
	s13 =	sadd.s32 s17, s3  }
0xc: {  	s9 =	simm.s32 $0x80;
	s7 =	sshrl.u32 s7, $0x3;
	s18 =	smax.u32 s1, $0x1  }
0xd: {  	s10 =	sshrl.u32 s8, $0x3;
	s19 =	sadd.s32 $0x1400, s13;
	[dreg:$0xa] =	wrdreg s18  }
0xe: {  	s20 =	sadd.s32 $0x2800, s13;
	s21 =	sadd.s32 $0x3C00, s13;
	[dreg:$0xb] =	wrdreg s19  }
0xf: {  	s22 =	sadd.s32 $0x5000, s13;
	s23 =	sadd.s32 $0x6400, s13;
	[dreg:$0xc] =	wrdreg s20  }
0x10: {  	s24 =	sadd.s32 $0x7800, s13;
	s25 =	sadd.s32 $0x8C00, s13;
	[dreg:$0xd] =	wrdreg s21  }
0x11: {  	s26 =	sadd.s32 $0xA000, s13;
	s28 =	sadd.s32 $0xF000, s13;
	[dreg:$0xe] =	wrdreg s22  }
0x12: {  	s29 =	sadd.s32 $0x10400, s13;
	s30 =	sadd.s32 $0x11800, s13;
	[dreg:$0xf] =	wrdreg s23  }
0x13: {  	s31 =	sadd.s32 $0x12C00, s13;
	s1 =	simm.s32 $0xA000;
	[dreg:$0x10] =	wrdreg s24  }
0x14: {  	s0 =	sadd.s32 s7, s0;
	s14 =	sadd.s32 s2, s10;
	[dreg:$0x11] =	wrdreg s25  }
0x15: {  	s15 =	sadd.s32 s6, s10;
	s16 =	sadd.s32 $0x100, s10;
	[dreg:$0x12] =	wrdreg s26  }
0x16: {  	s24 =	sadd.s32 $0xB400, s13;
	s25 =	sadd.s32 $0xC800, s13;
	[dreg:$0x5] =	wrdreg s14  }
.Ltmp0:
0x17: {  	[dreg:$0x6] =	wrdreg s15;
	s10 =	sadd.s32 s2, s16;
	(pc) =	sbr.rel .LBB2_1-.Ltmp0, $4  }
0x18: {  	s26 =	sadd.s32 $0xDC00, s13;
	s7 =	sadd.s32 s6, s16;
	[dreg:$0x7] =	wrdreg s10  }
0x19: {  	s0 =	sadd.s32 $0x34200, s0;
	s14 =	simm.s32 $0x1;
	[dreg:$0x8] =	wrdreg s7  }
0x1a: {  	s15 =	simm.s32 $0x2;
	s16 =	simm.s32 $0x0;
	[dreg:$0x9] =	wrdreg s0  }
0x1b: {  	s0 =	simm.s32 $0x5;
	s7 =	simm.s32 $0x3;
	s10 =	simm.s32 $0x2000  }
.LBB2_4:
0x1c: {  	_ =	swait.ge [sflag:s15], $0x4000  }
0x1d: {  	[sflag:s15] =	ssyncset.done $0x0  }
0x1e: {  	[sflag:s15] =	ssyncadd.s32 $0xFFFFC000  }
0x1f: {  	[spmem:s3] =	stream.indirect.scatter.add.f32 [tilespmem:s11], [sflag:$0x5], $0x80, s20, s9, $0xb8;
	[tilespmem:$0x1F400] =	vst v63  }
0x20: {  	_ =	swait.ge [sflag:s0], $0x4000  }
0x21: {  	[sflag:s0] =	ssyncset.done $0x0  }
0x22: {  	s17 =	stileid.u32;
	[sflag:s0] =	ssyncadd.s32 $0xFFFFC000  }
0x23: {  	s17 =	sshll.u32 s17, $0x6;
	[bflag:$0x0] =	sbarrier.arrive $0xFFFF  }
0x24: {  	s18 =	sshrl.u32 s13, $0x3;
	s17 =	sor.u32 $0x1C05, s17;
	s19 =	rddreg [dreg:$0x9]  }
0x25: {  	[hbm:s19], [sflag:s17] =	dma.local [spmem:s18], $0x2800  }
0x26: {  	_ =	swait.ge [sflag:s0], $0x2800  }
0x27: {  	s16 =	sadd.s32 $0x1, s16;
	s23 =	rddreg [dreg:$0xa]  }
0x28: {  	p0 =	sne.s32 s16, s23  }
.Ltmp1:
0x29: {  	_ = 	snop;
	(pc) =	sbr.rel @!p0 .LBB2_5-.Ltmp1, $3  }
0x2a: {  	_ =	sdelay $0x1  }
0x2b: {  	[sflag:s0] =	ssyncset.done $0x0  }
0x2c: {  	[sflag:s0] =	ssyncadd.s32 $0xFFFFD800  }
.LBB2_1:
0x2d: {  	s17 =	rddreg [dreg:$0x5]  }
0x2e: {  	[tilespmem:s4], [sflag:$0x3] =	stream.linear.gather [hbm4b:s17+s4], $0x800, $0x38;
	[tilespmem:$0x1F400] =	vst v63  }
0x2f: {  	s21 =	rddreg [dreg:$0x6];
	s18 =	simm.s32 $0x1000  }
0x30: {  	[tilespmem:s18], [sflag:$0x3] =	stream.linear.gather [hbm4b:s21+s4], $0x800, $0x38;
	[tilespmem:$0x1F400] =	vst v63  }
0x31: {  	s22 =	rddreg [dreg:$0x7];
	s23 =	simm.s32 $0x800  }
0x32: {  	[tilespmem:s23], [sflag:$0x3] =	stream.linear.gather [hbm4b:s22+s4], $0x800, $0x38;
	[tilespmem:$0x1F400] =	vst v63  }
0x33: {  	s19 =	rddreg [dreg:$0x8];
	s20 =	simm.s32 $0x1800  }
0x34: {  	[tilespmem:s20], [sflag:$0x3] =	stream.linear.gather [hbm4b:s19+s4], $0x800, $0x38;
	[tilespmem:$0x1F400] =	vst v63  }
0x35: {  	s21 =	rddreg [dreg:$0x4]  }
0x36: {  	[tilespmem:s1], [sflag:$0x5] =	stream.linear.gather [hbm4b:s21+s4], $0x1400, $0x38;
	[tilespmem:$0x1F400] =	vst v63  }
0x37: {  	_ =	swait.ge [sflag:s0], $0x1400  }
0x38: {  	[sflag:s0] =	ssyncset.done $0x0  }
0x39: {  	[sflag:s0] =	ssyncadd.s32 $0xFFFFEC00  }
0x3a: {  	[spmem:s13] =	stream.linear.scatter [tilespmem:s1], [sflag:$0x4], $0x1400, $0x38;
	[tilespmem:$0x1F400] =	vst v63  }
0x3b: {  	s22 =	rddreg [dreg:$0xb]  }
0x3c: {  	[spmem:s22] =	stream.linear.scatter [tilespmem:s1], [sflag:$0x4], $0x1400, $0x38;
	[tilespmem:$0x1F400] =	vst v63  }
0x3d: {  	s23 =	rddreg [dreg:$0xc]  }
0x3e: {  	[spmem:s23] =	stream.linear.scatter [tilespmem:s1], [sflag:$0x4], $0x1400, $0x38;
	[tilespmem:$0x1F400] =	vst v63  }
0x3f: {  	s18 =	rddreg [dreg:$0xd]  }
0x40: {  	[spmem:s18] =	stream.linear.scatter [tilespmem:s1], [sflag:$0x4], $0x1400, $0x38;
	[tilespmem:$0x1F400] =	vst v63  }
0x41: {  	s19 =	rddreg [dreg:$0xe]  }
0x42: {  	[spmem:s19] =	stream.linear.scatter [tilespmem:s1], [sflag:$0x4], $0x1400, $0x38;
	[tilespmem:$0x1F400] =	vst v63  }
0x43: {  	s20 =	rddreg [dreg:$0xf]  }
0x44: {  	[spmem:s20] =	stream.linear.scatter [tilespmem:s1], [sflag:$0x4], $0x1400, $0x38;
	[tilespmem:$0x1F400] =	vst v63  }
0x45: {  	s21 =	rddreg [dreg:$0x10]  }
0x46: {  	[spmem:s21] =	stream.linear.scatter [tilespmem:s1], [sflag:$0x4], $0x1400, $0x38;
	[tilespmem:$0x1F400] =	vst v63  }
0x47: {  	s22 =	rddreg [dreg:$0x11]  }
0x48: {  	[spmem:s22] =	stream.linear.scatter [tilespmem:s1], [sflag:$0x4], $0x1400, $0x38;
	[tilespmem:$0x1F400] =	vst v63  }
0x49: {  	s23 =	rddreg [dreg:$0x12]  }
0x4a: {  	[spmem:s23] =	stream.linear.scatter [tilespmem:s1], [sflag:$0x4], $0x1400, $0x38;
	[tilespmem:$0x1F400] =	vst v63  }
0x4b: {  	_ = 	snop  }
0x4c: {  	[spmem:s24] =	stream.linear.scatter [tilespmem:s1], [sflag:$0x4], $0x1400, $0x38;
	[tilespmem:$0x1F400] =	vst v63  }
0x4d: {  	_ = 	snop  }
0x4e: {  	[spmem:s25] =	stream.linear.scatter [tilespmem:s1], [sflag:$0x4], $0x1400, $0x38;
	[tilespmem:$0x1F400] =	vst v63  }
0x4f: {  	_ = 	snop  }
0x50: {  	[spmem:s26] =	stream.linear.scatter [tilespmem:s1], [sflag:$0x4], $0x1400, $0x38;
	[tilespmem:$0x1F400] =	vst v63  }
0x51: {  	_ = 	snop  }
0x52: {  	[spmem:s28] =	stream.linear.scatter [tilespmem:s1], [sflag:$0x4], $0x1400, $0x38;
	[tilespmem:$0x1F400] =	vst v63  }
0x53: {  	_ = 	snop  }
0x54: {  	[spmem:s29] =	stream.linear.scatter [tilespmem:s1], [sflag:$0x4], $0x1400, $0x38;
	[tilespmem:$0x1F400] =	vst v63  }
0x55: {  	_ = 	snop  }
0x56: {  	[spmem:s30] =	stream.linear.scatter [tilespmem:s1], [sflag:$0x4], $0x1400, $0x38;
	[tilespmem:$0x1F400] =	vst v63  }
0x57: {  	_ = 	snop  }
0x58: {  	[spmem:s31] =	stream.linear.scatter [tilespmem:s1], [sflag:$0x4], $0x1400, $0x38;
	[tilespmem:$0x1F400] =	vst v63  }
0x59: {  	_ =	swait.ge [sflag:s7], $0x800  }
0x5a: {  	[sflag:s7] =	ssyncset.done $0x0  }
0x5b: {  	[sflag:s7] =	ssyncadd.s32 $0xFFFFF800  }
0x5c: {  	_ =	swait.ge [sflag:s7], $0x800  }
0x5d: {  	[sflag:s7] =	ssyncset.done $0x0  }
0x5e: {  	[sflag:s7] =	ssyncadd.s32 $0xFFFFF800  }
0x5f: {  	_ =	swait.ge [sflag:s7], $0x800  }
0x60: {  	[sflag:s7] =	ssyncset.done $0x0  }
0x61: {  	[sflag:s7] =	ssyncadd.s32 $0xFFFFF800  }
0x62: {  	_ =	swait.ge [sflag:s7], $0x800  }
0x63: {  	[sflag:s7] =	ssyncset.done $0x0  }
0x64: {  	[sflag:s7] =	ssyncadd.s32 $0xFFFFF800  }
0x65: {  	[tilespmem:s10], [sflag:$0x1] =	stream.indirect.gather [hbm4b:s5+s9], $0x80, s4, s9, $0xb8;
	[tilespmem:$0x1F400] =	vst v63  }
0x66: {  	_ = 	snop  }
0x67: {  	[tilespmem:s11], [sflag:$0x2] =	stream.indirect.gather [hbm4b:s5+s9], $0x80, s9, s9, $0xb8;
	[tilespmem:$0x1F400] =	vst v63  }
0x68: {  	_ =	swait.ge [sflag:s12], $0x1400  }
0x69: {  	[sflag:s12] =	ssyncset.done $0x0  }
0x6a: {  	[sflag:s12] =	ssyncadd.s32 $0xFFFFEC00  }
0x6b: {  	_ =	swait.ge [sflag:s12], $0x1400  }
0x6c: {  	[sflag:s12] =	ssyncset.done $0x0  }
0x6d: {  	[sflag:s12] =	ssyncadd.s32 $0xFFFFEC00  }
0x6e: {  	_ =	swait.ge [sflag:s12], $0x1400  }
0x6f: {  	[sflag:s12] =	ssyncset.done $0x0  }
0x70: {  	[sflag:s12] =	ssyncadd.s32 $0xFFFFEC00  }
0x71: {  	_ =	swait.ge [sflag:s12], $0x1400  }
0x72: {  	[sflag:s12] =	ssyncset.done $0x0  }
0x73: {  	[sflag:s12] =	ssyncadd.s32 $0xFFFFEC00  }
0x74: {  	_ =	swait.ge [sflag:s12], $0x1400  }
0x75: {  	[sflag:s12] =	ssyncset.done $0x0  }
0x76: {  	[sflag:s12] =	ssyncadd.s32 $0xFFFFEC00  }
0x77: {  	_ =	swait.ge [sflag:s12], $0x1400  }
0x78: {  	[sflag:s12] =	ssyncset.done $0x0  }
0x79: {  	[sflag:s12] =	ssyncadd.s32 $0xFFFFEC00  }
0x7a: {  	_ =	swait.ge [sflag:s12], $0x1400  }
0x7b: {  	[sflag:s12] =	ssyncset.done $0x0  }
0x7c: {  	[sflag:s12] =	ssyncadd.s32 $0xFFFFEC00  }
0x7d: {  	_ =	swait.ge [sflag:s12], $0x1400  }
0x7e: {  	[sflag:s12] =	ssyncset.done $0x0  }
0x7f: {  	[sflag:s12] =	ssyncadd.s32 $0xFFFFEC00  }
0x80: {  	_ =	swait.ge [sflag:s12], $0x1400  }
0x81: {  	[sflag:s12] =	ssyncset.done $0x0  }
0x82: {  	[sflag:s12] =	ssyncadd.s32 $0xFFFFEC00  }
0x83: {  	_ =	swait.ge [sflag:s12], $0x1400  }
0x84: {  	[sflag:s12] =	ssyncset.done $0x0  }
0x85: {  	[sflag:s12] =	ssyncadd.s32 $0xFFFFEC00  }
0x86: {  	_ =	swait.ge [sflag:s12], $0x1400  }
0x87: {  	[sflag:s12] =	ssyncset.done $0x0  }
0x88: {  	[sflag:s12] =	ssyncadd.s32 $0xFFFFEC00  }
0x89: {  	_ =	swait.ge [sflag:s12], $0x1400  }
0x8a: {  	[sflag:s12] =	ssyncset.done $0x0  }
0x8b: {  	[sflag:s12] =	ssyncadd.s32 $0xFFFFEC00  }
0x8c: {  	_ =	swait.ge [sflag:s12], $0x1400  }
0x8d: {  	[sflag:s12] =	ssyncset.done $0x0  }
0x8e: {  	[sflag:s12] =	ssyncadd.s32 $0xFFFFEC00  }
0x8f: {  	_ =	swait.ge [sflag:s12], $0x1400  }
0x90: {  	[sflag:s12] =	ssyncset.done $0x0  }
0x91: {  	[sflag:s12] =	ssyncadd.s32 $0xFFFFEC00  }
0x92: {  	_ =	swait.ge [sflag:s12], $0x1400  }
0x93: {  	[sflag:s12] =	ssyncset.done $0x0  }
0x94: {  	[sflag:s12] =	ssyncadd.s32 $0xFFFFEC00  }
0x95: {  	_ =	swait.ge [sflag:s12], $0x1400  }
0x96: {  	[sflag:s12] =	ssyncset.done $0x0  }
0x97: {  	[sflag:s12] =	ssyncadd.s32 $0xFFFFEC00  }
0x98: {  	s17 =	simm.s32 $0x0;
	s18 =	simm.s32 $0x0;
	[bflag:$0x0] =	sbarrier.arrive $0xFFFF  }
.LBB2_2:
0x99: {  	s21 =	sand.u32 $0xE, s18  }
0x9a: {  	s20 =	smov.u32 s18;
	s18 =	sadd.s32 $0xFFFFFFFF, s18;
	p0 =	sne.s32 s21, $0x0  }
0x9b: {  	p1 =	sgt.u32 @!p0 s18, $0x3E  }
0x9c: {  	p0 =	por p1, p0  }
0x9d: {  	s18 =	sand.u32 @!p0 $0x3800, s17  }
0x9e: {  	s18 =	sadd.s32 @!p0 $0x800, s18  }
0x9f: {  	s19 =	sadd.s32 @!p0 s8, s18  }
0xa0: {  	s19 =	sshrl.u32 @!p0 s19, $0x3  }
0xa1: {  	s23 =	simm.s32 @!p0 $0x0;
	s18 =	sand.u32 @!p0 $0x800, s18;
	s22 =	sadd.s32 @!p0 s2, s19  }
0xa2: {  	[tilespmem:s18], [sflag:$0x3] =	stream.linear.gather @!p0 [hbm4b:s22+s23], $0x800, $0x38;
	[tilespmem:$0x1F400] =	vst v63  }
0xa3: {  	s19 =	sadd.s32 @!p0 s6, s19;
	s18 =	sor.u32 @!p0 $0x1000, s18  }
0xa4: {  	[tilespmem:s18], [sflag:$0x3] =	stream.linear.gather @!p0 [hbm4b:s19+s23], $0x800, $0x38;
	[tilespmem:$0x1F400] =	vst v63  }
0xa5: {  	s18 =	sadd.s32 $0x2, s20;
	s23 =	sadd.s32 $0xFFFFFFE2, s20  }
0xa6: {  	s19 =	sand.u32 $0xE, s18;
	p0 =	sgt.u32 s23, $0x2F  }
0xa7: {  	p1 =	sne.s32 @!p0 s19, $0x0  }
0xa8: {  	p0 =	por p1, p0  }
0xa9: {  	s22 =	simm.s32 @!p0 $0x3  }
0xaa: {  	_ =	swait.ge @!p0 [sflag:s22], $0x800  }
0xab: {  	[sflag:s22] =	ssyncset.done @!p0 $0x0  }
0xac: {  	[sflag:s22] =	ssyncadd.s32 @!p0 $0xFFFFF800  }
0xad: {  	_ =	swait.ge @!p0 [sflag:s22], $0x800  }
0xae: {  	[sflag:s22] =	ssyncset.done @!p0 $0x0  }
0xaf: {  	[sflag:s22] =	ssyncadd.s32 @!p0 $0xFFFFF800  }
0xb0: {  	s21 =	sshll.u32 s21, $0x7;
	s23 =	sand.u32 $0x800, s17;
	_ =	swait.ge [sflag:s14], $0x4000  }
0xb1: {  	s21 =	sor.u32 s21, s23;
	p0 =	seq.s32 s20, $0x4E;
	[sflag:s14] =	ssyncset.done $0x0  }
.Ltmp2:
0xb2: {  	s21 =	sor.u32 $0x1000, s21;
	[sflag:s14] =	ssyncadd.s32 $0xFFFFC000;
	(pc) =	sbr.rel @p0 .LBB2_4-.Ltmp2, $4  }
0xb3: {  	[spmem:s3] =	stream.indirect.scatter.add.f32 [tilespmem:s10], [sflag:$0x5], $0x80, s21, s9, $0xb8;
	[tilespmem:$0x1F400] =	vst v63  }
0xb4: {  	_ =	swait.ge [sflag:s0], $0x4000  }
0xb5: {  	[sflag:s0] =	ssyncset.done $0x0  }
0xb6: {  	s20 =	sadd.s32 $0x80, s21;
	[sflag:s0] =	ssyncadd.s32 $0xFFFFC000  }
0xb7: {  	s21 =	sadd.s32 $0x100, s17  }
0xb8: {  	s19 =	sshll.u32 s19, $0x7;
	s22 =	sand.u32 $0x800, s21  }
0xb9: {  	s19 =	sor.u32 s19, s22  }
0xba: {  	[tilespmem:s10], [sflag:$0x1] =	stream.indirect.gather [hbm4b:s5+s9], $0x80, s19, s9, $0xb8;
	[tilespmem:$0x1F400] =	vst v63  }
0xbb: {  	_ =	swait.ge [sflag:s15], $0x4000  }
0xbc: {  	[sflag:s15] =	ssyncset.done $0x0  }
0xbd: {  	[sflag:s15] =	ssyncadd.s32 $0xFFFFC000  }
0xbe: {  	[spmem:s3] =	stream.indirect.scatter.add.f32 [tilespmem:s11], [sflag:$0x5], $0x80, s20, s9, $0xb8;
	[tilespmem:$0x1F400] =	vst v63  }
.Ltmp3:
0xbf: {  	_ =	swait.ge [sflag:s0], $0x4000;
	(pc) =	sbr.rel .LBB2_2-.Ltmp3, $4  }
0xc0: {  	s23 =	sadd.s32 $0x180, s17;
	[sflag:s0] =	ssyncset.done $0x0  }
0xc1: {  	s17 =	sand.u32 $0xF80, s23;
	[sflag:s0] =	ssyncadd.s32 $0xFFFFC000  }
0xc2: {  	[tilespmem:s11], [sflag:$0x2] =	stream.indirect.gather [hbm4b:s5+s9], $0x80, s17, s9, $0xb8;
	[tilespmem:$0x1F400] =	vst v63  }
0xc3: {  	s17 =	smov.u32 s21  }
.LBB2_5:
0xc4: {  	_ =	sfence.sel $0x180000  }
0xc5: {  	[bflag:$0x0] =	sbarrier.arrive $0xFFFF  }
0xc6: {  	_ =	strace $0x9000004D  }
0xc7: {  	s0 =	stileid.u32;
	[bflag:$0x2] =	sbarrier.arrive $0xFFFF  }
0xc8: {  	p0 =	sne.s32 s0, $0x0;
	s0 =	rddreg [dreg:$0x3]  }
0xc9: {  	s0 =	sadd.s32 @!p0 $0x100000, s0  }
0xca: {  	[sflag:s0] =	ssyncadd.tile.s32 @!p0 $0x1;
	_ =	shalt  }
.Lfunc_end2:
_tile_overlayer_lowered:
.L_overlay_start_2:
0xcb: {  	(tag) =	ssettag $0x2  }
0xcc: {  	s0 =	rddreg [dreg:$0x0];
	s2 =	stileid.u32  }
0xcd: {  	s1 =	rddreg [dreg:$0x1];
	p0 =	sne.s32 s2, $0x0  }
0xce: {  	s3 =	rddreg [dreg:$0x2];
	[bflag:$0x3] =	sbarrier.arrive $0xFFFF;
	s2 =	simm.s32 @!p0 $0x1C05  }
0xcf: {  	[timem:s3], [sflag:s2] =	dma.local @!p0 [hbm:s0], s1  }
0xd0: {  	s0 =	simm.s32 @!p0 $0x5  }
0xd1: {  	_ =	swait.ge @!p0 [sflag:s0], s1  }
0xd2: {  	s1 =	ssub.s32 @!p0 $0x0, s1;
	[sflag:s0] =	ssyncset.done @!p0 $0x0  }
0xd3: {  	[sflag:s0] =	ssyncadd.s32 @!p0 s1  }
0xd4: {  	[bflag:$0x3] =	sbarrier.arrive $0xFFFF  }
0xd5: {  	_ =	shalt  }

// kernel: kernel.9.cloned.1.call-start
scs
__scs_entry_jumppad:
0x0: {  	(pc) =	sbr.rel $0x88, $3  }
0x1: {  	(tag) =	ssettag $0x0;
	lr =	simm.s32 $0x1  }
0x2: {  	[smem:$0x3F99] =	sst lr;
	_ =	strace $0xD0000000  }
0x3: {  	_ = 	snop  }
0x4: {  	_ = 	snop  }
0x5: {  	_ = 	snop  }
0x6: {  	_ = 	snop  }
0x7: {  	_ = 	snop  }
__scs_overlays_trampoline_lowered:
0x8: {  	[smem:$0x3FA8] =	sst s0  }
0x9: {  	[smem:$0x3FA9] =	sst s1  }
0xa: {  	[smem:$0x3FAA] =	sst s2  }
0xb: {  	[smem:$0x3FAB] =	sst s3  }
0xc: {  	[smem:$0x3FAC] =	sst s4  }
0xd: {  	[smem:$0x3FAD] =	sst s5  }
0xe: {  	[smem:$0x3FAE] =	sst s6  }
0xf: {  	[smem:$0x3FAF] =	sst s7  }
0x10: {  	[smem:$0x3FB0] =	sst s8  }
0x11: {  	[smem:$0x3FB1] =	sst s9;
	s0 =	simm.s32 @!p0 $0x0  }
0x12: {  	s1 =	sld [smem:$0x3F97];
	s0 =	simm.s32 @p0 $0x1  }
0x13: {  	[smem:$0x3FB2] =	sst s0;
	s0 =	simm.s32 @!p1 $0x0  }
0x14: {  	s2 =	sld [smem:$0x3F96];
	s0 =	simm.s32 @p1 $0x1  }
0x15: {  	[smem:$0x3FB3] =	sst s0;
	s0 =	simm.s32 @!p2 $0x0  }
0x16: {  	s3 =	sld [smem:$0x3FDB];
	s0 =	simm.s32 @p2 $0x1  }
0x17: {  	s4 =	simm.s32 $0x1BF5;
	[smem:$0x3FB5] =	sst s0  }
0x18: {  	s0 =	sld [smem:$0x3F98];
	_ =	swait.ge [sflag:s4], $0x0  }
0x19: {  	s7 =	sld [smem:$0x3F99]  }
0x1a: {  	s8 =	sadd.s32 $0xFFFFE003, lr  }
0x1b: {  	s9 =	sadd.s32 $0xFFFFFEF7, lr;
	s5 =	simm.s32 $0xFFFFFFFF;
	p2 =	slt.u32 s8, $0xFFFFF086  }
0x1c: {  	p1 =	slt.u32 s9, $0xF7A;
	s5 =	simm.s32 @!p2 $0x0  }
0x1d: {  	s5 =	simm.s32 @p1 $0x1;
	p0 =	seq.s32 s7, s2  }
0x1e: {  	s7 =	smul.u32 @!p0 $0xF7A, s2;
	p2 =	seq.s32 @!p0 s5, $0x0  }
0x1f: {  	s9 =	smul.u32 $0xF7A, s1;
	s8 =	simm.s32 @!p0 $0x1BF5;
	p2 =	por !p2, p0  }
0x20: {  	[sflag:s8] =	ssyncset.s32 @!p0 $0xFFFFF086;
	s6 =	sadd.s32 @!p0 s3, s7;
	s7 =	simm.s32 @!p0 $0x108  }
0x21: {  	s3 =	sadd.s32 s3, s9;
	s6 =	sadd.s32 @!p0 $0x88, s6;
	s7 =	simm.s32 @p2 $0x1082  }
0x22: {  	[simem:s7], [sflag:s8] =	dma.local @!p0 [hbm:s6], $0xF7A  }
0x23: {  	s9 =	sor.u32 $0xD0000000, s2;
	s6 =	simm.s32 $0x108;
	_ =	swait.ge @!p0 [sflag:s8], $0x0  }
0x24: {  	s3 =	sadd.s32 $0x88, s3;
	s6 =	simm.s32 @!p1 $0x1082;
	[sflag:s4] =	ssyncset.s32 $0xFFFFF086  }
0x25: {  	[simem:s6], [sflag:s4] =	dma.local [hbm:s3], $0xF7A  }
0x26: {  	[smem:$0x3F99] =	sst s1;
	(tag) =	ssettag s2;
	_ =	strace s9  }
0x27: {  	s1 =	sld [smem:$0x3FA9]  }
0x28: {  	s2 =	sld [smem:$0x3FAA]  }
0x29: {  	s4 =	sld [smem:$0x3FAC]  }
0x2a: {  	p0 =	seq.s32 s5, $0x0;
	s5 =	sld [smem:$0x3FAD]  }
0x2b: {  	s6 =	sld [smem:$0x3FAE]  }
0x2c: {  	s7 =	sld [smem:$0x3FAF]  }
0x2d: {  	s3 =	simm.s32 $0x108;
	s8 =	sld [smem:$0x3FB0]  }
0x2e: {  	s3 =	simm.s32 @!p0 $0x1082;
	s9 =	sld [smem:$0x3FB1]  }
0x2f: {  	lr =	sadd.s32 s0, s3;
	s0 =	sld [smem:$0x3FA8]  }
0x30: {  	s3 =	sld [smem:$0x3FAB]  }
0x31: {  	[smem:$0x3FB4] =	sst s10  }
0x32: {  	s10 =	sld [smem:$0x3FB2];
	_ =	sdelay $0x3  }
0x33: {  	p0 =	seq.s32 s10, $0x1;
	s10 =	sld [smem:$0x3FB4];
	_ =	sdelay $0x3  }
0x34: {  	[smem:$0x3FB4] =	sst s10  }
0x35: {  	s10 =	sld [smem:$0x3FB3];
	_ =	sdelay $0x3  }
0x36: {  	p1 =	seq.s32 s10, $0x1;
	s10 =	sld [smem:$0x3FB4];
	_ =	sdelay $0x3  }
0x37: {  	[smem:$0x3FB4] =	sst s10  }
0x38: {  	s10 =	sld [smem:$0x3FB5]  }
0x39: {  	_ = 	snop;
	(pc) =	sbr.ind lr, $3  }
0x3a: {  	_ = 	snop  }
0x3b: {  	_ = 	snop  }
0x3c: {  	p2 =	seq.s32 s10, $0x1;
	s10 =	sld [smem:$0x3FB4]  }
0x3d: {  	_ =	shalt  }
0x3e: {  	_ =	shalt  }
0x3f: {  	_ =	shalt  }
0x40: {  	_ =	shalt  }
0x41: {  	_ =	shalt  }
0x42: {  	_ =	shalt  }
0x43: {  	_ =	shalt  }
0x44: {  	_ =	shalt  }
0x45: {  	_ =	shalt  }
0x46: {  	_ =	shalt  }
0x47: {  	_ =	shalt  }
0x48: {  	_ =	shalt  }
0x49: {  	_ =	shalt  }
0x4a: {  	_ =	shalt  }
0x4b: {  	_ =	shalt  }
0x4c: {  	_ =	shalt  }
0x4d: {  	_ =	shalt  }
0x4e: {  	_ =	shalt  }
0x4f: {  	_ =	shalt  }
0x50: {  	_ =	shalt  }
0x51: {  	_ =	shalt  }
0x52: {  	_ =	shalt  }
0x53: {  	_ =	shalt  }
0x54: {  	_ =	shalt  }
0x55: {  	_ =	shalt  }
0x56: {  	_ =	shalt  }
0x57: {  	_ =	shalt  }
0x58: {  	_ =	shalt  }
0x59: {  	_ =	shalt  }
0x5a: {  	_ =	shalt  }
0x5b: {  	_ =	shalt  }
0x5c: {  	_ =	shalt  }
0x5d: {  	_ =	shalt  }
0x5e: {  	_ =	shalt  }
0x5f: {  	_ =	shalt  }
0x60: {  	_ =	shalt  }
0x61: {  	_ =	shalt  }
0x62: {  	_ =	shalt  }
0x63: {  	_ =	shalt  }
0x64: {  	_ =	shalt  }
0x65: {  	_ =	shalt  }
0x66: {  	_ =	shalt  }
0x67: {  	_ =	shalt  }
0x68: {  	_ =	shalt  }
0x69: {  	_ =	shalt  }
0x6a: {  	_ =	shalt  }
0x6b: {  	_ =	shalt  }
0x6c: {  	_ =	shalt  }
0x6d: {  	_ =	shalt  }
0x6e: {  	_ =	shalt  }
0x6f: {  	_ =	shalt  }
0x70: {  	_ =	shalt  }
0x71: {  	_ =	shalt  }
0x72: {  	_ =	shalt  }
0x73: {  	_ =	shalt  }
0x74: {  	_ =	shalt  }
0x75: {  	_ =	shalt  }
0x76: {  	_ =	shalt  }
0x77: {  	_ =	shalt  }
0x78: {  	_ =	shalt  }
0x79: {  	_ =	shalt  }
0x7a: {  	_ =	shalt  }
0x7b: {  	_ =	shalt  }
0x7c: {  	_ =	shalt  }
0x7d: {  	_ =	shalt  }
0x7e: {  	_ =	shalt  }
0x7f: {  	_ =	shalt  }
0x80: {  	_ =	shalt  }
0x81: {  	_ =	shalt  }
0x82: {  	_ =	shalt  }
0x83: {  	_ =	shalt  }
0x84: {  	_ =	shalt  }
0x85: {  	_ =	shalt  }
0x86: {  	_ =	shalt  }
0x87: {  	_ =	shalt  }
.Lfunc_end0:
.L_simem_size_0:
called_computation_lowered:
.L_overlay_start_0:
0x88: {  	s2 =	sld [smem:$0x3FD9]  }
0x89: {  	s3 =	sld [smem:$0x3FFE];
	_ =	sdelay $0x1  }
0x8a: {  	s1 =	srdreg.scid  }
0x8b: {  	s0 =	sand.u32 $0x1, s1  }
0x8c: {  	s17 =	sshll.u32 s0, $0xA;
	s2 =	sadd.s32 s3, s2  }
0x8d: {  	s2 =	sadd.s32 s2, s17  }
0x8e: {  	[smem:$0x3FC0] =	sst s2  }
0x8f: {  	_ = 	snop  }
0x90: {  	s2 =	sld [smem:$0x3FD0];
	(tm) =	ssettm $0x1  }
0x91: {  	s18 =	sld [smem:$0x3FFB];
	_ =	sdelay $0x3  }
0x92: {  	_ =	strace s18  }
0x93: {  	s3 =	sld [smem:$0x3FFC];
	_ =	sdelay $0x3  }
0x94: {  	_ =	strace s3  }
0x95: {  	s3 =	sld [smem:$0x3FFD];
	_ =	sdelay $0x3  }
0x96: {  	_ =	strace s3  }
0x97: {  	_ =	strace $0x8FFFFFFF  }
0x98: {  	s19 =	sld [smem:$0x3FDB];
	_ =	sdelay $0x1  }
0x99: {  	s4 =	simm.s32 $_scs_section_size  }
0x9a: {  	s5 =	simm.s32 $_size__tile_overlayer_lowered;
	s6 =	simm.s32 $_tile_overlayer_lowered  }
0x9b: {  	s22 =	simm.s32 $0x1BFF;
	s21 =	sshll.u32 s6, $0x1;
	s3 =	sadd.s32 s4, s19  }
0x9c: {  	s7 =	simm.s32 $0x0;
	s20 =	sshll.u32 s5, $0x1;
	s5 =	sadd.s32 s21, s3  }
0x9d: {  	[timem:s7], [sflag:s22] =	dma.local [hbm:s5], s20  }
0x9e: {  	_ =	swait.ge [sflag:s22], s20  }
0x9f: {  	s4 =	ssub.s32 $0x0, s20;
	[sflag:s22] =	ssyncset.done $0x0  }
0xa0: {  	[sflag:s22] =	ssyncadd.s32 s4;
	_ =	sdelay $0x1  }
0xa1: {  	s23 =	simm.s32 $0x1B8B  }
0xa2: {  	_ =	swait.ge [sflag:s23], $0x1  }
0xa3: {  	[sflag:s23] =	ssyncset.done $0x0  }
0xa4: {  	s25 =	simm.s32 $0x1B8E;
	s24 =	sld [smem:$0x3FFE];
	[sflag:s23] =	ssyncadd.s32 $0xFFFFFFFF  }
0xa5: {  	s26 =	simm.s32 $execute0_lowered;
	[smem:$0x3FD2] =	sst s25  }
0xa6: {  	s5 =	sshll.u32 s26, $0x1;
	_ =	strace $0x80000046;
	[dreg:$0x1] =	wrdreg $0xFFFFFFFF  }
0xa7: {  	s28 =	simm.s32 $_size_execute0_lowered;
	s3 =	sadd.s32 s3, s5;
	[dreg:$0x0] =	wrdreg $0x0  }
0xa8: {  	s5 =	sshll.u32 s28, $0x1;
	[dreg:$0x2] =	wrdreg s3  }
0xa9: {  	[dreg:$0x3] =	wrdreg s5  }
0xaa: {  	[dreg:$0x4] =	wrdreg $0xC0  }
0xab: {  	_ =	task [dreg:s7], $0x5FFFF  }
0xac: {  	[dreg:$0x1] =	wrdreg $0xFFFFFFFF  }
0xad: {  	[dreg:$0x0] =	wrdreg $0x60  }
0xae: {  	[dreg:$0x2] =	wrdreg s24  }
0xaf: {  	[dreg:$0x3] =	wrdreg s2  }
0xb0: {  	[dreg:$0x4] =	wrdreg $0xB4000  }
0xb1: {  	[dreg:$0x5] =	wrdreg $0x9  }
0xb2: {  	_ =	task.clear_ibuf [dreg:s7], $0x6FFFF;
	_ =	strace $0x90000046  }
0xb3: {  	s29 =	simm.s32 $0x9;
	_ =	strace $0x80000048  }
0xb4: {  	_ =	swait.ge [sflag:s29], $0x1  }
0xb5: {  	[sflag:s29] =	ssyncadd.s32 $0xFFFFFFFF  }
0xb6: {  	_ =	strace $0x90000048  }
0xb7: {  	_ =	sfence  }
0xb8: {  	s30 =	sld [smem:$0x0];
	_ =	sdelay $0x2  }
0xb9: {  	s31 =	sshll.u32 s1, $0xD;
	s1 =	sshrl.u32 s1, $0x2  }
0xba: {  	s3 =	sand.u32 $0x4000, s31;
	s1 =	sadd.s32 s1, s30  }
0xbb: {  	s0 =	sor.u32 s3, s0;
	s1 =	sshll.u32 s1, $0x11  }
0xbc: {  	s0 =	sor.u32 s1, s0  }
0xbd: {  	s0 =	sadd.s32 $0x8F2B, s0  }
0xbe: {  	[sflag:s0] =	ssyncadd.remote.s32 $0x1  }
0xbf: {  	_ =	sfence.sel $0xFFFF  }
0xc0: {  	[dreg:$0x0] =	wrdreg $0xFFFFFFFF;
	(pc) =	sbr.abs _section_cstart, $3  }
0xc1: {  	[dreg:$0x1] =	wrdreg $0xFFFFFFFF  }
0xc2: {  	_ =	task.clear_ibuf [dreg:s7], $0x2FFFF;
	_ =	strace $0x9FFFFFFF  }
0xc3: {  	(tm) =	ssettm $0x7FFFFFFF  }
tec
execute0_lowered:
.L_overlay_start_1:
0x0: {  	(tag) =	ssettag $0x1  }
0x1: {  	s0 =	rddreg [dreg:$0x0]  }
0x2: {  	s2 =	rddreg [dreg:$0x1]  }
0x3: {  	s1 =	srdreg.scid;
	s11 =	stileid.u32  }
0x4: {  	s3 =	rddreg [dreg:$0x2];
	s8 =	smul.u32 $0x14000, s11  }
0x5: {  	s4 =	simm.s32 $0x0;
	s1 =	sand.u32 $0x1, s1;
	s10 =	smul.u32 $0x2800, s11  }
0x6: {  	[smem:$0x7FF] =	sst s4;
	s5 =	sadd.s32 $0xBE00, s0;
	s11 =	smul.u32 $0x50000, s11  }
0x7: {  	s6 =	sadd.s32 $0x1E00, s0;
	s12 =	sadd.s32 $0x33E00, s0;
	s7 =	smul.u32 $0x140000, s1  }
0x8: {  	s9 =	smul.u32 $0x28000, s1;
	_ =	strace $0x80000047;
	s1 =	ssub.s32 $0x2, s1  }
0x9: {  	[dreg:$0x4] =	wrdreg s12;
	s12 =	simm.s32 $0x4;
	s13 =	sshrl.u32 s1, $0x1  }
0xa: {  	s17 =	sshrl.u32 s11, $0x2;
	s11 =	simm.s32 $0x6000;
	s7 =	sadd.s32 s8, s7  }
0xb: {  	s8 =	sadd.s32 s10, s9;
	s1 =	ssub.s32 s1, s13;
	s13 =	sadd.s32 s17, s3  }
0xc: {  	s9 =	simm.s32 $0x80;
	s7 =	sshrl.u32 s7, $0x3;
	s18 =	smax.u32 s1, $0x1  }
0xd: {  	s10 =	sshrl.u32 s8, $0x3;
	s19 =	sadd.s32 $0x1400, s13;
	[dreg:$0xa] =	wrdreg s18  }
0xe: {  	s20 =	sadd.s32 $0x2800, s13;
	s21 =	sadd.s32 $0x3C00, s13;
	[dreg:$0xb] =	wrdreg s19  }
0xf: {  	s22 =	sadd.s32 $0x5000, s13;
	s23 =	sadd.s32 $0x6400, s13;
	[dreg:$0xc] =	wrdreg s20  }
0x10: {  	s24 =	sadd.s32 $0x7800, s13;
	s25 =	sadd.s32 $0x8C00, s13;
	[dreg:$0xd] =	wrdreg s21  }
0x11: {  	s26 =	sadd.s32 $0xA000, s13;
	s28 =	sadd.s32 $0xF000, s13;
	[dreg:$0xe] =	wrdreg s22  }
0x12: {  	s29 =	sadd.s32 $0x10400, s13;
	s30 =	sadd.s32 $0x11800, s13;
	[dreg:$0xf] =	wrdreg s23  }
0x13: {  	s31 =	sadd.s32 $0x12C00, s13;
	s1 =	simm.s32 $0xA000;
	[dreg:$0x10] =	wrdreg s24  }
0x14: {  	s0 =	sadd.s32 s7, s0;
	s14 =	sadd.s32 s2, s10;
	[dreg:$0x11] =	wrdreg s25  }
0x15: {  	s15 =	sadd.s32 s6, s10;
	s16 =	sadd.s32 $0x100, s10;
	[dreg:$0x12] =	wrdreg s26  }
0x16: {  	s24 =	sadd.s32 $0xB400, s13;
	s25 =	sadd.s32 $0xC800, s13;
	[dreg:$0x5] =	wrdreg s14  }
.Ltmp0:
0x17: {  	[dreg:$0x6] =	wrdreg s15;
	s10 =	sadd.s32 s2, s16;
	(pc) =	sbr.rel .LBB2_1-.Ltmp0, $4  }
0x18: {  	s26 =	sadd.s32 $0xDC00, s13;
	s7 =	sadd.s32 s6, s16;
	[dreg:$0x7] =	wrdreg s10  }
0x19: {  	s0 =	sadd.s32 $0x34200, s0;
	s14 =	simm.s32 $0x1;
	[dreg:$0x8] =	wrdreg s7  }
0x1a: {  	s15 =	simm.s32 $0x2;
	s16 =	simm.s32 $0x0;
	[dreg:$0x9] =	wrdreg s0  }
0x1b: {  	s0 =	simm.s32 $0x5;
	s7 =	simm.s32 $0x3;
	s10 =	simm.s32 $0x2000  }
.LBB2_4:
0x1c: {  	_ =	swait.ge [sflag:s15], $0x4000  }
0x1d: {  	[sflag:s15] =	ssyncset.done $0x0  }
0x1e: {  	[sflag:s15] =	ssyncadd.s32 $0xFFFFC000  }
0x1f: {  	[spmem:s3] =	stream.indirect.scatter.add.f32 [tilespmem:s11], [sflag:$0x5], $0x80, s20, s9, $0xb8;
	[tilespmem:$0x1F400] =	vst v63  }
0x20: {  	_ =	swait.ge [sflag:s0], $0x4000  }
0x21: {  	[sflag:s0] =	ssyncset.done $0x0  }
0x22: {  	s17 =	stileid.u32;
	[sflag:s0] =	ssyncadd.s32 $0xFFFFC000  }
0x23: {  	s17 =	sshll.u32 s17, $0x6;
	[bflag:$0x0] =	sbarrier.arrive $0xFFFF  }
0x24: {  	s18 =	sshrl.u32 s13, $0x3;
	s17 =	sor.u32 $0x1C05, s17;
	s19 =	rddreg [dreg:$0x9]  }
0x25: {  	[hbm:s19], [sflag:s17] =	dma.local [spmem:s18], $0x2800  }
0x26: {  	_ =	swait.ge [sflag:s0], $0x2800  }
0x27: {  	s16 =	sadd.s32 $0x1, s16;
	s23 =	rddreg [dreg:$0xa]  }
0x28: {  	p0 =	sne.s32 s16, s23  }
.Ltmp1:
0x29: {  	_ = 	snop;
	(pc) =	sbr.rel @!p0 .LBB2_5-.Ltmp1, $3  }
0x2a: {  	_ =	sdelay $0x1  }
0x2b: {  	[sflag:s0] =	ssyncset.done $0x0  }
0x2c: {  	[sflag:s0] =	ssyncadd.s32 $0xFFFFD800  }
.LBB2_1:
0x2d: {  	s17 =	rddreg [dreg:$0x5]  }
0x2e: {  	[tilespmem:s4], [sflag:$0x3] =	stream.linear.gather [hbm4b:s17+s4], $0x800, $0x38;
	[tilespmem:$0x1F400] =	vst v63  }
0x2f: {  	s21 =	rddreg [dreg:$0x6];
	s18 =	simm.s32 $0x1000  }
0x30: {  	[tilespmem:s18], [sflag:$0x3] =	stream.linear.gather [hbm4b:s21+s4], $0x800, $0x38;
	[tilespmem:$0x1F400] =	vst v63  }
0x31: {  	s22 =	rddreg [dreg:$0x7];
	s23 =	simm.s32 $0x800  }
0x32: {  	[tilespmem:s23], [sflag:$0x3] =	stream.linear.gather [hbm4b:s22+s4], $0x800, $0x38;
	[tilespmem:$0x1F400] =	vst v63  }
0x33: {  	s19 =	rddreg [dreg:$0x8];
	s20 =	simm.s32 $0x1800  }
0x34: {  	[tilespmem:s20], [sflag:$0x3] =	stream.linear.gather [hbm4b:s19+s4], $0x800, $0x38;
	[tilespmem:$0x1F400] =	vst v63  }
0x35: {  	s21 =	rddreg [dreg:$0x4]  }
0x36: {  	[tilespmem:s1], [sflag:$0x5] =	stream.linear.gather [hbm4b:s21+s4], $0x1400, $0x38;
	[tilespmem:$0x1F400] =	vst v63  }
0x37: {  	_ =	swait.ge [sflag:s0], $0x1400  }
0x38: {  	[sflag:s0] =	ssyncset.done $0x0  }
0x39: {  	[sflag:s0] =	ssyncadd.s32 $0xFFFFEC00  }
0x3a: {  	[spmem:s13] =	stream.linear.scatter [tilespmem:s1], [sflag:$0x4], $0x1400, $0x38;
	[tilespmem:$0x1F400] =	vst v63  }
0x3b: {  	s22 =	rddreg [dreg:$0xb]  }
0x3c: {  	[spmem:s22] =	stream.linear.scatter [tilespmem:s1], [sflag:$0x4], $0x1400, $0x38;
	[tilespmem:$0x1F400] =	vst v63  }
0x3d: {  	s23 =	rddreg [dreg:$0xc]  }
0x3e: {  	[spmem:s23] =	stream.linear.scatter [tilespmem:s1], [sflag:$0x4], $0x1400, $0x38;
	[tilespmem:$0x1F400] =	vst v63  }
0x3f: {  	s18 =	rddreg [dreg:$0xd]  }
0x40: {  	[spmem:s18] =	stream.linear.scatter [tilespmem:s1], [sflag:$0x4], $0x1400, $0x38;
	[tilespmem:$0x1F400] =	vst v63  }
0x41: {  	s19 =	rddreg [dreg:$0xe]  }
0x42: {  	[spmem:s19] =	stream.linear.scatter [tilespmem:s1], [sflag:$0x4], $0x1400, $0x38;
	[tilespmem:$0x1F400] =	vst v63  }
0x43: {  	s20 =	rddreg [dreg:$0xf]  }
0x44: {  	[spmem:s20] =	stream.linear.scatter [tilespmem:s1], [sflag:$0x4], $0x1400, $0x38;
	[tilespmem:$0x1F400] =	vst v63  }
0x45: {  	s21 =	rddreg [dreg:$0x10]  }
0x46: {  	[spmem:s21] =	stream.linear.scatter [tilespmem:s1], [sflag:$0x4], $0x1400, $0x38;
	[tilespmem:$0x1F400] =	vst v63  }
0x47: {  	s22 =	rddreg [dreg:$0x11]  }
0x48: {  	[spmem:s22] =	stream.linear.scatter [tilespmem:s1], [sflag:$0x4], $0x1400, $0x38;
	[tilespmem:$0x1F400] =	vst v63  }
0x49: {  	s23 =	rddreg [dreg:$0x12]  }
0x4a: {  	[spmem:s23] =	stream.linear.scatter [tilespmem:s1], [sflag:$0x4], $0x1400, $0x38;
	[tilespmem:$0x1F400] =	vst v63  }
0x4b: {  	_ = 	snop  }
0x4c: {  	[spmem:s24] =	stream.linear.scatter [tilespmem:s1], [sflag:$0x4], $0x1400, $0x38;
	[tilespmem:$0x1F400] =	vst v63  }
0x4d: {  	_ = 	snop  }
0x4e: {  	[spmem:s25] =	stream.linear.scatter [tilespmem:s1], [sflag:$0x4], $0x1400, $0x38;
	[tilespmem:$0x1F400] =	vst v63  }
0x4f: {  	_ = 	snop  }
0x50: {  	[spmem:s26] =	stream.linear.scatter [tilespmem:s1], [sflag:$0x4], $0x1400, $0x38;
	[tilespmem:$0x1F400] =	vst v63  }
0x51: {  	_ = 	snop  }
0x52: {  	[spmem:s28] =	stream.linear.scatter [tilespmem:s1], [sflag:$0x4], $0x1400, $0x38;
	[tilespmem:$0x1F400] =	vst v63  }
0x53: {  	_ = 	snop  }
0x54: {  	[spmem:s29] =	stream.linear.scatter [tilespmem:s1], [sflag:$0x4], $0x1400, $0x38;
	[tilespmem:$0x1F400] =	vst v63  }
0x55: {  	_ = 	snop  }
0x56: {  	[spmem:s30] =	stream.linear.scatter [tilespmem:s1], [sflag:$0x4], $0x1400, $0x38;
	[tilespmem:$0x1F400] =	vst v63  }
0x57: {  	_ = 	snop  }
0x58: {  	[spmem:s31] =	stream.linear.scatter [tilespmem:s1], [sflag:$0x4], $0x1400, $0x38;
	[tilespmem:$0x1F400] =	vst v63  }
0x59: {  	_ =	swait.ge [sflag:s7], $0x800  }
0x5a: {  	[sflag:s7] =	ssyncset.done $0x0  }
0x5b: {  	[sflag:s7] =	ssyncadd.s32 $0xFFFFF800  }
0x5c: {  	_ =	swait.ge [sflag:s7], $0x800  }
0x5d: {  	[sflag:s7] =	ssyncset.done $0x0  }
0x5e: {  	[sflag:s7] =	ssyncadd.s32 $0xFFFFF800  }
0x5f: {  	_ =	swait.ge [sflag:s7], $0x800  }
0x60: {  	[sflag:s7] =	ssyncset.done $0x0  }
0x61: {  	[sflag:s7] =	ssyncadd.s32 $0xFFFFF800  }
0x62: {  	_ =	swait.ge [sflag:s7], $0x800  }
0x63: {  	[sflag:s7] =	ssyncset.done $0x0  }
0x64: {  	[sflag:s7] =	ssyncadd.s32 $0xFFFFF800  }
0x65: {  	[tilespmem:s10], [sflag:$0x1] =	stream.indirect.gather [hbm4b:s5+s9], $0x80, s4, s9, $0xb8;
	[tilespmem:$0x1F400] =	vst v63  }
0x66: {  	_ = 	snop  }
0x67: {  	[tilespmem:s11], [sflag:$0x2] =	stream.indirect.gather [hbm4b:s5+s9], $0x80, s9, s9, $0xb8;
	[tilespmem:$0x1F400] =	vst v63  }
0x68: {  	_ =	swait.ge [sflag:s12], $0x1400  }
0x69: {  	[sflag:s12] =	ssyncset.done $0x0  }
0x6a: {  	[sflag:s12] =	ssyncadd.s32 $0xFFFFEC00  }
0x6b: {  	_ =	swait.ge [sflag:s12], $0x1400  }
0x6c: {  	[sflag:s12] =	ssyncset.done $0x0  }
0x6d: {  	[sflag:s12] =	ssyncadd.s32 $0xFFFFEC00  }
0x6e: {  	_ =	swait.ge [sflag:s12], $0x1400  }
0x6f: {  	[sflag:s12] =	ssyncset.done $0x0  }
0x70: {  	[sflag:s12] =	ssyncadd.s32 $0xFFFFEC00  }
0x71: {  	_ =	swait.ge [sflag:s12], $0x1400  }
0x72: {  	[sflag:s12] =	ssyncset.done $0x0  }
0x73: {  	[sflag:s12] =	ssyncadd.s32 $0xFFFFEC00  }
0x74: {  	_ =	swait.ge [sflag:s12], $0x1400  }
0x75: {  	[sflag:s12] =	ssyncset.done $0x0  }
0x76: {  	[sflag:s12] =	ssyncadd.s32 $0xFFFFEC00  }
0x77: {  	_ =	swait.ge [sflag:s12], $0x1400  }
0x78: {  	[sflag:s12] =	ssyncset.done $0x0  }
0x79: {  	[sflag:s12] =	ssyncadd.s32 $0xFFFFEC00  }
0x7a: {  	_ =	swait.ge [sflag:s12], $0x1400  }
0x7b: {  	[sflag:s12] =	ssyncset.done $0x0  }
0x7c: {  	[sflag:s12] =	ssyncadd.s32 $0xFFFFEC00  }
0x7d: {  	_ =	swait.ge [sflag:s12], $0x1400  }
0x7e: {  	[sflag:s12] =	ssyncset.done $0x0  }
0x7f: {  	[sflag:s12] =	ssyncadd.s32 $0xFFFFEC00  }
0x80: {  	_ =	swait.ge [sflag:s12], $0x1400  }
0x81: {  	[sflag:s12] =	ssyncset.done $0x0  }
0x82: {  	[sflag:s12] =	ssyncadd.s32 $0xFFFFEC00  }
0x83: {  	_ =	swait.ge [sflag:s12], $0x1400  }
0x84: {  	[sflag:s12] =	ssyncset.done $0x0  }
0x85: {  	[sflag:s12] =	ssyncadd.s32 $0xFFFFEC00  }
0x86: {  	_ =	swait.ge [sflag:s12], $0x1400  }
0x87: {  	[sflag:s12] =	ssyncset.done $0x0  }
0x88: {  	[sflag:s12] =	ssyncadd.s32 $0xFFFFEC00  }
0x89: {  	_ =	swait.ge [sflag:s12], $0x1400  }
0x8a: {  	[sflag:s12] =	ssyncset.done $0x0  }
0x8b: {  	[sflag:s12] =	ssyncadd.s32 $0xFFFFEC00  }
0x8c: {  	_ =	swait.ge [sflag:s12], $0x1400  }
0x8d: {  	[sflag:s12] =	ssyncset.done $0x0  }
0x8e: {  	[sflag:s12] =	ssyncadd.s32 $0xFFFFEC00  }
0x8f: {  	_ =	swait.ge [sflag:s12], $0x1400  }
0x90: {  	[sflag:s12] =	ssyncset.done $0x0  }
0x91: {  	[sflag:s12] =	ssyncadd.s32 $0xFFFFEC00  }
0x92: {  	_ =	swait.ge [sflag:s12], $0x1400  }
0x93: {  	[sflag:s12] =	ssyncset.done $0x0  }
0x94: {  	[sflag:s12] =	ssyncadd.s32 $0xFFFFEC00  }
0x95: {  	_ =	swait.ge [sflag:s12], $0x1400  }
0x96: {  	[sflag:s12] =	ssyncset.done $0x0  }
0x97: {  	[sflag:s12] =	ssyncadd.s32 $0xFFFFEC00  }
0x98: {  	s17 =	simm.s32 $0x0;
	s18 =	simm.s32 $0x0;
	[bflag:$0x0] =	sbarrier.arrive $0xFFFF  }
.LBB2_2:
0x99: {  	s21 =	sand.u32 $0xE, s18  }
0x9a: {  	s20 =	smov.u32 s18;
	s18 =	sadd.s32 $0xFFFFFFFF, s18;
	p0 =	sne.s32 s21, $0x0  }
0x9b: {  	p1 =	sgt.u32 @!p0 s18, $0x3E  }
0x9c: {  	p0 =	por p1, p0  }
0x9d: {  	s18 =	sand.u32 @!p0 $0x3800, s17  }
0x9e: {  	s18 =	sadd.s32 @!p0 $0x800, s18  }
0x9f: {  	s19 =	sadd.s32 @!p0 s8, s18  }
0xa0: {  	s19 =	sshrl.u32 @!p0 s19, $0x3  }
0xa1: {  	s23 =	simm.s32 @!p0 $0x0;
	s18 =	sand.u32 @!p0 $0x800, s18;
	s22 =	sadd.s32 @!p0 s2, s19  }
0xa2: {  	[tilespmem:s18], [sflag:$0x3] =	stream.linear.gather @!p0 [hbm4b:s22+s23], $0x800, $0x38;
	[tilespmem:$0x1F400] =	vst v63  }
0xa3: {  	s19 =	sadd.s32 @!p0 s6, s19;
	s18 =	sor.u32 @!p0 $0x1000, s18  }
0xa4: {  	[tilespmem:s18], [sflag:$0x3] =	stream.linear.gather @!p0 [hbm4b:s19+s23], $0x800, $0x38;
	[tilespmem:$0x1F400] =	vst v63  }
0xa5: {  	s18 =	sadd.s32 $0x2, s20;
	s23 =	sadd.s32 $0xFFFFFFE2, s20  }
0xa6: {  	s19 =	sand.u32 $0xE, s18;
	p0 =	sgt.u32 s23, $0x2F  }
0xa7: {  	p1 =	sne.s32 @!p0 s19, $0x0  }
0xa8: {  	p0 =	por p1, p0  }
0xa9: {  	s22 =	simm.s32 @!p0 $0x3  }
0xaa: {  	_ =	swait.ge @!p0 [sflag:s22], $0x800  }
0xab: {  	[sflag:s22] =	ssyncset.done @!p0 $0x0  }
0xac: {  	[sflag:s22] =	ssyncadd.s32 @!p0 $0xFFFFF800  }
0xad: {  	_ =	swait.ge @!p0 [sflag:s22], $0x800  }
0xae: {  	[sflag:s22] =	ssyncset.done @!p0 $0x0  }
0xaf: {  	[sflag:s22] =	ssyncadd.s32 @!p0 $0xFFFFF800  }
0xb0: {  	s21 =	sshll.u32 s21, $0x7;
	s23 =	sand.u32 $0x800, s17;
	_ =	swait.ge [sflag:s14], $0x4000  }
0xb1: {  	s21 =	sor.u32 s21, s23;
	p0 =	seq.s32 s20, $0x4E;
	[sflag:s14] =	ssyncset.done $0x0  }
.Ltmp2:
0xb2: {  	s21 =	sor.u32 $0x1000, s21;
	[sflag:s14] =	ssyncadd.s32 $0xFFFFC000;
	(pc) =	sbr.rel @p0 .LBB2_4-.Ltmp2, $4  }
0xb3: {  	[spmem:s3] =	stream.indirect.scatter.add.f32 [tilespmem:s10], [sflag:$0x5], $0x80, s21, s9, $0xb8;
	[tilespmem:$0x1F400] =	vst v63  }
0xb4: {  	_ =	swait.ge [sflag:s0], $0x4000  }
0xb5: {  	[sflag:s0] =	ssyncset.done $0x0  }
0xb6: {  	s20 =	sadd.s32 $0x80, s21;
	[sflag:s0] =	ssyncadd.s32 $0xFFFFC000  }
0xb7: {  	s21 =	sadd.s32 $0x100, s17  }
0xb8: {  	s19 =	sshll.u32 s19, $0x7;
	s22 =	sand.u32 $0x800, s21  }
0xb9: {  	s19 =	sor.u32 s19, s22  }
0xba: {  	[tilespmem:s10], [sflag:$0x1] =	stream.indirect.gather [hbm4b:s5+s9], $0x80, s19, s9, $0xb8;
	[tilespmem:$0x1F400] =	vst v63  }
0xbb: {  	_ =	swait.ge [sflag:s15], $0x4000  }
0xbc: {  	[sflag:s15] =	ssyncset.done $0x0  }
0xbd: {  	[sflag:s15] =	ssyncadd.s32 $0xFFFFC000  }
0xbe: {  	[spmem:s3] =	stream.indirect.scatter.add.f32 [tilespmem:s11], [sflag:$0x5], $0x80, s20, s9, $0xb8;
	[tilespmem:$0x1F400] =	vst v63  }
.Ltmp3:
0xbf: {  	_ =	swait.ge [sflag:s0], $0x4000;
	(pc) =	sbr.rel .LBB2_2-.Ltmp3, $4  }
0xc0: {  	s23 =	sadd.s32 $0x180, s17;
	[sflag:s0] =	ssyncset.done $0x0  }
0xc1: {  	s17 =	sand.u32 $0xF80, s23;
	[sflag:s0] =	ssyncadd.s32 $0xFFFFC000  }
0xc2: {  	[tilespmem:s11], [sflag:$0x2] =	stream.indirect.gather [hbm4b:s5+s9], $0x80, s17, s9, $0xb8;
	[tilespmem:$0x1F400] =	vst v63  }
0xc3: {  	s17 =	smov.u32 s21  }
.LBB2_5:
0xc4: {  	_ =	sfence.sel $0x180000  }
0xc5: {  	[bflag:$0x0] =	sbarrier.arrive $0xFFFF  }
0xc6: {  	_ =	strace $0x90000047  }
0xc7: {  	s0 =	stileid.u32;
	[bflag:$0x2] =	sbarrier.arrive $0xFFFF  }
0xc8: {  	p0 =	sne.s32 s0, $0x0;
	s0 =	rddreg [dreg:$0x3]  }
0xc9: {  	s0 =	sadd.s32 @!p0 $0x100000, s0  }
0xca: {  	[sflag:s0] =	ssyncadd.tile.s32 @!p0 $0x1;
	_ =	shalt  }
.Lfunc_end2:
_tile_overlayer_lowered:
.L_overlay_start_2:
0xcb: {  	(tag) =	ssettag $0x2  }
0xcc: {  	s0 =	rddreg [dreg:$0x0];
	s2 =	stileid.u32  }
0xcd: {  	s1 =	rddreg [dreg:$0x1];
	p0 =	sne.s32 s2, $0x0  }
0xce: {  	s3 =	rddreg [dreg:$0x2];
	[bflag:$0x3] =	sbarrier.arrive $0xFFFF;
	s2 =	simm.s32 @!p0 $0x1C05  }
0xcf: {  	[timem:s3], [sflag:s2] =	dma.local @!p0 [hbm:s0], s1  }
0xd0: {  	s0 =	simm.s32 @!p0 $0x5  }
0xd1: {  	_ =	swait.ge @!p0 [sflag:s0], s1  }
0xd2: {  	s1 =	ssub.s32 @!p0 $0x0, s1;
	[sflag:s0] =	ssyncset.done @!p0 $0x0  }
0xd3: {  	[sflag:s0] =	ssyncadd.s32 @!p0 s1  }
0xd4: {  	[bflag:$0x3] =	sbarrier.arrive $0xFFFF  }
0xd5: {  	_ =	shalt  }

</sc_bundles>
